<compile_context>
chip_gen: v7x
topology: tpu7x:2x2x1
jax: 0.10.2.dev20260603
libtpu: 0.0.44.dev20260713+nightly
codegen_flags: <defaults>
</compile_context>

<pallas_src>
import functools

import jax
import jax.numpy as jnp
from jax import lax
from jax.experimental import pallas as pl
from jax.experimental.pallas import tpu as pltpu
from jax.experimental.pallas import tpu_sc as plsc

_N = 100000
_E = 1600000
_G = 64
_NBLK = 512
_C = 2048
_KC = 128
_F = 128

_NC, _NS = 2, 16
_NW = _NC * _NS

_ETOT = _E + _N
_EPAD = ((_ETOT + _NW * _KC * 16 - 1) // (_NW * _KC * 16)) * (_NW * _KC * 16)
_NB = (_N + _NBLK - 1) // _NBLK


def _dense_body(h_ref, w_ref, z_ref):
    z_ref[...] = jnp.dot(h_ref[...], w_ref[...],
                         preferred_element_type=jnp.float32)


def _dense(h, W):
    fin = h.shape[1]
    return pl.pallas_call(
        _dense_body,
        grid=(_NB,),
        in_specs=[
            pl.BlockSpec((_NBLK, fin), lambda n: (n, 0)),
            pl.BlockSpec((fin, 128), lambda n: (0, 0)),
        ],
        out_specs=pl.BlockSpec((_NBLK, 128), lambda n: (n, 0)),
        out_shape=jax.ShapeDtypeStruct((_N, 128), jnp.float32),
    )(h, W)


_B_PER_W = _EPAD // _NW
_SC_ITERS = _B_PER_W // _KC
_SC_FIRE = 4
_SC_MITERS = _SC_ITERS // _SC_FIRE


def _sc_gather_body(table_hbm, idx_hbm, out_hbm, idx_v, rows_v, sem, osem):
    wid = lax.axis_index("s") * _NC + lax.axis_index("c")
    base = wid * _SC_ITERS
    pltpu.sync_copy(idx_hbm.at[pl.ds(base, _SC_ITERS), :], idx_v)

    def body(i, carry):
        cps = [
            pltpu.make_async_copy(
                table_hbm.at[idx_v.at[i * _SC_FIRE + j]],
                rows_v.at[pl.ds(j * _KC, _KC), :], sem)
            for j in range(_SC_FIRE)
        ]
        for cp in cps:
            cp.start()
        for cp in cps:
            cp.wait()
        ocp = pltpu.make_async_copy(
            rows_v, out_hbm.at[pl.ds((base + i * _SC_FIRE) * _KC,
                                     _SC_FIRE * _KC), :], osem)
        ocp.start()
        ocp.wait()
        return carry

    lax.fori_loop(0, _SC_MITERS, body, 0)


@functools.cache
def _get_sc_gather():
    return functools.partial(
        pl.kernel,
        mesh=plsc.VectorSubcoreMesh(core_axis_name="c", subcore_axis_name="s",
                                    num_cores=_NC, num_subcores=_NS),
        out_type=jax.ShapeDtypeStruct((_EPAD, _F), jnp.float32),
        scratch_types=[
            pltpu.VMEM((_SC_ITERS, _KC), jnp.int32),
            pltpu.VMEM((_SC_FIRE * _KC, _F), jnp.float32),
            pltpu.SemaphoreType.DMA,
            pltpu.SemaphoreType.DMA,
        ],
    )(_sc_gather_body)


def _edge_body(lo_ref, hi_ref, tg_ref, dst_ref, z_ref, as_ref, ad_ref,
               b_ref, g_ref, be_ref, out_ref, tbufa, dbufa, tbufb, dbufb,
               sem1a, sem2a, sem1b, sem2b, *, H):
    n = pl.program_id(0)
    base = n * _NBLK
    lo = lo_ref[n]
    hi = hi_ref[n]
    c0 = lo // _C
    c1 = (hi + _C - 1) // _C
    cw = 128 // H

    rvalid = (lax.broadcasted_iota(jnp.int32, (_NBLK, 128), 0) + base) < _N
    z_blk = jnp.where(rvalid, z_ref[...], 0.0)
    adv = ad_ref[...]
    asv = as_ref[...]
    zd = z_blk * adv
    ed_blk = jnp.concatenate(
        [jnp.sum(zd[:, i * cw:(i + 1) * cw], axis=1, keepdims=True)
         for i in range(H)], axis=1)

    def start_copy(c, tb, db, st, sd):
        pltpu.make_async_copy(tg_ref.at[pl.ds(c * _C, _C), :], tb, st).start()
        pltpu.make_async_copy(dst_ref.at[pl.ds(c * _C, _C), :], db, sd).start()

    def wait_copy(c, tb, db, st, sd):
        pltpu.make_async_copy(tg_ref.at[pl.ds(c * _C, _C), :], tb, st).wait()
        pltpu.make_async_copy(dst_ref.at[pl.ds(c * _C, _C), :], db, sd).wait()

    def delta(tb, db):
        dl = db[...] - base
        oh = (dl == lax.broadcasted_iota(jnp.int32, (_C, _NBLK), 1)
              ).astype(jnp.float32)
        ed_e = jnp.dot(oh, ed_blk, preferred_element_type=jnp.float32)
        t = tb[...]
        ts = t * asv
        es_e = jnp.concatenate(
            [jnp.sum(ts[:, i * cw:(i + 1) * cw], axis=1, keepdims=True)
             for i in range(H)], axis=1)
        e = es_e + ed_e
        e = jnp.where(e >= 0, e, 0.2 * e)
        w = jnp.exp(e)
        parts = [t[:, i * cw:(i + 1) * cw] * w[:, i:i + 1]
                 for i in range(H)]
        v = jnp.concatenate(parts + [w], axis=1)
        return lax.dot_general(oh, v, (((0,), (0,)), ((), ())),
                               preferred_element_type=jnp.float32)

    bufs_a = (tbufa, dbufa, sem1a, sem2a)
    bufs_b = (tbufb, dbufb, sem1b, sem2b)

    start_copy(c0, *bufs_a)

    def chunk2(m, acc):
        ca = c0 + 2 * m
        cb = ca + 1

        @pl.when(cb < c1)
        def _():
            start_copy(cb, *bufs_b)

        wait_copy(ca, *bufs_a)
        acc = acc + delta(tbufa, dbufa)

        @pl.when(ca + 2 < c1)
        def _():
            start_copy(ca + 2, *bufs_a)

        @pl.when(cb < c1)
        def _():
            wait_copy(cb, *bufs_b)
        acc = acc + jnp.where(cb < c1, delta(tbufb, dbufb), 0.0)
        return acc

    acc0 = jnp.zeros((_NBLK, 128 + H), jnp.float32)
    nm = (c1 - c0 + 1) // 2
    acc = lax.fori_loop(0, nm, chunk2, acc0)
    den = acc[:, 128:]
    outs = [acc[:, i * cw:(i + 1) * cw] / (den[:, i:i + 1] + 1e-16)
            for i in range(H)]
    o = jnp.concatenate(outs, axis=1) + b_ref[...]
    mu = jnp.mean(o, axis=1, keepdims=True)
    var = jnp.mean((o - mu) ** 2, axis=1, keepdims=True)
    o = (o - mu) / jnp.sqrt(var + 1e-5) * g_ref[...] + be_ref[...]
    out_ref[...] = jnp.maximum(o, 0.0)


def _edge(Zg, dstp, Z, lo, hi, a_s, a_d, b, g, be, H):
    return pl.pallas_call(
        functools.partial(_edge_body, H=H),
        grid=(_NB,),
        in_specs=[
            pl.BlockSpec(memory_space=pltpu.MemorySpace.SMEM),
            pl.BlockSpec(memory_space=pltpu.MemorySpace.SMEM),
            pl.BlockSpec(memory_space=pl.ANY),
            pl.BlockSpec(memory_space=pl.ANY),
            pl.BlockSpec((_NBLK, 128), lambda n: (n, 0)),
            pl.BlockSpec((1, 128), lambda n: (0, 0)),
            pl.BlockSpec((1, 128), lambda n: (0, 0)),
            pl.BlockSpec((1, 128), lambda n: (0, 0)),
            pl.BlockSpec((1, 128), lambda n: (0, 0)),
            pl.BlockSpec((1, 128), lambda n: (0, 0)),
        ],
        out_specs=pl.BlockSpec((_NBLK, 128), lambda n: (n, 0)),
        out_shape=jax.ShapeDtypeStruct((_N, 128), jnp.float32),
        scratch_shapes=[
            pltpu.VMEM((_C, _F), jnp.float32),
            pltpu.VMEM((_C, 1), jnp.int32),
            pltpu.VMEM((_C, _F), jnp.float32),
            pltpu.VMEM((_C, 1), jnp.int32),
            pltpu.SemaphoreType.DMA,
            pltpu.SemaphoreType.DMA,
            pltpu.SemaphoreType.DMA,
            pltpu.SemaphoreType.DMA,
        ],
    )(lo, hi, Zg, dstp, Z, a_s.reshape(1, 128), a_d.reshape(1, 128),
      b.reshape(1, 128), g.reshape(1, 128), be.reshape(1, 128))


_PC = 2048
_PNB = (_N + _PC - 1) // _PC


def _pool_body(h_ref, bat_ref, out_ref, acc):
    n = pl.program_id(0)

    @pl.when(n == 0)
    def _():
        acc[...] = jnp.zeros_like(acc)

    rid = lax.broadcasted_iota(jnp.int32, (_PC, 1), 0) + n * _PC
    mask = rid < _N
    bat = bat_ref[...]
    oh = ((bat == lax.broadcasted_iota(jnp.int32, (_PC, _G), 1)) & mask
          ).astype(jnp.float32)
    ones = jnp.ones((_PC, 1), jnp.float32)
    hsafe = jnp.where(mask, h_ref[...], 0.0)
    v = jnp.concatenate([hsafe, ones], axis=1)
    acc[...] += lax.dot_general(oh, v, (((0,), (0,)), ((), ())),
                                preferred_element_type=jnp.float32)

    @pl.when(n == _PNB - 1)
    def _():
        cnt = jnp.maximum(acc[:, 128:129], 1.0)
        out_ref[...] = acc[:, :128] / cnt


def _pool(h, bat):
    return pl.pallas_call(
        _pool_body,
        grid=(_PNB,),
        in_specs=[
            pl.BlockSpec((_PC, 128), lambda n: (n, 0)),
            pl.BlockSpec((_PC, 1), lambda n: (n, 0)),
        ],
        out_specs=pl.BlockSpec((_G, 128), lambda n: (0, 0)),
        out_shape=jax.ShapeDtypeStruct((_G, 128), jnp.float32),
        scratch_shapes=[pltpu.VMEM((_G, 129), jnp.float32)],
    )(h, bat)


def kernel(x, edge_index, batch, W0, a0s, a0d, b0, g0, be0,
           W1, a1s, a1d, b1, g1, be1, W2, a2s, a2d, b2, g2, be2):
    sl = jnp.arange(_N, dtype=edge_index.dtype)
    src = jnp.concatenate([edge_index[0], sl])
    dst = jnp.concatenate([edge_index[1], sl])
    ds, ss = lax.sort((dst, src), num_keys=1)
    npad = _EPAD - _ETOT
    ds_p = jnp.concatenate([ds, jnp.full((npad,), _N, ds.dtype)])
    ss_p = jnp.concatenate([ss, jnp.zeros((npad,), ss.dtype)])
    bounds = jnp.searchsorted(ds_p, jnp.arange(_NB + 1, dtype=jnp.int32) * _NBLK)
    lo = bounds[:-1].astype(jnp.int32)
    hi = bounds[1:].astype(jnp.int32)
    dstp = ds_p.reshape(_EPAD, 1)

    def layer(h, W, a_s, a_d, b, g, be, H):
        Z = _dense(h, W)
        Zg = _get_sc_gather()(Z, ss_p.reshape(_EPAD // _KC, _KC))
        return _edge(Zg, dstp, Z, lo, hi, a_s, a_d, b, g, be, H)

    h = layer(x, W0, a0s, a0d, b0, g0, be0, 4)
    h = layer(h, W1, a1s, a1d, b1, g1, be1, 4)
    h = layer(h, W2, a2s, a2d, b2, g2, be2, 1)
    return _pool(h, batch.reshape(_N, 1))

# --- scband reference (transcript-rebuilt; emitter-appended) ---
"""Pipeline reference for scband-keypoint-gnn-37460704756040 (READ-ONLY COPY).

The authoritative reference and input builder live on the scoring server;
editing this copy changes nothing except your own understanding.
"""

import jax, jax.numpy as jnp
import numpy as np

N = 100000
E = 1600000
G = 64


def _gat(x, W, a_s, a_d, b, src, dst, n, h, c, concat):
    z = (x @ W).reshape(n, h, c)
    es = jnp.sum(z * a_s, axis=-1)
    ed = jnp.sum(z * a_d, axis=-1)
    e = jax.nn.leaky_relu(es[src] + ed[dst], negative_slope=0.2)
    m = jax.lax.stop_gradient(jax.ops.segment_max(e, dst, num_segments=n))
    m = jnp.where(jnp.isfinite(m), m, 0.0)
    ex = jnp.exp(e - m[dst])
    s = jax.ops.segment_sum(ex, dst, num_segments=n)
    alpha = ex / (s[dst] + 1e-16)
    out = jax.ops.segment_sum(alpha[:, :, None] * z[src], dst, num_segments=n)
    out = out.reshape(n, h * c) if concat else out.mean(axis=1)
    return out + b


def _ln(x, g, b, eps=1e-5):
    mu = x.mean(axis=-1, keepdims=True)
    var = jnp.mean((x - mu) ** 2, axis=-1, keepdims=True)
    return (x - mu) / jnp.sqrt(var + eps) * g + b


def setup_inputs(seed: int = 0):
    key = jax.random.key(seed)
    ks = jax.random.split(key, 24)
    x = jax.random.normal(ks[0], (N, 4), dtype=jnp.float32)
    edge_index = jax.random.randint(ks[1], (2, E), 0, N, dtype=jnp.int32)
    batch = jnp.sort(jax.random.randint(ks[2], (N,), 0, G, dtype=jnp.int32))
    p = lambda k, shape: (jax.random.normal(ks[k], shape, dtype=jnp.float32) * 0.1)
    inp = {
        "x": x, "edge_index": edge_index, "batch": batch,
        "W0": p(3, (4, 128)), "a0s": p(4, (1, 4, 32)), "a0d": p(5, (1, 4, 32)), "b0": jnp.zeros((128,), jnp.float32),
        "g0": jnp.ones((128,), jnp.float32), "be0": jnp.zeros((128,), jnp.float32),
        "W1": p(6, (128, 128)), "a1s": p(7, (1, 4, 32)), "a1d": p(8, (1, 4, 32)), "b1": jnp.zeros((128,), jnp.float32),
        "g1": jnp.ones((128,), jnp.float32), "be1": jnp.zeros((128,), jnp.float32),
        "W2": p(9, (128, 128)), "a2s": p(10, (1, 1, 128)), "a2d": p(11, (1, 1, 128)), "b2": jnp.zeros((128,), jnp.float32),
        "g2": jnp.ones((128,), jnp.float32), "be2": jnp.zeros((128,), jnp.float32),
    }
    return inp


def reference(x, edge_index, batch, W0, a0s, a0d, b0, g0, be0, W1, a1s, a1d, b1, g1, be1, W2, a2s, a2d, b2, g2, be2):
    # add self-loops (PyG GATConv default add_self_loops=True)
    sl = jnp.arange(N, dtype=edge_index.dtype)
    src = jnp.concatenate([edge_index[0], sl])
    dst = jnp.concatenate([edge_index[1], sl])
    h = _gat(x, W0, a0s, a0d, b0, src, dst, N, 4, 32, True)
    h = jax.nn.relu(_ln(h, g0, be0))
    h = _gat(h, W1, a1s, a1d, b1, src, dst, N, 4, 32, True)
    h = jax.nn.relu(_ln(h, g1, be1))
    h = _gat(h, W2, a2s, a2d, b2, src, dst, N, 1, 128, False)
    h = jax.nn.relu(_ln(h, g2, be2))
    sums = jax.ops.segment_sum(h, batch, num_segments=G)
    counts = jax.ops.segment_sum(jnp.ones((N,), jnp.float32), batch, num_segments=G)
    return sums / jnp.maximum(counts, 1.0)[:, None]

if __name__ == "__main__":
    import jax
    _d = setup_inputs()
    print(jax.jit(kernel)(*tuple(_d.values())))

</pallas_src>

<mosaic_0001>
#map = affine_map<(d0, d1) -> (0, 0)>
module attributes {stable_mosaic.version = 14 : i64} {
  func.func @_sc_gather_body(%arg0: i32, %arg1: i32, %arg2: memref<100000x128xf32, #tpu.memory_space<hbm>>, %arg3: memref<13312x128xi32, #tpu.memory_space<hbm>>, %arg4: memref<1703936x128xf32, #tpu.memory_space<hbm>>, %arg5: memref<416x128xi32, #tpu.memory_space<vmem>>, %arg6: memref<512x128xf32, #tpu.memory_space<vmem>>, %arg7: memref<!tpu.dma_semaphore, #tpu.memory_space<semaphore_mem>>, %arg8: memref<!tpu.dma_semaphore, #tpu.memory_space<semaphore_mem>>) attributes {dimension_semantics = [#tpu.dimension_semantics<core_parallel>, #tpu.dimension_semantics<subcore_parallel>], iteration_bounds = array<i64: 2, 16>, scalar_prefetch = 0 : i64, scratch_operands = 4 : i64, tpu.core_type = #tpu.core_type<sc_vector_subcore>, window_params = [{transform_indices = #map}, {transform_indices = #map}, {transform_indices = #map}]} {
    %mul3A = arith.constant 2 : i32
    %mul3A_0 = arith.muli %arg1, %mul3A : i32
    %add3A = arith.addi %mul3A_0, %arg0 : i32
    %mul3A_1 = arith.constant 416 : i32
    %mul3A_2 = arith.muli %add3A, %mul3A_1 : i32
    "tpu.region"() ({
      %run_scoped3A = tpu.sem_alloc : memref<!tpu.dma_semaphore, #tpu.memory_space<semaphore_mem>>
      %dma_start3A = arith.constant 0 : i32
      %dma_start3A_8 = tpu.memref_slice %arg3[%mul3A_2, %dma_start3A] : memref<13312x128xi32, #tpu.memory_space<hbm>> -> memref<416x128xi32, #tpu.memory_space<hbm>>
      %dma_start3A_9 = arith.constant 0 : i32
      %dma_start3A_10 = tpu.memref_slice %arg3[%mul3A_2, %dma_start3A_9] : memref<13312x128xi32, #tpu.memory_space<hbm>> -> memref<416x128xi32, #tpu.memory_space<hbm>>
      tpu.enqueue_dma source(%dma_start3A_10 : memref<416x128xi32, #tpu.memory_space<hbm>>) target(%arg5 : memref<416x128xi32, #tpu.memory_space<vmem>>) target_semaphore(%run_scoped3A : memref<!tpu.dma_semaphore, #tpu.memory_space<semaphore_mem>>)
      %dma_wait3A = arith.constant 0 : i32
      %dma_wait3A_11 = tpu.memref_slice %arg3[%mul3A_2, %dma_wait3A] : memref<13312x128xi32, #tpu.memory_space<hbm>> -> memref<416x128xi32, #tpu.memory_space<hbm>>
      %dma_wait3A_12 = arith.constant 0 : i32
      %dma_wait3A_13 = tpu.memref_slice %arg3[%mul3A_2, %dma_wait3A_12] : memref<13312x128xi32, #tpu.memory_space<hbm>> -> memref<416x128xi32, #tpu.memory_space<hbm>>
      tpu.wait_dma2 semaphore(%run_scoped3A : memref<!tpu.dma_semaphore, #tpu.memory_space<semaphore_mem>>) src(%dma_wait3A_13 : memref<416x128xi32, #tpu.memory_space<hbm>>) dst(%arg5 : memref<416x128xi32, #tpu.memory_space<vmem>>)
      tpu.yield
    }) : () -> ()
    %scan3A = arith.constant 0 : i32
    %scan3A_3 = arith.constant 0 : i32
    %scan3A_4 = arith.constant 104 : i32
    %scan3A_5 = arith.addi %scan3A_3, %scan3A_4 : i32
    %scan3A_6 = arith.constant 1 : i32
    scf.for %scan3A_8 = %scan3A_3 to %scan3A_5 step %scan3A_6  : i32 {
      %mul3A_9 = arith.constant 4 : i32
      %mul3A_10 = arith.muli %scan3A_8, %mul3A_9 : i32
      %add3A_11 = arith.constant 0 : i32
      %add3A_12 = arith.addi %mul3A_10, %add3A_11 : i32
      %mul3A_13 = arith.constant 4 : i32
      %mul3A_14 = arith.muli %scan3A_8, %mul3A_13 : i32
      %add3A_15 = arith.constant 1 : i32
      %add3A_16 = arith.addi %mul3A_14, %add3A_15 : i32
      %mul3A_17 = arith.constant 4 : i32
      %mul3A_18 = arith.muli %scan3A_8, %mul3A_17 : i32
      %add3A_19 = arith.constant 2 : i32
      %add3A_20 = arith.addi %mul3A_18, %add3A_19 : i32
      %mul3A_21 = arith.constant 4 : i32
      %mul3A_22 = arith.muli %scan3A_8, %mul3A_21 : i32
      %add3A_23 = arith.constant 3 : i32
      %add3A_24 = arith.addi %mul3A_22, %add3A_23 : i32
      %dma_start3A = arith.constant 0 : i32
      %dma_start3A_25 = arith.constant 0 : i32
      %dma_start3A_26 = tpu.memref_slice %arg6[%dma_start3A, %dma_start3A_25] : memref<512x128xf32, #tpu.memory_space<vmem>> -> memref<128x128xf32, #tpu.memory_space<vmem>>
      %dma_start3A_27 = arith.constant 0 : i32
      %dma_start3A_28 = tpu.memref_slice %arg5[%add3A_12, %dma_start3A_27] : memref<416x128xi32, #tpu.memory_space<vmem>> -> memref<1x128xi32, #tpu.memory_space<vmem>>
      %dma_start3A_29 = tpu.memref_squeeze %dma_start3A_28 : memref<1x128xi32, #tpu.memory_space<vmem>> -> memref<128xi32, #tpu.memory_space<vmem>>
      %dma_start3A_30 = arith.constant 0 : i32
      %dma_start3A_31 = arith.constant 0 : i32
      %dma_start3A_32 = tpu.memref_slice %arg2[%dma_start3A_30, %dma_start3A_31] : memref<100000x128xf32, #tpu.memory_space<hbm>> -> memref<100000x128xf32, #tpu.memory_space<hbm>>
      tpu.enqueue_indirect_dma source(%dma_start3A_32 : memref<100000x128xf32, #tpu.memory_space<hbm>>) target(%dma_start3A_26 : memref<128x128xf32, #tpu.memory_space<vmem>>) offsets(%dma_start3A_29 : memref<128xi32, #tpu.memory_space<vmem>>) semaphore(%arg7 : memref<!tpu.dma_semaphore, #tpu.memory_space<semaphore_mem>>)
      %dma_start3A_33 = arith.constant 128 : i32
      %dma_start3A_34 = arith.constant 0 : i32
      %dma_start3A_35 = tpu.memref_slice %arg6[%dma_start3A_33, %dma_start3A_34] : memref<512x128xf32, #tpu.memory_space<vmem>> -> memref<128x128xf32, #tpu.memory_space<vmem>>
      %dma_start3A_36 = arith.constant 0 : i32
      %dma_start3A_37 = tpu.memref_slice %arg5[%add3A_16, %dma_start3A_36] : memref<416x128xi32, #tpu.memory_space<vmem>> -> memref<1x128xi32, #tpu.memory_space<vmem>>
      %dma_start3A_38 = tpu.memref_squeeze %dma_start3A_37 : memref<1x128xi32, #tpu.memory_space<vmem>> -> memref<128xi32, #tpu.memory_space<vmem>>
      %dma_start3A_39 = arith.constant 0 : i32
      %dma_start3A_40 = arith.constant 0 : i32
      %dma_start3A_41 = tpu.memref_slice %arg2[%dma_start3A_39, %dma_start3A_40] : memref<100000x128xf32, #tpu.memory_space<hbm>> -> memref<100000x128xf32, #tpu.memory_space<hbm>>
      tpu.enqueue_indirect_dma source(%dma_start3A_41 : memref<100000x128xf32, #tpu.memory_space<hbm>>) target(%dma_start3A_35 : memref<128x128xf32, #tpu.memory_space<vmem>>) offsets(%dma_start3A_38 : memref<128xi32, #tpu.memory_space<vmem>>) semaphore(%arg7 : memref<!tpu.dma_semaphore, #tpu.memory_space<semaphore_mem>>)
      %dma_start3A_42 = arith.constant 256 : i32
      %dma_start3A_43 = arith.constant 0 : i32
      %dma_start3A_44 = tpu.memref_slice %arg6[%dma_start3A_42, %dma_start3A_43] : memref<512x128xf32, #tpu.memory_space<vmem>> -> memref<128x128xf32, #tpu.memory_space<vmem>>
      %dma_start3A_45 = arith.constant 0 : i32
      %dma_start3A_46 = tpu.memref_slice %arg5[%add3A_20, %dma_start3A_45] : memref<416x128xi32, #tpu.memory_space<vmem>> -> memref<1x128xi32, #tpu.memory_space<vmem>>
      %dma_start3A_47 = tpu.memref_squeeze %dma_start3A_46 : memref<1x128xi32, #tpu.memory_space<vmem>> -> memref<128xi32, #tpu.memory_space<vmem>>
      %dma_start3A_48 = arith.constant 0 : i32
      %dma_start3A_49 = arith.constant 0 : i32
      %dma_start3A_50 = tpu.memref_slice %arg2[%dma_start3A_48, %dma_start3A_49] : memref<100000x128xf32, #tpu.memory_space<hbm>> -> memref<100000x128xf32, #tpu.memory_space<hbm>>
      tpu.enqueue_indirect_dma source(%dma_start3A_50 : memref<100000x128xf32, #tpu.memory_space<hbm>>) target(%dma_start3A_44 : memref<128x128xf32, #tpu.memory_space<vmem>>) offsets(%dma_start3A_47 : memref<128xi32, #tpu.memory_space<vmem>>) semaphore(%arg7 : memref<!tpu.dma_semaphore, #tpu.memory_space<semaphore_mem>>)
      %dma_start3A_51 = arith.constant 384 : i32
      %dma_start3A_52 = arith.constant 0 : i32
      %dma_start3A_53 = tpu.memref_slice %arg6[%dma_start3A_51, %dma_start3A_52] : memref<512x128xf32, #tpu.memory_space<vmem>> -> memref<128x128xf32, #tpu.memory_space<vmem>>
      %dma_start3A_54 = arith.constant 0 : i32
      %dma_start3A_55 = tpu.memref_slice %arg5[%add3A_24, %dma_start3A_54] : memref<416x128xi32, #tpu.memory_space<vmem>> -> memref<1x128xi32, #tpu.memory_space<vmem>>
      %dma_start3A_56 = tpu.memref_squeeze %dma_start3A_55 : memref<1x128xi32, #tpu.memory_space<vmem>> -> memref<128xi32, #tpu.memory_space<vmem>>
      %dma_start3A_57 = arith.constant 0 : i32
      %dma_start3A_58 = arith.constant 0 : i32
      %dma_start3A_59 = tpu.memref_slice %arg2[%dma_start3A_57, %dma_start3A_58] : memref<100000x128xf32, #tpu.memory_space<hbm>> -> memref<100000x128xf32, #tpu.memory_space<hbm>>
      tpu.enqueue_indirect_dma source(%dma_start3A_59 : memref<100000x128xf32, #tpu.memory_space<hbm>>) target(%dma_start3A_53 : memref<128x128xf32, #tpu.memory_space<vmem>>) offsets(%dma_start3A_56 : memref<128xi32, #tpu.memory_space<vmem>>) semaphore(%arg7 : memref<!tpu.dma_semaphore, #tpu.memory_space<semaphore_mem>>)
      %dma_wait3A = arith.constant 0 : i32
      %dma_wait3A_60 = arith.constant 0 : i32
      %dma_wait3A_61 = tpu.memref_slice %arg6[%dma_wait3A, %dma_wait3A_60] : memref<512x128xf32, #tpu.memory_space<vmem>> -> memref<128x128xf32, #tpu.memory_space<vmem>>
      %dma_wait3A_62 = arith.constant 0 : i32
      %dma_wait3A_63 = tpu.memref_slice %arg5[%add3A_12, %dma_wait3A_62] : memref<416x128xi32, #tpu.memory_space<vmem>> -> memref<1x128xi32, #tpu.memory_space<vmem>>
      %dma_wait3A_64 = tpu.memref_squeeze %dma_wait3A_63 : memref<1x128xi32, #tpu.memory_space<vmem>> -> memref<128xi32, #tpu.memory_space<vmem>>
      %dma_wait3A_65 = arith.constant 0 : i32
      %dma_wait3A_66 = arith.constant 0 : i32
      %dma_wait3A_67 = tpu.memref_slice %arg2[%dma_wait3A_65, %dma_wait3A_66] : memref<100000x128xf32, #tpu.memory_space<hbm>> -> memref<100000x128xf32, #tpu.memory_space<hbm>>
      tpu.wait_indirect_dma semaphore(%arg7 : memref<!tpu.dma_semaphore, #tpu.memory_space<semaphore_mem>>) src(%dma_wait3A_67 : memref<100000x128xf32, #tpu.memory_space<hbm>>) dst(%dma_wait3A_61 : memref<128x128xf32, #tpu.memory_space<vmem>>)
      %dma_wait3A_68 = arith.constant 128 : i32
      %dma_wait3A_69 = arith.constant 0 : i32
      %dma_wait3A_70 = tpu.memref_slice %arg6[%dma_wait3A_68, %dma_wait3A_69] : memref<512x128xf32, #tpu.memory_space<vmem>> -> memref<128x128xf32, #tpu.memory_space<vmem>>
      %dma_wait3A_71 = arith.constant 0 : i32
      %dma_wait3A_72 = tpu.memref_slice %arg5[%add3A_16, %dma_wait3A_71] : memref<416x128xi32, #tpu.memory_space<vmem>> -> memref<1x128xi32, #tpu.memory_space<vmem>>
      %dma_wait3A_73 = tpu.memref_squeeze %dma_wait3A_72 : memref<1x128xi32, #tpu.memory_space<vmem>> -> memref<128xi32, #tpu.memory_space<vmem>>
      %dma_wait3A_74 = arith.constant 0 : i32
      %dma_wait3A_75 = arith.constant 0 : i32
      %dma_wait3A_76 = tpu.memref_slice %arg2[%dma_wait3A_74, %dma_wait3A_75] : memref<100000x128xf32, #tpu.memory_space<hbm>> -> memref<100000x128xf32, #tpu.memory_space<hbm>>
      tpu.wait_indirect_dma semaphore(%arg7 : memref<!tpu.dma_semaphore, #tpu.memory_space<semaphore_mem>>) src(%dma_wait3A_76 : memref<100000x128xf32, #tpu.memory_space<hbm>>) dst(%dma_wait3A_70 : memref<128x128xf32, #tpu.memory_space<vmem>>)
      %dma_wait3A_77 = arith.constant 256 : i32
      %dma_wait3A_78 = arith.constant 0 : i32
      %dma_wait3A_79 = tpu.memref_slice %arg6[%dma_wait3A_77, %dma_wait3A_78] : memref<512x128xf32, #tpu.memory_space<vmem>> -> memref<128x128xf32, #tpu.memory_space<vmem>>
      %dma_wait3A_80 = arith.constant 0 : i32
      %dma_wait3A_81 = tpu.memref_slice %arg5[%add3A_20, %dma_wait3A_80] : memref<416x128xi32, #tpu.memory_space<vmem>> -> memref<1x128xi32, #tpu.memory_space<vmem>>
      %dma_wait3A_82 = tpu.memref_squeeze %dma_wait3A_81 : memref<1x128xi32, #tpu.memory_space<vmem>> -> memref<128xi32, #tpu.memory_space<vmem>>
      %dma_wait3A_83 = arith.constant 0 : i32
      %dma_wait3A_84 = arith.constant 0 : i32
      %dma_wait3A_85 = tpu.memref_slice %arg2[%dma_wait3A_83, %dma_wait3A_84] : memref<100000x128xf32, #tpu.memory_space<hbm>> -> memref<100000x128xf32, #tpu.memory_space<hbm>>
      tpu.wait_indirect_dma semaphore(%arg7 : memref<!tpu.dma_semaphore, #tpu.memory_space<semaphore_mem>>) src(%dma_wait3A_85 : memref<100000x128xf32, #tpu.memory_space<hbm>>) dst(%dma_wait3A_79 : memref<128x128xf32, #tpu.memory_space<vmem>>)
      %dma_wait3A_86 = arith.constant 384 : i32
      %dma_wait3A_87 = arith.constant 0 : i32
      %dma_wait3A_88 = tpu.memref_slice %arg6[%dma_wait3A_86, %dma_wait3A_87] : memref<512x128xf32, #tpu.memory_space<vmem>> -> memref<128x128xf32, #tpu.memory_space<vmem>>
      %dma_wait3A_89 = arith.constant 0 : i32
      %dma_wait3A_90 = tpu.memref_slice %arg5[%add3A_24, %dma_wait3A_89] : memref<416x128xi32, #tpu.memory_space<vmem>> -> memref<1x128xi32, #tpu.memory_space<vmem>>
      %dma_wait3A_91 = tpu.memref_squeeze %dma_wait3A_90 : memref<1x128xi32, #tpu.memory_space<vmem>> -> memref<128xi32, #tpu.memory_space<vmem>>
      %dma_wait3A_92 = arith.constant 0 : i32
      %dma_wait3A_93 = arith.constant 0 : i32
      %dma_wait3A_94 = tpu.memref_slice %arg2[%dma_wait3A_92, %dma_wait3A_93] : memref<100000x128xf32, #tpu.memory_space<hbm>> -> memref<100000x128xf32, #tpu.memory_space<hbm>>
      tpu.wait_indirect_dma semaphore(%arg7 : memref<!tpu.dma_semaphore, #tpu.memory_space<semaphore_mem>>) src(%dma_wait3A_94 : memref<100000x128xf32, #tpu.memory_space<hbm>>) dst(%dma_wait3A_88 : memref<128x128xf32, #tpu.memory_space<vmem>>)
      %mul3A_95 = arith.constant 4 : i32
      %mul3A_96 = arith.muli %scan3A_8, %mul3A_95 : i32
      %add3A_97 = arith.addi %mul3A_2, %mul3A_96 : i32
      %mul3A_98 = arith.constant 128 : i32
      %mul3A_99 = arith.muli %add3A_97, %mul3A_98 : i32
      %dma_start3A_100 = arith.constant 0 : i32
      %dma_start3A_101 = tpu.memref_slice %arg4[%mul3A_99, %dma_start3A_100] : memref<1703936x128xf32, #tpu.memory_space<hbm>> -> memref<512x128xf32, #tpu.memory_space<hbm>>
      %dma_start3A_102 = arith.constant 0 : i32
      %dma_start3A_103 = tpu.memref_slice %arg4[%mul3A_99, %dma_start3A_102] : memref<1703936x128xf32, #tpu.memory_space<hbm>> -> memref<512x128xf32, #tpu.memory_space<hbm>>
      tpu.enqueue_dma source(%arg6 : memref<512x128xf32, #tpu.memory_space<vmem>>) target(%dma_start3A_103 : memref<512x128xf32, #tpu.memory_space<hbm>>) target_semaphore(%arg8 : memref<!tpu.dma_semaphore, #tpu.memory_space<semaphore_mem>>)
      %dma_wait3A_104 = arith.constant 0 : i32
      %dma_wait3A_105 = tpu.memref_slice %arg4[%mul3A_99, %dma_wait3A_104] : memref<1703936x128xf32, #tpu.memory_space<hbm>> -> memref<512x128xf32, #tpu.memory_space<hbm>>
      %dma_wait3A_106 = arith.constant 0 : i32
      %dma_wait3A_107 = tpu.memref_slice %arg4[%mul3A_99, %dma_wait3A_106] : memref<1703936x128xf32, #tpu.memory_space<hbm>> -> memref<512x128xf32, #tpu.memory_space<hbm>>
      tpu.wait_dma2 semaphore(%arg8 : memref<!tpu.dma_semaphore, #tpu.memory_space<semaphore_mem>>) src(%arg6 : memref<512x128xf32, #tpu.memory_space<vmem>>) dst(%dma_wait3A_107 : memref<512x128xf32, #tpu.memory_space<hbm>>)
    }
    %scan3A_7 = arith.constant 104 : i32
    return
  }
}

#map = affine_map<(d0, d1) -> (0, 0)>
module attributes {stable_mosaic.version = 14 : i64} {
  func.func @_sc_gather_body(%arg0: i32, %arg1: i32, %arg2: memref<100000x128xf32, #tpu.memory_space<hbm>>, %arg3: memref<13312x128xi32, #tpu.memory_space<hbm>>, %arg4: memref<1703936x128xf32, #tpu.memory_space<hbm>>, %arg5: memref<416x128xi32, #tpu.memory_space<vmem>>, %arg6: memref<512x128xf32, #tpu.memory_space<vmem>>, %arg7: memref<!tpu.dma_semaphore, #tpu.memory_space<semaphore_mem>>, %arg8: memref<!tpu.dma_semaphore, #tpu.memory_space<semaphore_mem>>) attributes {dimension_semantics = [#tpu.dimension_semantics<core_parallel>, #tpu.dimension_semantics<subcore_parallel>], iteration_bounds = array<i64: 2, 16>, scalar_prefetch = 0 : i64, scratch_operands = 4 : i64, tpu.core_type = #tpu.core_type<sc_vector_subcore>, window_params = [{transform_indices = #map}, {transform_indices = #map}, {transform_indices = #map}]} {
    %mul3A = arith.constant 2 : i32
    %mul3A_0 = arith.muli %arg1, %mul3A : i32
    %add3A = arith.addi %mul3A_0, %arg0 : i32
    %mul3A_1 = arith.constant 416 : i32
    %mul3A_2 = arith.muli %add3A, %mul3A_1 : i32
    "tpu.region"() ({
      %run_scoped3A = tpu.sem_alloc : memref<!tpu.dma_semaphore, #tpu.memory_space<semaphore_mem>>
      %dma_start3A = arith.constant 0 : i32
      %dma_start3A_8 = tpu.memref_slice %arg3[%mul3A_2, %dma_start3A] : memref<13312x128xi32, #tpu.memory_space<hbm>> -> memref<416x128xi32, #tpu.memory_space<hbm>>
      %dma_start3A_9 = arith.constant 0 : i32
      %dma_start3A_10 = tpu.memref_slice %arg3[%mul3A_2, %dma_start3A_9] : memref<13312x128xi32, #tpu.memory_space<hbm>> -> memref<416x128xi32, #tpu.memory_space<hbm>>
      tpu.enqueue_dma source(%dma_start3A_10 : memref<416x128xi32, #tpu.memory_space<hbm>>) target(%arg5 : memref<416x128xi32, #tpu.memory_space<vmem>>) target_semaphore(%run_scoped3A : memref<!tpu.dma_semaphore, #tpu.memory_space<semaphore_mem>>)
      %dma_wait3A = arith.constant 0 : i32
      %dma_wait3A_11 = tpu.memref_slice %arg3[%mul3A_2, %dma_wait3A] : memref<13312x128xi32, #tpu.memory_space<hbm>> -> memref<416x128xi32, #tpu.memory_space<hbm>>
      %dma_wait3A_12 = arith.constant 0 : i32
      %dma_wait3A_13 = tpu.memref_slice %arg3[%mul3A_2, %dma_wait3A_12] : memref<13312x128xi32, #tpu.memory_space<hbm>> -> memref<416x128xi32, #tpu.memory_space<hbm>>
      tpu.wait_dma2 semaphore(%run_scoped3A : memref<!tpu.dma_semaphore, #tpu.memory_space<semaphore_mem>>) src(%dma_wait3A_13 : memref<416x128xi32, #tpu.memory_space<hbm>>) dst(%arg5 : memref<416x128xi32, #tpu.memory_space<vmem>>)
      tpu.yield
    }) : () -> ()
    %scan3A = arith.constant 0 : i32
    %scan3A_3 = arith.constant 0 : i32
    %scan3A_4 = arith.constant 104 : i32
    %scan3A_5 = arith.addi %scan3A_3, %scan3A_4 : i32
    %scan3A_6 = arith.constant 1 : i32
    scf.for %scan3A_8 = %scan3A_3 to %scan3A_5 step %scan3A_6  : i32 {
      %mul3A_9 = arith.constant 4 : i32
      %mul3A_10 = arith.muli %scan3A_8, %mul3A_9 : i32
      %add3A_11 = arith.constant 0 : i32
      %add3A_12 = arith.addi %mul3A_10, %add3A_11 : i32
      %mul3A_13 = arith.constant 4 : i32
      %mul3A_14 = arith.muli %scan3A_8, %mul3A_13 : i32
      %add3A_15 = arith.constant 1 : i32
      %add3A_16 = arith.addi %mul3A_14, %add3A_15 : i32
      %mul3A_17 = arith.constant 4 : i32
      %mul3A_18 = arith.muli %scan3A_8, %mul3A_17 : i32
      %add3A_19 = arith.constant 2 : i32
      %add3A_20 = arith.addi %mul3A_18, %add3A_19 : i32
      %mul3A_21 = arith.constant 4 : i32
      %mul3A_22 = arith.muli %scan3A_8, %mul3A_21 : i32
      %add3A_23 = arith.constant 3 : i32
      %add3A_24 = arith.addi %mul3A_22, %add3A_23 : i32
      %dma_start3A = arith.constant 0 : i32
      %dma_start3A_25 = arith.constant 0 : i32
      %dma_start3A_26 = tpu.memref_slice %arg6[%dma_start3A, %dma_start3A_25] : memref<512x128xf32, #tpu.memory_space<vmem>> -> memref<128x128xf32, #tpu.memory_space<vmem>>
      %dma_start3A_27 = arith.constant 0 : i32
      %dma_start3A_28 = tpu.memref_slice %arg5[%add3A_12, %dma_start3A_27] : memref<416x128xi32, #tpu.memory_space<vmem>> -> memref<1x128xi32, #tpu.memory_space<vmem>>
      %dma_start3A_29 = tpu.memref_squeeze %dma_start3A_28 : memref<1x128xi32, #tpu.memory_space<vmem>> -> memref<128xi32, #tpu.memory_space<vmem>>
      %dma_start3A_30 = arith.constant 0 : i32
      %dma_start3A_31 = arith.constant 0 : i32
      %dma_start3A_32 = tpu.memref_slice %arg2[%dma_start3A_30, %dma_start3A_31] : memref<100000x128xf32, #tpu.memory_space<hbm>> -> memref<100000x128xf32, #tpu.memory_space<hbm>>
      tpu.enqueue_indirect_dma source(%dma_start3A_32 : memref<100000x128xf32, #tpu.memory_space<hbm>>) target(%dma_start3A_26 : memref<128x128xf32, #tpu.memory_space<vmem>>) offsets(%dma_start3A_29 : memref<128xi32, #tpu.memory_space<vmem>>) semaphore(%arg7 : memref<!tpu.dma_semaphore, #tpu.memory_space<semaphore_mem>>)
      %dma_start3A_33 = arith.constant 128 : i32
      %dma_start3A_34 = arith.constant 0 : i32
      %dma_start3A_35 = tpu.memref_slice %arg6[%dma_start3A_33, %dma_start3A_34] : memref<512x128xf32, #tpu.memory_space<vmem>> -> memref<128x128xf32, #tpu.memory_space<vmem>>
      %dma_start3A_36 = arith.constant 0 : i32
      %dma_start3A_37 = tpu.memref_slice %arg5[%add3A_16, %dma_start3A_36] : memref<416x128xi32, #tpu.memory_space<vmem>> -> memref<1x128xi32, #tpu.memory_space<vmem>>
      %dma_start3A_38 = tpu.memref_squeeze %dma_start3A_37 : memref<1x128xi32, #tpu.memory_space<vmem>> -> memref<128xi32, #tpu.memory_space<vmem>>
      %dma_start3A_39 = arith.constant 0 : i32
      %dma_start3A_40 = arith.constant 0 : i32
      %dma_start3A_41 = tpu.memref_slice %arg2[%dma_start3A_39, %dma_start3A_40] : memref<100000x128xf32, #tpu.memory_space<hbm>> -> memref<100000x128xf32, #tpu.memory_space<hbm>>
      tpu.enqueue_indirect_dma source(%dma_start3A_41 : memref<100000x128xf32, #tpu.memory_space<hbm>>) target(%dma_start3A_35 : memref<128x128xf32, #tpu.memory_space<vmem>>) offsets(%dma_start3A_38 : memref<128xi32, #tpu.memory_space<vmem>>) semaphore(%arg7 : memref<!tpu.dma_semaphore, #tpu.memory_space<semaphore_mem>>)
      %dma_start3A_42 = arith.constant 256 : i32
      %dma_start3A_43 = arith.constant 0 : i32
      %dma_start3A_44 = tpu.memref_slice %arg6[%dma_start3A_42, %dma_start3A_43] : memref<512x128xf32, #tpu.memory_space<vmem>> -> memref<128x128xf32, #tpu.memory_space<vmem>>
      %dma_start3A_45 = arith.constant 0 : i32
      %dma_start3A_46 = tpu.memref_slice %arg5[%add3A_20, %dma_start3A_45] : memref<416x128xi32, #tpu.memory_space<vmem>> -> memref<1x128xi32, #tpu.memory_space<vmem>>
      %dma_start3A_47 = tpu.memref_squeeze %dma_start3A_46 : memref<1x128xi32, #tpu.memory_space<vmem>> -> memref<128xi32, #tpu.memory_space<vmem>>
      %dma_start3A_48 = arith.constant 0 : i32
      %dma_start3A_49 = arith.constant 0 : i32
      %dma_start3A_50 = tpu.memref_slice %arg2[%dma_start3A_48, %dma_start3A_49] : memref<100000x128xf32, #tpu.memory_space<hbm>> -> memref<100000x128xf32, #tpu.memory_space<hbm>>
      tpu.enqueue_indirect_dma source(%dma_start3A_50 : memref<100000x128xf32, #tpu.memory_space<hbm>>) target(%dma_start3A_44 : memref<128x128xf32, #tpu.memory_space<vmem>>) offsets(%dma_start3A_47 : memref<128xi32, #tpu.memory_space<vmem>>) semaphore(%arg7 : memref<!tpu.dma_semaphore, #tpu.memory_space<semaphore_mem>>)
      %dma_start3A_51 = arith.constant 384 : i32
      %dma_start3A_52 = arith.constant 0 : i32
      %dma_start3A_53 = tpu.memref_slice %arg6[%dma_start3A_51, %dma_start3A_52] : memref<512x128xf32, #tpu.memory_space<vmem>> -> memref<128x128xf32, #tpu.memory_space<vmem>>
      %dma_start3A_54 = arith.constant 0 : i32
      %dma_start3A_55 = tpu.memref_slice %arg5[%add3A_24, %dma_start3A_54] : memref<416x128xi32, #tpu.memory_space<vmem>> -> memref<1x128xi32, #tpu.memory_space<vmem>>
      %dma_start3A_56 = tpu.memref_squeeze %dma_start3A_55 : memref<1x128xi32, #tpu.memory_space<vmem>> -> memref<128xi32, #tpu.memory_space<vmem>>
      %dma_start3A_57 = arith.constant 0 : i32
      %dma_start3A_58 = arith.constant 0 : i32
      %dma_start3A_59 = tpu.memref_slice %arg2[%dma_start3A_57, %dma_start3A_58] : memref<100000x128xf32, #tpu.memory_space<hbm>> -> memref<100000x128xf32, #tpu.memory_space<hbm>>
      tpu.enqueue_indirect_dma source(%dma_start3A_59 : memref<100000x128xf32, #tpu.memory_space<hbm>>) target(%dma_start3A_53 : memref<128x128xf32, #tpu.memory_space<vmem>>) offsets(%dma_start3A_56 : memref<128xi32, #tpu.memory_space<vmem>>) semaphore(%arg7 : memref<!tpu.dma_semaphore, #tpu.memory_space<semaphore_mem>>)
      %dma_wait3A = arith.constant 0 : i32
      %dma_wait3A_60 = arith.constant 0 : i32
      %dma_wait3A_61 = tpu.memref_slice %arg6[%dma_wait3A, %dma_wait3A_60] : memref<512x128xf32, #tpu.memory_space<vmem>> -> memref<128x128xf32, #tpu.memory_space<vmem>>
      %dma_wait3A_62 = arith.constant 0 : i32
      %dma_wait3A_63 = tpu.memref_slice %arg5[%add3A_12, %dma_wait3A_62] : memref<416x128xi32, #tpu.memory_space<vmem>> -> memref<1x128xi32, #tpu.memory_space<vmem>>
      %dma_wait3A_64 = tpu.memref_squeeze %dma_wait3A_63 : memref<1x128xi32, #tpu.memory_space<vmem>> -> memref<128xi32, #tpu.memory_space<vmem>>
      %dma_wait3A_65 = arith.constant 0 : i32
      %dma_wait3A_66 = arith.constant 0 : i32
      %dma_wait3A_67 = tpu.memref_slice %arg2[%dma_wait3A_65, %dma_wait3A_66] : memref<100000x128xf32, #tpu.memory_space<hbm>> -> memref<100000x128xf32, #tpu.memory_space<hbm>>
      tpu.wait_indirect_dma semaphore(%arg7 : memref<!tpu.dma_semaphore, #tpu.memory_space<semaphore_mem>>) src(%dma_wait3A_67 : memref<100000x128xf32, #tpu.memory_space<hbm>>) dst(%dma_wait3A_61 : memref<128x128xf32, #tpu.memory_space<vmem>>)
      %dma_wait3A_68 = arith.constant 128 : i32
      %dma_wait3A_69 = arith.constant 0 : i32
      %dma_wait3A_70 = tpu.memref_slice %arg6[%dma_wait3A_68, %dma_wait3A_69] : memref<512x128xf32, #tpu.memory_space<vmem>> -> memref<128x128xf32, #tpu.memory_space<vmem>>
      %dma_wait3A_71 = arith.constant 0 : i32
      %dma_wait3A_72 = tpu.memref_slice %arg5[%add3A_16, %dma_wait3A_71] : memref<416x128xi32, #tpu.memory_space<vmem>> -> memref<1x128xi32, #tpu.memory_space<vmem>>
      %dma_wait3A_73 = tpu.memref_squeeze %dma_wait3A_72 : memref<1x128xi32, #tpu.memory_space<vmem>> -> memref<128xi32, #tpu.memory_space<vmem>>
      %dma_wait3A_74 = arith.constant 0 : i32
      %dma_wait3A_75 = arith.constant 0 : i32
      %dma_wait3A_76 = tpu.memref_slice %arg2[%dma_wait3A_74, %dma_wait3A_75] : memref<100000x128xf32, #tpu.memory_space<hbm>> -> memref<100000x128xf32, #tpu.memory_space<hbm>>
      tpu.wait_indirect_dma semaphore(%arg7 : memref<!tpu.dma_semaphore, #tpu.memory_space<semaphore_mem>>) src(%dma_wait3A_76 : memref<100000x128xf32, #tpu.memory_space<hbm>>) dst(%dma_wait3A_70 : memref<128x128xf32, #tpu.memory_space<vmem>>)
      %dma_wait3A_77 = arith.constant 256 : i32
      %dma_wait3A_78 = arith.constant 0 : i32
      %dma_wait3A_79 = tpu.memref_slice %arg6[%dma_wait3A_77, %dma_wait3A_78] : memref<512x128xf32, #tpu.memory_space<vmem>> -> memref<128x128xf32, #tpu.memory_space<vmem>>
      %dma_wait3A_80 = arith.constant 0 : i32
      %dma_wait3A_81 = tpu.memref_slice %arg5[%add3A_20, %dma_wait3A_80] : memref<416x128xi32, #tpu.memory_space<vmem>> -> memref<1x128xi32, #tpu.memory_space<vmem>>
      %dma_wait3A_82 = tpu.memref_squeeze %dma_wait3A_81 : memref<1x128xi32, #tpu.memory_space<vmem>> -> memref<128xi32, #tpu.memory_space<vmem>>
      %dma_wait3A_83 = arith.constant 0 : i32
      %dma_wait3A_84 = arith.constant 0 : i32
      %dma_wait3A_85 = tpu.memref_slice %arg2[%dma_wait3A_83, %dma_wait3A_84] : memref<100000x128xf32, #tpu.memory_space<hbm>> -> memref<100000x128xf32, #tpu.memory_space<hbm>>
      tpu.wait_indirect_dma semaphore(%arg7 : memref<!tpu.dma_semaphore, #tpu.memory_space<semaphore_mem>>) src(%dma_wait3A_85 : memref<100000x128xf32, #tpu.memory_space<hbm>>) dst(%dma_wait3A_79 : memref<128x128xf32, #tpu.memory_space<vmem>>)
      %dma_wait3A_86 = arith.constant 384 : i32
      %dma_wait3A_87 = arith.constant 0 : i32
      %dma_wait3A_88 = tpu.memref_slice %arg6[%dma_wait3A_86, %dma_wait3A_87] : memref<512x128xf32, #tpu.memory_space<vmem>> -> memref<128x128xf32, #tpu.memory_space<vmem>>
      %dma_wait3A_89 = arith.constant 0 : i32
      %dma_wait3A_90 = tpu.memref_slice %arg5[%add3A_24, %dma_wait3A_89] : memref<416x128xi32, #tpu.memory_space<vmem>> -> memref<1x128xi32, #tpu.memory_space<vmem>>
      %dma_wait3A_91 = tpu.memref_squeeze %dma_wait3A_90 : memref<1x128xi32, #tpu.memory_space<vmem>> -> memref<128xi32, #tpu.memory_space<vmem>>
      %dma_wait3A_92 = arith.constant 0 : i32
      %dma_wait3A_93 = arith.constant 0 : i32
      %dma_wait3A_94 = tpu.memref_slice %arg2[%dma_wait3A_92, %dma_wait3A_93] : memref<100000x128xf32, #tpu.memory_space<hbm>> -> memref<100000x128xf32, #tpu.memory_space<hbm>>
      tpu.wait_indirect_dma semaphore(%arg7 : memref<!tpu.dma_semaphore, #tpu.memory_space<semaphore_mem>>) src(%dma_wait3A_94 : memref<100000x128xf32, #tpu.memory_space<hbm>>) dst(%dma_wait3A_88 : memref<128x128xf32, #tpu.memory_space<vmem>>)
      %mul3A_95 = arith.constant 4 : i32
      %mul3A_96 = arith.muli %scan3A_8, %mul3A_95 : i32
      %add3A_97 = arith.addi %mul3A_2, %mul3A_96 : i32
      %mul3A_98 = arith.constant 128 : i32
      %mul3A_99 = arith.muli %add3A_97, %mul3A_98 : i32
      %dma_start3A_100 = arith.constant 0 : i32
      %dma_start3A_101 = tpu.memref_slice %arg4[%mul3A_99, %dma_start3A_100] : memref<1703936x128xf32, #tpu.memory_space<hbm>> -> memref<512x128xf32, #tpu.memory_space<hbm>>
      %dma_start3A_102 = arith.constant 0 : i32
      %dma_start3A_103 = tpu.memref_slice %arg4[%mul3A_99, %dma_start3A_102] : memref<1703936x128xf32, #tpu.memory_space<hbm>> -> memref<512x128xf32, #tpu.memory_space<hbm>>
      tpu.enqueue_dma source(%arg6 : memref<512x128xf32, #tpu.memory_space<vmem>>) target(%dma_start3A_103 : memref<512x128xf32, #tpu.memory_space<hbm>>) target_semaphore(%arg8 : memref<!tpu.dma_semaphore, #tpu.memory_space<semaphore_mem>>)
      %dma_wait3A_104 = arith.constant 0 : i32
      %dma_wait3A_105 = tpu.memref_slice %arg4[%mul3A_99, %dma_wait3A_104] : memref<1703936x128xf32, #tpu.memory_space<hbm>> -> memref<512x128xf32, #tpu.memory_space<hbm>>
      %dma_wait3A_106 = arith.constant 0 : i32
      %dma_wait3A_107 = tpu.memref_slice %arg4[%mul3A_99, %dma_wait3A_106] : memref<1703936x128xf32, #tpu.memory_space<hbm>> -> memref<512x128xf32, #tpu.memory_space<hbm>>
      tpu.wait_dma2 semaphore(%arg8 : memref<!tpu.dma_semaphore, #tpu.memory_space<semaphore_mem>>) src(%arg6 : memref<512x128xf32, #tpu.memory_space<vmem>>) dst(%dma_wait3A_107 : memref<512x128xf32, #tpu.memory_space<hbm>>)
    }
    %scan3A_7 = arith.constant 104 : i32
    return
  }
}

#map = affine_map<(d0, d1) -> (0, 0)>
module attributes {stable_mosaic.version = 14 : i64} {
  func.func @_sc_gather_body(%arg0: i32, %arg1: i32, %arg2: memref<100000x128xf32, #tpu.memory_space<hbm>>, %arg3: memref<13312x128xi32, #tpu.memory_space<hbm>>, %arg4: memref<1703936x128xf32, #tpu.memory_space<hbm>>, %arg5: memref<416x128xi32, #tpu.memory_space<vmem>>, %arg6: memref<512x128xf32, #tpu.memory_space<vmem>>, %arg7: memref<!tpu.dma_semaphore, #tpu.memory_space<semaphore_mem>>, %arg8: memref<!tpu.dma_semaphore, #tpu.memory_space<semaphore_mem>>) attributes {dimension_semantics = [#tpu.dimension_semantics<core_parallel>, #tpu.dimension_semantics<subcore_parallel>], iteration_bounds = array<i64: 2, 16>, scalar_prefetch = 0 : i64, scratch_operands = 4 : i64, tpu.core_type = #tpu.core_type<sc_vector_subcore>, window_params = [{transform_indices = #map}, {transform_indices = #map}, {transform_indices = #map}]} {
    %mul3A = arith.constant 2 : i32
    %mul3A_0 = arith.muli %arg1, %mul3A : i32
    %add3A = arith.addi %mul3A_0, %arg0 : i32
    %mul3A_1 = arith.constant 416 : i32
    %mul3A_2 = arith.muli %add3A, %mul3A_1 : i32
    "tpu.region"() ({
      %run_scoped3A = tpu.sem_alloc : memref<!tpu.dma_semaphore, #tpu.memory_space<semaphore_mem>>
      %dma_start3A = arith.constant 0 : i32
      %dma_start3A_8 = tpu.memref_slice %arg3[%mul3A_2, %dma_start3A] : memref<13312x128xi32, #tpu.memory_space<hbm>> -> memref<416x128xi32, #tpu.memory_space<hbm>>
      %dma_start3A_9 = arith.constant 0 : i32
      %dma_start3A_10 = tpu.memref_slice %arg3[%mul3A_2, %dma_start3A_9] : memref<13312x128xi32, #tpu.memory_space<hbm>> -> memref<416x128xi32, #tpu.memory_space<hbm>>
      tpu.enqueue_dma source(%dma_start3A_10 : memref<416x128xi32, #tpu.memory_space<hbm>>) target(%arg5 : memref<416x128xi32, #tpu.memory_space<vmem>>) target_semaphore(%run_scoped3A : memref<!tpu.dma_semaphore, #tpu.memory_space<semaphore_mem>>)
      %dma_wait3A = arith.constant 0 : i32
      %dma_wait3A_11 = tpu.memref_slice %arg3[%mul3A_2, %dma_wait3A] : memref<13312x128xi32, #tpu.memory_space<hbm>> -> memref<416x128xi32, #tpu.memory_space<hbm>>
      %dma_wait3A_12 = arith.constant 0 : i32
      %dma_wait3A_13 = tpu.memref_slice %arg3[%mul3A_2, %dma_wait3A_12] : memref<13312x128xi32, #tpu.memory_space<hbm>> -> memref<416x128xi32, #tpu.memory_space<hbm>>
      tpu.wait_dma2 semaphore(%run_scoped3A : memref<!tpu.dma_semaphore, #tpu.memory_space<semaphore_mem>>) src(%dma_wait3A_13 : memref<416x128xi32, #tpu.memory_space<hbm>>) dst(%arg5 : memref<416x128xi32, #tpu.memory_space<vmem>>)
      tpu.yield
    }) : () -> ()
    %scan3A = arith.constant 0 : i32
    %scan3A_3 = arith.constant 0 : i32
    %scan3A_4 = arith.constant 104 : i32
    %scan3A_5 = arith.addi %scan3A_3, %scan3A_4 : i32
    %scan3A_6 = arith.constant 1 : i32
    scf.for %scan3A_8 = %scan3A_3 to %scan3A_5 step %scan3A_6  : i32 {
      %mul3A_9 = arith.constant 4 : i32
      %mul3A_10 = arith.muli %scan3A_8, %mul3A_9 : i32
      %add3A_11 = arith.constant 0 : i32
      %add3A_12 = arith.addi %mul3A_10, %add3A_11 : i32
      %mul3A_13 = arith.constant 4 : i32
      %mul3A_14 = arith.muli %scan3A_8, %mul3A_13 : i32
      %add3A_15 = arith.constant 1 : i32
      %add3A_16 = arith.addi %mul3A_14, %add3A_15 : i32
      %mul3A_17 = arith.constant 4 : i32
      %mul3A_18 = arith.muli %scan3A_8, %mul3A_17 : i32
      %add3A_19 = arith.constant 2 : i32
      %add3A_20 = arith.addi %mul3A_18, %add3A_19 : i32
      %mul3A_21 = arith.constant 4 : i32
      %mul3A_22 = arith.muli %scan3A_8, %mul3A_21 : i32
      %add3A_23 = arith.constant 3 : i32
      %add3A_24 = arith.addi %mul3A_22, %add3A_23 : i32
      %dma_start3A = arith.constant 0 : i32
      %dma_start3A_25 = arith.constant 0 : i32
      %dma_start3A_26 = tpu.memref_slice %arg6[%dma_start3A, %dma_start3A_25] : memref<512x128xf32, #tpu.memory_space<vmem>> -> memref<128x128xf32, #tpu.memory_space<vmem>>
      %dma_start3A_27 = arith.constant 0 : i32
      %dma_start3A_28 = tpu.memref_slice %arg5[%add3A_12, %dma_start3A_27] : memref<416x128xi32, #tpu.memory_space<vmem>> -> memref<1x128xi32, #tpu.memory_space<vmem>>
      %dma_start3A_29 = tpu.memref_squeeze %dma_start3A_28 : memref<1x128xi32, #tpu.memory_space<vmem>> -> memref<128xi32, #tpu.memory_space<vmem>>
      %dma_start3A_30 = arith.constant 0 : i32
      %dma_start3A_31 = arith.constant 0 : i32
      %dma_start3A_32 = tpu.memref_slice %arg2[%dma_start3A_30, %dma_start3A_31] : memref<100000x128xf32, #tpu.memory_space<hbm>> -> memref<100000x128xf32, #tpu.memory_space<hbm>>
      tpu.enqueue_indirect_dma source(%dma_start3A_32 : memref<100000x128xf32, #tpu.memory_space<hbm>>) target(%dma_start3A_26 : memref<128x128xf32, #tpu.memory_space<vmem>>) offsets(%dma_start3A_29 : memref<128xi32, #tpu.memory_space<vmem>>) semaphore(%arg7 : memref<!tpu.dma_semaphore, #tpu.memory_space<semaphore_mem>>)
      %dma_start3A_33 = arith.constant 128 : i32
      %dma_start3A_34 = arith.constant 0 : i32
      %dma_start3A_35 = tpu.memref_slice %arg6[%dma_start3A_33, %dma_start3A_34] : memref<512x128xf32, #tpu.memory_space<vmem>> -> memref<128x128xf32, #tpu.memory_space<vmem>>
      %dma_start3A_36 = arith.constant 0 : i32
      %dma_start3A_37 = tpu.memref_slice %arg5[%add3A_16, %dma_start3A_36] : memref<416x128xi32, #tpu.memory_space<vmem>> -> memref<1x128xi32, #tpu.memory_space<vmem>>
      %dma_start3A_38 = tpu.memref_squeeze %dma_start3A_37 : memref<1x128xi32, #tpu.memory_space<vmem>> -> memref<128xi32, #tpu.memory_space<vmem>>
      %dma_start3A_39 = arith.constant 0 : i32
      %dma_start3A_40 = arith.constant 0 : i32
      %dma_start3A_41 = tpu.memref_slice %arg2[%dma_start3A_39, %dma_start3A_40] : memref<100000x128xf32, #tpu.memory_space<hbm>> -> memref<100000x128xf32, #tpu.memory_space<hbm>>
      tpu.enqueue_indirect_dma source(%dma_start3A_41 : memref<100000x128xf32, #tpu.memory_space<hbm>>) target(%dma_start3A_35 : memref<128x128xf32, #tpu.memory_space<vmem>>) offsets(%dma_start3A_38 : memref<128xi32, #tpu.memory_space<vmem>>) semaphore(%arg7 : memref<!tpu.dma_semaphore, #tpu.memory_space<semaphore_mem>>)
      %dma_start3A_42 = arith.constant 256 : i32
      %dma_start3A_43 = arith.constant 0 : i32
      %dma_start3A_44 = tpu.memref_slice %arg6[%dma_start3A_42, %dma_start3A_43] : memref<512x128xf32, #tpu.memory_space<vmem>> -> memref<128x128xf32, #tpu.memory_space<vmem>>
      %dma_start3A_45 = arith.constant 0 : i32
      %dma_start3A_46 = tpu.memref_slice %arg5[%add3A_20, %dma_start3A_45] : memref<416x128xi32, #tpu.memory_space<vmem>> -> memref<1x128xi32, #tpu.memory_space<vmem>>
      %dma_start3A_47 = tpu.memref_squeeze %dma_start3A_46 : memref<1x128xi32, #tpu.memory_space<vmem>> -> memref<128xi32, #tpu.memory_space<vmem>>
      %dma_start3A_48 = arith.constant 0 : i32
      %dma_start3A_49 = arith.constant 0 : i32
      %dma_start3A_50 = tpu.memref_slice %arg2[%dma_start3A_48, %dma_start3A_49] : memref<100000x128xf32, #tpu.memory_space<hbm>> -> memref<100000x128xf32, #tpu.memory_space<hbm>>
      tpu.enqueue_indirect_dma source(%dma_start3A_50 : memref<100000x128xf32, #tpu.memory_space<hbm>>) target(%dma_start3A_44 : memref<128x128xf32, #tpu.memory_space<vmem>>) offsets(%dma_start3A_47 : memref<128xi32, #tpu.memory_space<vmem>>) semaphore(%arg7 : memref<!tpu.dma_semaphore, #tpu.memory_space<semaphore_mem>>)
      %dma_start3A_51 = arith.constant 384 : i32
      %dma_start3A_52 = arith.constant 0 : i32
      %dma_start3A_53 = tpu.memref_slice %arg6[%dma_start3A_51, %dma_start3A_52] : memref<512x128xf32, #tpu.memory_space<vmem>> -> memref<128x128xf32, #tpu.memory_space<vmem>>
      %dma_start3A_54 = arith.constant 0 : i32
      %dma_start3A_55 = tpu.memref_slice %arg5[%add3A_24, %dma_start3A_54] : memref<416x128xi32, #tpu.memory_space<vmem>> -> memref<1x128xi32, #tpu.memory_space<vmem>>
      %dma_start3A_56 = tpu.memref_squeeze %dma_start3A_55 : memref<1x128xi32, #tpu.memory_space<vmem>> -> memref<128xi32, #tpu.memory_space<vmem>>
      %dma_start3A_57 = arith.constant 0 : i32
      %dma_start3A_58 = arith.constant 0 : i32
      %dma_start3A_59 = tpu.memref_slice %arg2[%dma_start3A_57, %dma_start3A_58] : memref<100000x128xf32, #tpu.memory_space<hbm>> -> memref<100000x128xf32, #tpu.memory_space<hbm>>
      tpu.enqueue_indirect_dma source(%dma_start3A_59 : memref<100000x128xf32, #tpu.memory_space<hbm>>) target(%dma_start3A_53 : memref<128x128xf32, #tpu.memory_space<vmem>>) offsets(%dma_start3A_56 : memref<128xi32, #tpu.memory_space<vmem>>) semaphore(%arg7 : memref<!tpu.dma_semaphore, #tpu.memory_space<semaphore_mem>>)
      %dma_wait3A = arith.constant 0 : i32
      %dma_wait3A_60 = arith.constant 0 : i32
      %dma_wait3A_61 = tpu.memref_slice %arg6[%dma_wait3A, %dma_wait3A_60] : memref<512x128xf32, #tpu.memory_space<vmem>> -> memref<128x128xf32, #tpu.memory_space<vmem>>
      %dma_wait3A_62 = arith.constant 0 : i32
      %dma_wait3A_63 = tpu.memref_slice %arg5[%add3A_12, %dma_wait3A_62] : memref<416x128xi32, #tpu.memory_space<vmem>> -> memref<1x128xi32, #tpu.memory_space<vmem>>
      %dma_wait3A_64 = tpu.memref_squeeze %dma_wait3A_63 : memref<1x128xi32, #tpu.memory_space<vmem>> -> memref<128xi32, #tpu.memory_space<vmem>>
      %dma_wait3A_65 = arith.constant 0 : i32
      %dma_wait3A_66 = arith.constant 0 : i32
      %dma_wait3A_67 = tpu.memref_slice %arg2[%dma_wait3A_65, %dma_wait3A_66] : memref<100000x128xf32, #tpu.memory_space<hbm>> -> memref<100000x128xf32, #tpu.memory_space<hbm>>
      tpu.wait_indirect_dma semaphore(%arg7 : memref<!tpu.dma_semaphore, #tpu.memory_space<semaphore_mem>>) src(%dma_wait3A_67 : memref<100000x128xf32, #tpu.memory_space<hbm>>) dst(%dma_wait3A_61 : memref<128x128xf32, #tpu.memory_space<vmem>>)
      %dma_wait3A_68 = arith.constant 128 : i32
      %dma_wait3A_69 = arith.constant 0 : i32
      %dma_wait3A_70 = tpu.memref_slice %arg6[%dma_wait3A_68, %dma_wait3A_69] : memref<512x128xf32, #tpu.memory_space<vmem>> -> memref<128x128xf32, #tpu.memory_space<vmem>>
      %dma_wait3A_71 = arith.constant 0 : i32
      %dma_wait3A_72 = tpu.memref_slice %arg5[%add3A_16, %dma_wait3A_71] : memref<416x128xi32, #tpu.memory_space<vmem>> -> memref<1x128xi32, #tpu.memory_space<vmem>>
      %dma_wait3A_73 = tpu.memref_squeeze %dma_wait3A_72 : memref<1x128xi32, #tpu.memory_space<vmem>> -> memref<128xi32, #tpu.memory_space<vmem>>
      %dma_wait3A_74 = arith.constant 0 : i32
      %dma_wait3A_75 = arith.constant 0 : i32
      %dma_wait3A_76 = tpu.memref_slice %arg2[%dma_wait3A_74, %dma_wait3A_75] : memref<100000x128xf32, #tpu.memory_space<hbm>> -> memref<100000x128xf32, #tpu.memory_space<hbm>>
      tpu.wait_indirect_dma semaphore(%arg7 : memref<!tpu.dma_semaphore, #tpu.memory_space<semaphore_mem>>) src(%dma_wait3A_76 : memref<100000x128xf32, #tpu.memory_space<hbm>>) dst(%dma_wait3A_70 : memref<128x128xf32, #tpu.memory_space<vmem>>)
      %dma_wait3A_77 = arith.constant 256 : i32
      %dma_wait3A_78 = arith.constant 0 : i32
      %dma_wait3A_79 = tpu.memref_slice %arg6[%dma_wait3A_77, %dma_wait3A_78] : memref<512x128xf32, #tpu.memory_space<vmem>> -> memref<128x128xf32, #tpu.memory_space<vmem>>
      %dma_wait3A_80 = arith.constant 0 : i32
      %dma_wait3A_81 = tpu.memref_slice %arg5[%add3A_20, %dma_wait3A_80] : memref<416x128xi32, #tpu.memory_space<vmem>> -> memref<1x128xi32, #tpu.memory_space<vmem>>
      %dma_wait3A_82 = tpu.memref_squeeze %dma_wait3A_81 : memref<1x128xi32, #tpu.memory_space<vmem>> -> memref<128xi32, #tpu.memory_space<vmem>>
      %dma_wait3A_83 = arith.constant 0 : i32
      %dma_wait3A_84 = arith.constant 0 : i32
      %dma_wait3A_85 = tpu.memref_slice %arg2[%dma_wait3A_83, %dma_wait3A_84] : memref<100000x128xf32, #tpu.memory_space<hbm>> -> memref<100000x128xf32, #tpu.memory_space<hbm>>
      tpu.wait_indirect_dma semaphore(%arg7 : memref<!tpu.dma_semaphore, #tpu.memory_space<semaphore_mem>>) src(%dma_wait3A_85 : memref<100000x128xf32, #tpu.memory_space<hbm>>) dst(%dma_wait3A_79 : memref<128x128xf32, #tpu.memory_space<vmem>>)
      %dma_wait3A_86 = arith.constant 384 : i32
      %dma_wait3A_87 = arith.constant 0 : i32
      %dma_wait3A_88 = tpu.memref_slice %arg6[%dma_wait3A_86, %dma_wait3A_87] : memref<512x128xf32, #tpu.memory_space<vmem>> -> memref<128x128xf32, #tpu.memory_space<vmem>>
      %dma_wait3A_89 = arith.constant 0 : i32
      %dma_wait3A_90 = tpu.memref_slice %arg5[%add3A_24, %dma_wait3A_89] : memref<416x128xi32, #tpu.memory_space<vmem>> -> memref<1x128xi32, #tpu.memory_space<vmem>>
      %dma_wait3A_91 = tpu.memref_squeeze %dma_wait3A_90 : memref<1x128xi32, #tpu.memory_space<vmem>> -> memref<128xi32, #tpu.memory_space<vmem>>
      %dma_wait3A_92 = arith.constant 0 : i32
      %dma_wait3A_93 = arith.constant 0 : i32
      %dma_wait3A_94 = tpu.memref_slice %arg2[%dma_wait3A_92, %dma_wait3A_93] : memref<100000x128xf32, #tpu.memory_space<hbm>> -> memref<100000x128xf32, #tpu.memory_space<hbm>>
      tpu.wait_indirect_dma semaphore(%arg7 : memref<!tpu.dma_semaphore, #tpu.memory_space<semaphore_mem>>) src(%dma_wait3A_94 : memref<100000x128xf32, #tpu.memory_space<hbm>>) dst(%dma_wait3A_88 : memref<128x128xf32, #tpu.memory_space<vmem>>)
      %mul3A_95 = arith.constant 4 : i32
      %mul3A_96 = arith.muli %scan3A_8, %mul3A_95 : i32
      %add3A_97 = arith.addi %mul3A_2, %mul3A_96 : i32
      %mul3A_98 = arith.constant 128 : i32
      %mul3A_99 = arith.muli %add3A_97, %mul3A_98 : i32
      %dma_start3A_100 = arith.constant 0 : i32
      %dma_start3A_101 = tpu.memref_slice %arg4[%mul3A_99, %dma_start3A_100] : memref<1703936x128xf32, #tpu.memory_space<hbm>> -> memref<512x128xf32, #tpu.memory_space<hbm>>
      %dma_start3A_102 = arith.constant 0 : i32
      %dma_start3A_103 = tpu.memref_slice %arg4[%mul3A_99, %dma_start3A_102] : memref<1703936x128xf32, #tpu.memory_space<hbm>> -> memref<512x128xf32, #tpu.memory_space<hbm>>
      tpu.enqueue_dma source(%arg6 : memref<512x128xf32, #tpu.memory_space<vmem>>) target(%dma_start3A_103 : memref<512x128xf32, #tpu.memory_space<hbm>>) target_semaphore(%arg8 : memref<!tpu.dma_semaphore, #tpu.memory_space<semaphore_mem>>)
      %dma_wait3A_104 = arith.constant 0 : i32
      %dma_wait3A_105 = tpu.memref_slice %arg4[%mul3A_99, %dma_wait3A_104] : memref<1703936x128xf32, #tpu.memory_space<hbm>> -> memref<512x128xf32, #tpu.memory_space<hbm>>
      %dma_wait3A_106 = arith.constant 0 : i32
      %dma_wait3A_107 = tpu.memref_slice %arg4[%mul3A_99, %dma_wait3A_106] : memref<1703936x128xf32, #tpu.memory_space<hbm>> -> memref<512x128xf32, #tpu.memory_space<hbm>>
      tpu.wait_dma2 semaphore(%arg8 : memref<!tpu.dma_semaphore, #tpu.memory_space<semaphore_mem>>) src(%arg6 : memref<512x128xf32, #tpu.memory_space<vmem>>) dst(%dma_wait3A_107 : memref<512x128xf32, #tpu.memory_space<hbm>>)
    }
    %scan3A_7 = arith.constant 104 : i32
    return
  }
}

module attributes {stable_mosaic.version = 14 : i64} {
  func.func @_dense_body(%arg0: i32, %arg1: memref<512x4xf32, #tpu.memory_space<vmem>>, %arg2: memref<4x128xf32, #tpu.memory_space<vmem>>, %arg3: memref<512x128xf32, #tpu.memory_space<vmem>>) attributes {dimension_semantics = [#tpu.dimension_semantics<arbitrary>], iteration_bounds = array<i64: 196>, scalar_prefetch = 0 : i64, scratch_operands = 0 : i64, tpu.core_type = #tpu.core_type<tc>, window_params = [{transform_indices = @transform_0, window_bounds = array<i64: 512, 4>}, {pipeline_mode = #tpu.pipeline_mode<synchronous>, transform_indices = @transform_1, window_bounds = array<i64: 4, 128>}, {transform_indices = @transform_2, window_bounds = array<i64: 512, 128>}]} {
    %get3A = arith.constant 0 : index
    %get3A_0 = arith.constant 0 : index
    %get3A_1 = vector.load %arg1[%get3A, %get3A_0] : memref<512x4xf32, #tpu.memory_space<vmem>>, vector<512x4xf32>
    %get3A_2 = arith.constant 0 : index
    %get3A_3 = arith.constant 0 : index
    %get3A_4 = vector.load %arg2[%get3A_2, %get3A_3] : memref<4x128xf32, #tpu.memory_space<vmem>>, vector<4x128xf32>
    %dot_general3A = arith.constant dense<0.000000e+00> : vector<512x128xf32>
    %dot_general3A_5 = tpu.matmul %get3A_1, %get3A_4, %dot_general3A {dimension_numbers = #tpu.dot_dimension_numbers<[1], [0], [0], [1], [0, 0, 1, 1], [], []>, transpose_lhs_hint = false} : vector<512x4xf32>, vector<4x128xf32>, vector<512x128xf32> -> vector<512x128xf32>
    %swap3A = arith.constant 0 : index
    %swap3A_6 = arith.constant 0 : index
    %swap3A_7 = vector.load %arg3[%swap3A, %swap3A_6] : memref<512x128xf32, #tpu.memory_space<vmem>>, vector<512x128xf32>
    tpu.vector_store %arg3[%swap3A, %swap3A_6], %dot_general3A_5 {strides = array<i32>} : memref<512x128xf32, #tpu.memory_space<vmem>>, vector<512x128xf32>,
    return
  }
  func.func @transform_0(%arg0: i32) -> (i32, i32) {
    %c0_i32 = arith.constant 0 : i32
    %c0_i32_0 = arith.constant 0 : i32
    return %arg0, %c0_i32 : i32, i32
  }
  func.func @transform_1(%arg0: i32) -> (i32, i32) {
    %c0_i32 = arith.constant 0 : i32
    %c0_i32_0 = arith.constant 0 : i32
    %c0_i32_1 = arith.constant 0 : i32
    return %c0_i32, %c0_i32_0 : i32, i32
  }
  func.func @transform_2(%arg0: i32) -> (i32, i32) {
    %c0_i32 = arith.constant 0 : i32
    %c0_i32_0 = arith.constant 0 : i32
    return %arg0, %c0_i32 : i32, i32
  }
}

module attributes {stable_mosaic.version = 14 : i64} {
  func.func @_edge_body(%arg0: i32, %arg1: memref<196xi32, #tpu.memory_space<smem>>, %arg2: memref<196xi32, #tpu.memory_space<smem>>, %arg3: memref<1703936x128xf32, #tpu.memory_space<any>>, %arg4: memref<1703936x1xi32, #tpu.memory_space<any>>, %arg5: memref<512x128xf32, #tpu.memory_space<vmem>>, %arg6: memref<1x128xf32, #tpu.memory_space<vmem>>, %arg7: memref<1x128xf32, #tpu.memory_space<vmem>>, %arg8: memref<1x128xf32, #tpu.memory_space<vmem>>, %arg9: memref<1x128xf32, #tpu.memory_space<vmem>>, %arg10: memref<1x128xf32, #tpu.memory_space<vmem>>, %arg11: memref<512x128xf32, #tpu.memory_space<vmem>>, %arg12: memref<2048x128xf32, #tpu.memory_space<vmem>>, %arg13: memref<2048x1xi32, #tpu.memory_space<vmem>>, %arg14: memref<2048x128xf32, #tpu.memory_space<vmem>>, %arg15: memref<2048x1xi32, #tpu.memory_space<vmem>>, %arg16: memref<!tpu.dma_semaphore, #tpu.memory_space<semaphore_mem>>, %arg17: memref<!tpu.dma_semaphore, #tpu.memory_space<semaphore_mem>>, %arg18: memref<!tpu.dma_semaphore, #tpu.memory_space<semaphore_mem>>, %arg19: memref<!tpu.dma_semaphore, #tpu.memory_space<semaphore_mem>>) attributes {dimension_semantics = [#tpu.dimension_semantics<arbitrary>], iteration_bounds = array<i64: 196>, scalar_prefetch = 0 : i64, scratch_operands = 8 : i64, tpu.core_type = #tpu.core_type<tc>, window_params = [{transform_indices = @transform_0, window_bounds = array<i64: 196>}, {transform_indices = @transform_1, window_bounds = array<i64: 196>}, {}, {}, {transform_indices = @transform_4, window_bounds = array<i64: 512, 128>}, {pipeline_mode = #tpu.pipeline_mode<synchronous>, transform_indices = @transform_5, window_bounds = array<i64: 1, 128>}, {pipeline_mode = #tpu.pipeline_mode<synchronous>, transform_indices = @transform_6, window_bounds = array<i64: 1, 128>}, {pipeline_mode = #tpu.pipeline_mode<synchronous>, transform_indices = @transform_7, window_bounds = array<i64: 1, 128>}, {pipeline_mode = #tpu.pipeline_mode<synchronous>, transform_indices = @transform_8, window_bounds = array<i64: 1, 128>}, {pipeline_mode = #tpu.pipeline_mode<synchronous>, transform_indices = @transform_9, window_bounds = array<i64: 1, 128>}, {transform_indices = @transform_10, window_bounds = array<i64: 512, 128>}]} {
    %mul3A = arith.constant 512 : i32
    %mul3A_0 = arith.muli %arg0, %mul3A : i32
    %get3A = arith.index_cast %arg0 : i32 to index
    %get3A_1 = memref.load %arg1[%get3A] : memref<196xi32, #tpu.memory_space<smem>>
    %get3A_2 = arith.index_cast %arg0 : i32 to index
    %get3A_3 = memref.load %arg2[%get3A_2] : memref<196xi32, #tpu.memory_space<smem>>
    %jit3A = arith.constant 2048 : i32
    %div3A = arith.divsi %get3A_1, %jit3A : i32
    %sign3A = arith.constant 0 : i32
    %sign3A_4 = arith.cmpi sgt, %get3A_1, %sign3A : i32
    %sign3A_5 = arith.extui %sign3A_4 : i1 to i32
    %sign3A_6 = arith.constant 0 : i32
    %sign3A_7 = arith.cmpi slt, %get3A_1, %sign3A_6 : i32
    %sign3A_8 = arith.extui %sign3A_7 : i1 to i32
    %sign3A_9 = arith.subi %sign3A_5, %sign3A_8 : i32
    %sign3A_10 = arith.constant 0 : i32
    %sign3A_11 = arith.cmpi sgt, %jit3A, %sign3A_10 : i32
    %sign3A_12 = arith.extui %sign3A_11 : i1 to i32
    %sign3A_13 = arith.constant 0 : i32
    %sign3A_14 = arith.cmpi slt, %jit3A, %sign3A_13 : i32
    %sign3A_15 = arith.extui %sign3A_14 : i1 to i32
    %sign3A_16 = arith.subi %sign3A_12, %sign3A_15 : i32
    %ne3A = arith.cmpi ne, %sign3A_9, %sign3A_16 : i32
    %rem3A = arith.remsi %get3A_1, %jit3A : i32
    %ne3A_17 = arith.constant 0 : i32
    %ne3A_18 = arith.cmpi ne, %rem3A, %ne3A_17 : i32
    %and3A = arith.andi %ne3A, %ne3A_18 : i1
    %sub3A = arith.constant 1 : i32
    %sub3A_19 = arith.subi %div3A, %sub3A : i32
    %select_n3A = arith.select %and3A, %sub3A_19, %div3A : i32
    %add3A = arith.constant 2048 : i32
    %add3A_20 = arith.addi %get3A_3, %add3A : i32
    %sub3A_21 = arith.constant 1 : i32
    %sub3A_22 = arith.subi %add3A_20, %sub3A_21 : i32
    %jit3A_23 = arith.constant 2048 : i32
    %div3A_24 = arith.divsi %sub3A_22, %jit3A_23 : i32
    %sign3A_25 = arith.constant 0 : i32
    %sign3A_26 = arith.cmpi sgt, %sub3A_22, %sign3A_25 : i32
    %sign3A_27 = arith.extui %sign3A_26 : i1 to i32
    %sign3A_28 = arith.constant 0 : i32
    %sign3A_29 = arith.cmpi slt, %sub3A_22, %sign3A_28 : i32
    %sign3A_30 = arith.extui %sign3A_29 : i1 to i32
    %sign3A_31 = arith.subi %sign3A_27, %sign3A_30 : i32
    %sign3A_32 = arith.constant 0 : i32
    %sign3A_33 = arith.cmpi sgt, %jit3A_23, %sign3A_32 : i32
    %sign3A_34 = arith.extui %sign3A_33 : i1 to i32
    %sign3A_35 = arith.constant 0 : i32
    %sign3A_36 = arith.cmpi slt, %jit3A_23, %sign3A_35 : i32
    %sign3A_37 = arith.extui %sign3A_36 : i1 to i32
    %sign3A_38 = arith.subi %sign3A_34, %sign3A_37 : i32
    %ne3A_39 = arith.cmpi ne, %sign3A_31, %sign3A_38 : i32
    %rem3A_40 = arith.remsi %sub3A_22, %jit3A_23 : i32
    %ne3A_41 = arith.constant 0 : i32
    %ne3A_42 = arith.cmpi ne, %rem3A_40, %ne3A_41 : i32
    %and3A_43 = arith.andi %ne3A_39, %ne3A_42 : i1
    %sub3A_44 = arith.constant 1 : i32
    %sub3A_45 = arith.subi %div3A_24, %sub3A_44 : i32
    %select_n3A_46 = arith.select %and3A_43, %sub3A_45, %div3A_24 : i32
    %iota3A = tpu.iota {dimensions = array<i32: 0>} : vector<512x128xi32>
    %add3A_47 = vector.broadcast %mul3A_0 : i32 to vector<512x128xi32>
    %add3A_48 = arith.addi %iota3A, %add3A_47 : vector<512x128xi32>
    %lt3A = arith.constant 100000 : i32
    %lt3A_49 = vector.broadcast %lt3A : i32 to vector<512x128xi32>
    %lt3A_50 = arith.cmpi slt, %add3A_48, %lt3A_49 : vector<512x128xi32>
    %get3A_51 = arith.constant 0 : index
    %get3A_52 = arith.constant 0 : index
    %get3A_53 = vector.load %arg5[%get3A_51, %get3A_52] : memref<512x128xf32, #tpu.memory_space<vmem>>, vector<512x128xf32>
    %jit3A_54 = arith.constant 0.000000e+00 : f32
    %broadcast_in_dim3A = vector.broadcast %jit3A_54 : f32 to vector<512x128xf32>
    %select_n3A_55 = arith.select %lt3A_50, %get3A_53, %broadcast_in_dim3A : vector<512x128xi1>, vector<512x128xf32>
    %get3A_56 = arith.constant 0 : index
    %get3A_57 = arith.constant 0 : index
    %get3A_58 = vector.load %arg7[%get3A_56, %get3A_57] : memref<1x128xf32, #tpu.memory_space<vmem>>, vector<1x128xf32>
    %get3A_59 = arith.constant 0 : index
    %get3A_60 = arith.constant 0 : index
    %get3A_61 = vector.load %arg6[%get3A_59, %get3A_60] : memref<1x128xf32, #tpu.memory_space<vmem>>, vector<1x128xf32>
    %mul3A_62 = vector.broadcast %get3A_58 : vector<1x128xf32> to vector<512x128xf32>
    %mul3A_63 = arith.mulf %select_n3A_55, %mul3A_62 : vector<512x128xf32>
    %slice3A = vector.extract_strided_slice %mul3A_63 {offsets = [0, 0], sizes = [512, 32], strides = [1, 1]} : vector<512x128xf32> to vector<512x32xf32>
    %reduce_sum3A = arith.constant dense<0.000000e+00> : vector<512xf32>
    %reduce_sum3A_64 = vector.multi_reduction <add>, %slice3A, %reduce_sum3A [1] : vector<512x32xf32> to vector<512xf32>
    %broadcast_in_dim3A_65 = vector.shape_cast %reduce_sum3A_64 : vector<512xf32> to vector<512x1xf32>
    %slice3A_66 = vector.extract_strided_slice %mul3A_63 {offsets = [0, 32], sizes = [512, 32], strides = [1, 1]} : vector<512x128xf32> to vector<512x32xf32>
    %reduce_sum3A_67 = arith.constant dense<0.000000e+00> : vector<512xf32>
    %reduce_sum3A_68 = vector.multi_reduction <add>, %slice3A_66, %reduce_sum3A_67 [1] : vector<512x32xf32> to vector<512xf32>
    %broadcast_in_dim3A_69 = vector.shape_cast %reduce_sum3A_68 : vector<512xf32> to vector<512x1xf32>
    %slice3A_70 = vector.extract_strided_slice %mul3A_63 {offsets = [0, 64], sizes = [512, 32], strides = [1, 1]} : vector<512x128xf32> to vector<512x32xf32>
    %reduce_sum3A_71 = arith.constant dense<0.000000e+00> : vector<512xf32>
    %reduce_sum3A_72 = vector.multi_reduction <add>, %slice3A_70, %reduce_sum3A_71 [1] : vector<512x32xf32> to vector<512xf32>
    %broadcast_in_dim3A_73 = vector.shape_cast %reduce_sum3A_72 : vector<512xf32> to vector<512x1xf32>
    %slice3A_74 = vector.extract_strided_slice %mul3A_63 {offsets = [0, 96], sizes = [512, 32], strides = [1, 1]} : vector<512x128xf32> to vector<512x32xf32>
    %reduce_sum3A_75 = arith.constant dense<0.000000e+00> : vector<512xf32>
    %reduce_sum3A_76 = vector.multi_reduction <add>, %slice3A_74, %reduce_sum3A_75 [1] : vector<512x32xf32> to vector<512xf32>
    %broadcast_in_dim3A_77 = vector.shape_cast %reduce_sum3A_76 : vector<512xf32> to vector<512x1xf32>
    %concatenate3A = tpu.concatenate %broadcast_in_dim3A_65, %broadcast_in_dim3A_69, %broadcast_in_dim3A_73, %broadcast_in_dim3A_77 in 1 : vector<512x1xf32>, vector<512x1xf32>, vector<512x1xf32>, vector<512x1xf32> -> vector<512x4xf32>
    %mul3A_78 = arith.constant 2048 : i32
    %mul3A_79 = arith.muli %select_n3A, %mul3A_78 : i32
    %dma_start3A = arith.constant 0 : i32
    %dma_start3A_80 = tpu.memref_slice %arg3[%mul3A_79, %dma_start3A] : memref<1703936x128xf32, #tpu.memory_space<any>> -> memref<2048x128xf32, #tpu.memory_space<any>>
    tpu.enqueue_dma source(%dma_start3A_80 : memref<2048x128xf32, #tpu.memory_space<any>>) target(%arg12 : memref<2048x128xf32, #tpu.memory_space<vmem>>) target_semaphore(%arg16 : memref<!tpu.dma_semaphore, #tpu.memory_space<semaphore_mem>>)
    %mul3A_81 = arith.constant 2048 : i32
    %mul3A_82 = arith.muli %select_n3A, %mul3A_81 : i32
    %dma_start3A_83 = arith.constant 0 : i32
    %dma_start3A_84 = tpu.memref_slice %arg4[%mul3A_82, %dma_start3A_83] : memref<1703936x1xi32, #tpu.memory_space<any>> -> memref<2048x1xi32, #tpu.memory_space<any>>
    tpu.enqueue_dma source(%dma_start3A_84 : memref<2048x1xi32, #tpu.memory_space<any>>) target(%arg13 : memref<2048x1xi32, #tpu.memory_space<vmem>>) target_semaphore(%arg17 : memref<!tpu.dma_semaphore, #tpu.memory_space<semaphore_mem>>)
    %broadcast_in_dim3A_85 = arith.constant 0.000000e+00 : f32
    %broadcast_in_dim3A_86 = vector.broadcast %broadcast_in_dim3A_85 : f32 to vector<512x132xf32>
    %sub3A_87 = arith.subi %select_n3A_46, %select_n3A : i32
    %add3A_88 = arith.constant 1 : i32
    %add3A_89 = arith.addi %sub3A_87, %add3A_88 : i32
    %jit3A_90 = arith.constant 2 : i32
    %div3A_91 = arith.divsi %add3A_89, %jit3A_90 : i32
    %sign3A_92 = arith.constant 0 : i32
    %sign3A_93 = arith.cmpi sgt, %add3A_89, %sign3A_92 : i32
    %sign3A_94 = arith.extui %sign3A_93 : i1 to i32
    %sign3A_95 = arith.constant 0 : i32
    %sign3A_96 = arith.cmpi slt, %add3A_89, %sign3A_95 : i32
    %sign3A_97 = arith.extui %sign3A_96 : i1 to i32
    %sign3A_98 = arith.subi %sign3A_94, %sign3A_97 : i32
    %sign3A_99 = arith.constant 0 : i32
    %sign3A_100 = arith.cmpi sgt, %jit3A_90, %sign3A_99 : i32
    %sign3A_101 = arith.extui %sign3A_100 : i1 to i32
    %sign3A_102 = arith.constant 0 : i32
    %sign3A_103 = arith.cmpi slt, %jit3A_90, %sign3A_102 : i32
    %sign3A_104 = arith.extui %sign3A_103 : i1 to i32
    %sign3A_105 = arith.subi %sign3A_101, %sign3A_104 : i32
    %ne3A_106 = arith.cmpi ne, %sign3A_98, %sign3A_105 : i32
    %rem3A_107 = arith.remsi %add3A_89, %jit3A_90 : i32
    %ne3A_108 = arith.constant 0 : i32
    %ne3A_109 = arith.cmpi ne, %rem3A_107, %ne3A_108 : i32
    %and3A_110 = arith.andi %ne3A_106, %ne3A_109 : i1
    %sub3A_111 = arith.constant 1 : i32
    %sub3A_112 = arith.subi %div3A_91, %sub3A_111 : i32
    %select_n3A_113 = arith.select %and3A_110, %sub3A_112, %div3A_91 : i32
    %while3A = arith.constant 0 : i32
    %while3A_114 = arith.subi %select_n3A_113, %while3A : i32
    %while3A_115 = arith.addi %while3A, %while3A_114 : i32
    %while3A_116 = arith.constant 1 : i32
    %while3A_117 = arith.divsi %while3A_114, %while3A_116 : i32
    %while3A_118 = arith.muli %while3A_117, %while3A_116 : i32
    %while3A_119 = arith.addi %while3A, %while3A_118 : i32
    %while3A_120 = arith.constant 1 : i32
    %while3A_121 = scf.for %while3A_194 = %while3A to %while3A_119 step %while3A_120 iter_args(%while3A_195 = %broadcast_in_dim3A_86) -> (vector<512x132xf32>)  : i32 {
      %mul3A_196 = arith.constant 2 : i32
      %mul3A_197 = arith.muli %mul3A_196, %while3A_194 : i32
      %add3A_198 = arith.addi %select_n3A, %mul3A_197 : i32
      %add3A_199 = arith.constant 1 : i32
      %add3A_200 = arith.addi %add3A_198, %add3A_199 : i32
      %lt3A_201 = arith.cmpi slt, %add3A_200, %select_n3A_46 : i32
      %convert_element_type3A = arith.extui %lt3A_201 : i1 to i32
      %cond3A = arith.constant 0 : i32
      %cond3A_202 = arith.cmpi ne, %convert_element_type3A, %cond3A : i32
      scf.if %cond3A_202 {
        %mul3A_346 = arith.constant 2048 : i32
        %mul3A_347 = arith.muli %add3A_200, %mul3A_346 : i32
        %dma_start3A_348 = arith.constant 0 : i32
        %dma_start3A_349 = tpu.memref_slice %arg3[%mul3A_347, %dma_start3A_348] : memref<1703936x128xf32, #tpu.memory_space<any>> -> memref<2048x128xf32, #tpu.memory_space<any>>
        tpu.enqueue_dma source(%dma_start3A_349 : memref<2048x128xf32, #tpu.memory_space<any>>) target(%arg14 : memref<2048x128xf32, #tpu.memory_space<vmem>>) target_semaphore(%arg18 : memref<!tpu.dma_semaphore, #tpu.memory_space<semaphore_mem>>)
        %mul3A_350 = arith.constant 2048 : i32
        %mul3A_351 = arith.muli %add3A_200, %mul3A_350 : i32
        %dma_start3A_352 = arith.constant 0 : i32
        %dma_start3A_353 = tpu.memref_slice %arg4[%mul3A_351, %dma_start3A_352] : memref<1703936x1xi32, #tpu.memory_space<any>> -> memref<2048x1xi32, #tpu.memory_space<any>>
        tpu.enqueue_dma source(%dma_start3A_353 : memref<2048x1xi32, #tpu.memory_space<any>>) target(%arg15 : memref<2048x1xi32, #tpu.memory_space<vmem>>) target_semaphore(%arg19 : memref<!tpu.dma_semaphore, #tpu.memory_space<semaphore_mem>>)
      } else {
      }
      %mul3A_203 = arith.constant 2048 : i32
      %mul3A_204 = arith.muli %add3A_198, %mul3A_203 : i32
      %dma_wait3A = arith.constant 0 : i32
      %dma_wait3A_205 = tpu.memref_slice %arg3[%mul3A_204, %dma_wait3A] : memref<1703936x128xf32, #tpu.memory_space<any>> -> memref<2048x128xf32, #tpu.memory_space<any>>
      tpu.wait_dma2 semaphore(%arg16 : memref<!tpu.dma_semaphore, #tpu.memory_space<semaphore_mem>>) src(%dma_wait3A_205 : memref<2048x128xf32, #tpu.memory_space<any>>) dst(%arg12 : memref<2048x128xf32, #tpu.memory_space<vmem>>)
      %mul3A_206 = arith.constant 2048 : i32
      %mul3A_207 = arith.muli %add3A_198, %mul3A_206 : i32
      %dma_wait3A_208 = arith.constant 0 : i32
      %dma_wait3A_209 = tpu.memref_slice %arg4[%mul3A_207, %dma_wait3A_208] : memref<1703936x1xi32, #tpu.memory_space<any>> -> memref<2048x1xi32, #tpu.memory_space<any>>
      tpu.wait_dma2 semaphore(%arg17 : memref<!tpu.dma_semaphore, #tpu.memory_space<semaphore_mem>>) src(%dma_wait3A_209 : memref<2048x1xi32, #tpu.memory_space<any>>) dst(%arg13 : memref<2048x1xi32, #tpu.memory_space<vmem>>)
      %get3A_210 = arith.constant 0 : index
      %get3A_211 = arith.constant 0 : index
      %get3A_212 = vector.load %arg13[%get3A_210, %get3A_211] : memref<2048x1xi32, #tpu.memory_space<vmem>>, vector<2048x1xi32>
      %sub3A_213 = vector.broadcast %mul3A_0 : i32 to vector<2048x1xi32>
      %sub3A_214 = arith.subi %get3A_212, %sub3A_213 : vector<2048x1xi32>
      %iota3A_215 = tpu.iota {dimensions = array<i32: 1>} : vector<2048x512xi32>
      %eq3A = vector.broadcast %sub3A_214 : vector<2048x1xi32> to vector<2048x512xi32>
      %eq3A_216 = arith.cmpi eq, %eq3A, %iota3A_215 : vector<2048x512xi32>
      %convert_element_type3A_217 = arith.extui %eq3A_216 : vector<2048x512xi1> to vector<2048x512xi32>
      %convert_element_type3A_218 = arith.sitofp %convert_element_type3A_217 : vector<2048x512xi32> to vector<2048x512xf32>
      %dot_general3A = arith.constant dense<0.000000e+00> : vector<2048x4xf32>
      %dot_general3A_219 = tpu.matmul %convert_element_type3A_218, %concatenate3A, %dot_general3A {dimension_numbers = #tpu.dot_dimension_numbers<[1], [0], [0], [1], [0, 0, 1, 1], [], []>, transpose_lhs_hint = false} : vector<2048x512xf32>, vector<512x4xf32>, vector<2048x4xf32> -> vector<2048x4xf32>
      %get3A_220 = arith.constant 0 : index
      %get3A_221 = arith.constant 0 : index
      %get3A_222 = vector.load %arg12[%get3A_220, %get3A_221] : memref<2048x128xf32, #tpu.memory_space<vmem>>, vector<2048x128xf32>
      %mul3A_223 = vector.broadcast %get3A_61 : vector<1x128xf32> to vector<2048x128xf32>
      %mul3A_224 = arith.mulf %get3A_222, %mul3A_223 : vector<2048x128xf32>
      %slice3A_225 = vector.extract_strided_slice %mul3A_224 {offsets = [0, 0], sizes = [2048, 32], strides = [1, 1]} : vector<2048x128xf32> to vector<2048x32xf32>
      %reduce_sum3A_226 = arith.constant dense<0.000000e+00> : vector<2048xf32>
      %reduce_sum3A_227 = vector.multi_reduction <add>, %slice3A_225, %reduce_sum3A_226 [1] : vector<2048x32xf32> to vector<2048xf32>
      %broadcast_in_dim3A_228 = vector.shape_cast %reduce_sum3A_227 : vector<2048xf32> to vector<2048x1xf32>
      %slice3A_229 = vector.extract_strided_slice %mul3A_224 {offsets = [0, 32], sizes = [2048, 32], strides = [1, 1]} : vector<2048x128xf32> to vector<2048x32xf32>
      %reduce_sum3A_230 = arith.constant dense<0.000000e+00> : vector<2048xf32>
      %reduce_sum3A_231 = vector.multi_reduction <add>, %slice3A_229, %reduce_sum3A_230 [1] : vector<2048x32xf32> to vector<2048xf32>
      %broadcast_in_dim3A_232 = vector.shape_cast %reduce_sum3A_231 : vector<2048xf32> to vector<2048x1xf32>
      %slice3A_233 = vector.extract_strided_slice %mul3A_224 {offsets = [0, 64], sizes = [2048, 32], strides = [1, 1]} : vector<2048x128xf32> to vector<2048x32xf32>
      %reduce_sum3A_234 = arith.constant dense<0.000000e+00> : vector<2048xf32>
      %reduce_sum3A_235 = vector.multi_reduction <add>, %slice3A_233, %reduce_sum3A_234 [1] : vector<2048x32xf32> to vector<2048xf32>
      %broadcast_in_dim3A_236 = vector.shape_cast %reduce_sum3A_235 : vector<2048xf32> to vector<2048x1xf32>
      %slice3A_237 = vector.extract_strided_slice %mul3A_224 {offsets = [0, 96], sizes = [2048, 32], strides = [1, 1]} : vector<2048x128xf32> to vector<2048x32xf32>
      %reduce_sum3A_238 = arith.constant dense<0.000000e+00> : vector<2048xf32>
      %reduce_sum3A_239 = vector.multi_reduction <add>, %slice3A_237, %reduce_sum3A_238 [1] : vector<2048x32xf32> to vector<2048xf32>
      %broadcast_in_dim3A_240 = vector.shape_cast %reduce_sum3A_239 : vector<2048xf32> to vector<2048x1xf32>
      %concatenate3A_241 = tpu.concatenate %broadcast_in_dim3A_228, %broadcast_in_dim3A_232, %broadcast_in_dim3A_236, %broadcast_in_dim3A_240 in 1 : vector<2048x1xf32>, vector<2048x1xf32>, vector<2048x1xf32>, vector<2048x1xf32> -> vector<2048x4xf32>
      %add3A_242 = arith.addf %concatenate3A_241, %dot_general3A_219 : vector<2048x4xf32>
      %ge3A = arith.constant 0.000000e+00 : f32
      %ge3A_243 = vector.broadcast %ge3A : f32 to vector<2048x4xf32>
      %ge3A_244 = arith.cmpf oge, %add3A_242, %ge3A_243 : vector<2048x4xf32>
      %mul3A_245 = arith.constant 2.000000e-01 : f32
      %mul3A_246 = vector.broadcast %mul3A_245 : f32 to vector<2048x4xf32>
      %mul3A_247 = arith.mulf %mul3A_246, %add3A_242 : vector<2048x4xf32>
      %select_n3A_248 = arith.select %ge3A_244, %add3A_242, %mul3A_247 : vector<2048x4xi1>, vector<2048x4xf32>
      %exp3A = math.exp %select_n3A_248 : vector<2048x4xf32>
      %slice3A_249 = vector.extract_strided_slice %get3A_222 {offsets = [0, 0], sizes = [2048, 32], strides = [1, 1]} : vector<2048x128xf32> to vector<2048x32xf32>
      %slice3A_250 = vector.extract_strided_slice %exp3A {offsets = [0, 0], sizes = [2048, 1], strides = [1, 1]} : vector<2048x4xf32> to vector<2048x1xf32>
      %mul3A_251 = vector.broadcast %slice3A_250 : vector<2048x1xf32> to vector<2048x32xf32>
      %mul3A_252 = arith.mulf %slice3A_249, %mul3A_251 : vector<2048x32xf32>
      %slice3A_253 = vector.extract_strided_slice %get3A_222 {offsets = [0, 32], sizes = [2048, 32], strides = [1, 1]} : vector<2048x128xf32> to vector<2048x32xf32>
      %slice3A_254 = vector.extract_strided_slice %exp3A {offsets = [0, 1], sizes = [2048, 1], strides = [1, 1]} : vector<2048x4xf32> to vector<2048x1xf32>
      %mul3A_255 = vector.broadcast %slice3A_254 : vector<2048x1xf32> to vector<2048x32xf32>
      %mul3A_256 = arith.mulf %slice3A_253, %mul3A_255 : vector<2048x32xf32>
      %slice3A_257 = vector.extract_strided_slice %get3A_222 {offsets = [0, 64], sizes = [2048, 32], strides = [1, 1]} : vector<2048x128xf32> to vector<2048x32xf32>
      %slice3A_258 = vector.extract_strided_slice %exp3A {offsets = [0, 2], sizes = [2048, 1], strides = [1, 1]} : vector<2048x4xf32> to vector<2048x1xf32>
      %mul3A_259 = vector.broadcast %slice3A_258 : vector<2048x1xf32> to vector<2048x32xf32>
      %mul3A_260 = arith.mulf %slice3A_257, %mul3A_259 : vector<2048x32xf32>
      %slice3A_261 = vector.extract_strided_slice %get3A_222 {offsets = [0, 96], sizes = [2048, 32], strides = [1, 1]} : vector<2048x128xf32> to vector<2048x32xf32>
      %slice3A_262 = vector.extract_strided_slice %exp3A {offsets = [0, 3], sizes = [2048, 1], strides = [1, 1]} : vector<2048x4xf32> to vector<2048x1xf32>
      %mul3A_263 = vector.broadcast %slice3A_262 : vector<2048x1xf32> to vector<2048x32xf32>
      %mul3A_264 = arith.mulf %slice3A_261, %mul3A_263 : vector<2048x32xf32>
      %concatenate3A_265 = tpu.concatenate %mul3A_252, %mul3A_256, %mul3A_260, %mul3A_264, %exp3A in 1 : vector<2048x32xf32>, vector<2048x32xf32>, vector<2048x32xf32>, vector<2048x32xf32>, vector<2048x4xf32> -> vector<2048x132xf32>
      %dot_general3A_266 = arith.constant dense<0.000000e+00> : vector<512x132xf32>
      %dot_general3A_267 = tpu.matmul %convert_element_type3A_218, %concatenate3A_265, %dot_general3A_266 {dimension_numbers = #tpu.dot_dimension_numbers<[0], [0], [1], [1], [0, 1, 1, 1], [], []>, transpose_lhs_hint = false} : vector<2048x512xf32>, vector<2048x132xf32>, vector<512x132xf32> -> vector<512x132xf32>
      %add3A_268 = arith.addf %while3A_195, %dot_general3A_267 : vector<512x132xf32>
      %add3A_269 = arith.constant 2 : i32
      %add3A_270 = arith.addi %add3A_198, %add3A_269 : i32
      %lt3A_271 = arith.cmpi slt, %add3A_270, %select_n3A_46 : i32
      %convert_element_type3A_272 = arith.extui %lt3A_271 : i1 to i32
      %cond3A_273 = arith.constant 0 : i32
      %cond3A_274 = arith.cmpi ne, %convert_element_type3A_272, %cond3A_273 : i32
      scf.if %cond3A_274 {
        %add3A_346 = arith.constant 2 : i32
        %add3A_347 = arith.addi %add3A_198, %add3A_346 : i32
        %mul3A_348 = arith.constant 2048 : i32
        %mul3A_349 = arith.muli %add3A_347, %mul3A_348 : i32
        %dma_start3A_350 = arith.constant 0 : i32
        %dma_start3A_351 = tpu.memref_slice %arg3[%mul3A_349, %dma_start3A_350] : memref<1703936x128xf32, #tpu.memory_space<any>> -> memref<2048x128xf32, #tpu.memory_space<any>>
        tpu.enqueue_dma source(%dma_start3A_351 : memref<2048x128xf32, #tpu.memory_space<any>>) target(%arg12 : memref<2048x128xf32, #tpu.memory_space<vmem>>) target_semaphore(%arg16 : memref<!tpu.dma_semaphore, #tpu.memory_space<semaphore_mem>>)
        %mul3A_352 = arith.constant 2048 : i32
        %mul3A_353 = arith.muli %add3A_347, %mul3A_352 : i32
        %dma_start3A_354 = arith.constant 0 : i32
        %dma_start3A_355 = tpu.memref_slice %arg4[%mul3A_353, %dma_start3A_354] : memref<1703936x1xi32, #tpu.memory_space<any>> -> memref<2048x1xi32, #tpu.memory_space<any>>
        tpu.enqueue_dma source(%dma_start3A_355 : memref<2048x1xi32, #tpu.memory_space<any>>) target(%arg13 : memref<2048x1xi32, #tpu.memory_space<vmem>>) target_semaphore(%arg17 : memref<!tpu.dma_semaphore, #tpu.memory_space<semaphore_mem>>)
      } else {
      }
      %lt3A_275 = arith.cmpi slt, %add3A_200, %select_n3A_46 : i32
      %convert_element_type3A_276 = arith.extui %lt3A_275 : i1 to i32
      %cond3A_277 = arith.constant 0 : i32
      %cond3A_278 = arith.cmpi ne, %convert_element_type3A_276, %cond3A_277 : i32
      scf.if %cond3A_278 {
        %mul3A_346 = arith.constant 2048 : i32
        %mul3A_347 = arith.muli %add3A_200, %mul3A_346 : i32
        %dma_wait3A_348 = arith.constant 0 : i32
        %dma_wait3A_349 = tpu.memref_slice %arg3[%mul3A_347, %dma_wait3A_348] : memref<1703936x128xf32, #tpu.memory_space<any>> -> memref<2048x128xf32, #tpu.memory_space<any>>
        tpu.wait_dma2 semaphore(%arg18 : memref<!tpu.dma_semaphore, #tpu.memory_space<semaphore_mem>>) src(%dma_wait3A_349 : memref<2048x128xf32, #tpu.memory_space<any>>) dst(%arg14 : memref<2048x128xf32, #tpu.memory_space<vmem>>)
        %mul3A_350 = arith.constant 2048 : i32
        %mul3A_351 = arith.muli %add3A_200, %mul3A_350 : i32
        %dma_wait3A_352 = arith.constant 0 : i32
        %dma_wait3A_353 = tpu.memref_slice %arg4[%mul3A_351, %dma_wait3A_352] : memref<1703936x1xi32, #tpu.memory_space<any>> -> memref<2048x1xi32, #tpu.memory_space<any>>
        tpu.wait_dma2 semaphore(%arg19 : memref<!tpu.dma_semaphore, #tpu.memory_space<semaphore_mem>>) src(%dma_wait3A_353 : memref<2048x1xi32, #tpu.memory_space<any>>) dst(%arg15 : memref<2048x1xi32, #tpu.memory_space<vmem>>)
      } else {
      }
      %lt3A_279 = arith.cmpi slt, %add3A_200, %select_n3A_46 : i32
      %get3A_280 = arith.constant 0 : index
      %get3A_281 = arith.constant 0 : index
      %get3A_282 = vector.load %arg15[%get3A_280, %get3A_281] : memref<2048x1xi32, #tpu.memory_space<vmem>>, vector<2048x1xi32>
      %sub3A_283 = vector.broadcast %mul3A_0 : i32 to vector<2048x1xi32>
      %sub3A_284 = arith.subi %get3A_282, %sub3A_283 : vector<2048x1xi32>
      %iota3A_285 = tpu.iota {dimensions = array<i32: 1>} : vector<2048x512xi32>
      %eq3A_286 = vector.broadcast %sub3A_284 : vector<2048x1xi32> to vector<2048x512xi32>
      %eq3A_287 = arith.cmpi eq, %eq3A_286, %iota3A_285 : vector<2048x512xi32>
      %convert_element_type3A_288 = arith.extui %eq3A_287 : vector<2048x512xi1> to vector<2048x512xi32>
      %convert_element_type3A_289 = arith.sitofp %convert_element_type3A_288 : vector<2048x512xi32> to vector<2048x512xf32>
      %dot_general3A_290 = arith.constant dense<0.000000e+00> : vector<2048x4xf32>
      %dot_general3A_291 = tpu.matmul %convert_element_type3A_289, %concatenate3A, %dot_general3A_290 {dimension_numbers = #tpu.dot_dimension_numbers<[1], [0], [0], [1], [0, 0, 1, 1], [], []>, transpose_lhs_hint = false} : vector<2048x512xf32>, vector<512x4xf32>, vector<2048x4xf32> -> vector<2048x4xf32>
      %get3A_292 = arith.constant 0 : index
      %get3A_293 = arith.constant 0 : index
      %get3A_294 = vector.load %arg14[%get3A_292, %get3A_293] : memref<2048x128xf32, #tpu.memory_space<vmem>>, vector<2048x128xf32>
      %mul3A_295 = vector.broadcast %get3A_61 : vector<1x128xf32> to vector<2048x128xf32>
      %mul3A_296 = arith.mulf %get3A_294, %mul3A_295 : vector<2048x128xf32>
      %slice3A_297 = vector.extract_strided_slice %mul3A_296 {offsets = [0, 0], sizes = [2048, 32], strides = [1, 1]} : vector<2048x128xf32> to vector<2048x32xf32>
      %reduce_sum3A_298 = arith.constant dense<0.000000e+00> : vector<2048xf32>
      %reduce_sum3A_299 = vector.multi_reduction <add>, %slice3A_297, %reduce_sum3A_298 [1] : vector<2048x32xf32> to vector<2048xf32>
      %broadcast_in_dim3A_300 = vector.shape_cast %reduce_sum3A_299 : vector<2048xf32> to vector<2048x1xf32>
      %slice3A_301 = vector.extract_strided_slice %mul3A_296 {offsets = [0, 32], sizes = [2048, 32], strides = [1, 1]} : vector<2048x128xf32> to vector<2048x32xf32>
      %reduce_sum3A_302 = arith.constant dense<0.000000e+00> : vector<2048xf32>
      %reduce_sum3A_303 = vector.multi_reduction <add>, %slice3A_301, %reduce_sum3A_302 [1] : vector<2048x32xf32> to vector<2048xf32>
      %broadcast_in_dim3A_304 = vector.shape_cast %reduce_sum3A_303 : vector<2048xf32> to vector<2048x1xf32>
      %slice3A_305 = vector.extract_strided_slice %mul3A_296 {offsets = [0, 64], sizes = [2048, 32], strides = [1, 1]} : vector<2048x128xf32> to vector<2048x32xf32>
      %reduce_sum3A_306 = arith.constant dense<0.000000e+00> : vector<2048xf32>
      %reduce_sum3A_307 = vector.multi_reduction <add>, %slice3A_305, %reduce_sum3A_306 [1] : vector<2048x32xf32> to vector<2048xf32>
      %broadcast_in_dim3A_308 = vector.shape_cast %reduce_sum3A_307 : vector<2048xf32> to vector<2048x1xf32>
      %slice3A_309 = vector.extract_strided_slice %mul3A_296 {offsets = [0, 96], sizes = [2048, 32], strides = [1, 1]} : vector<2048x128xf32> to vector<2048x32xf32>
      %reduce_sum3A_310 = arith.constant dense<0.000000e+00> : vector<2048xf32>
      %reduce_sum3A_311 = vector.multi_reduction <add>, %slice3A_309, %reduce_sum3A_310 [1] : vector<2048x32xf32> to vector<2048xf32>
      %broadcast_in_dim3A_312 = vector.shape_cast %reduce_sum3A_311 : vector<2048xf32> to vector<2048x1xf32>
      %concatenate3A_313 = tpu.concatenate %broadcast_in_dim3A_300, %broadcast_in_dim3A_304, %broadcast_in_dim3A_308, %broadcast_in_dim3A_312 in 1 : vector<2048x1xf32>, vector<2048x1xf32>, vector<2048x1xf32>, vector<2048x1xf32> -> vector<2048x4xf32>
      %add3A_314 = arith.addf %concatenate3A_313, %dot_general3A_291 : vector<2048x4xf32>
      %ge3A_315 = arith.constant 0.000000e+00 : f32
      %ge3A_316 = vector.broadcast %ge3A_315 : f32 to vector<2048x4xf32>
      %ge3A_317 = arith.cmpf oge, %add3A_314, %ge3A_316 : vector<2048x4xf32>
      %mul3A_318 = arith.constant 2.000000e-01 : f32
      %mul3A_319 = vector.broadcast %mul3A_318 : f32 to vector<2048x4xf32>
      %mul3A_320 = arith.mulf %mul3A_319, %add3A_314 : vector<2048x4xf32>
      %select_n3A_321 = arith.select %ge3A_317, %add3A_314, %mul3A_320 : vector<2048x4xi1>, vector<2048x4xf32>
      %exp3A_322 = math.exp %select_n3A_321 : vector<2048x4xf32>
      %slice3A_323 = vector.extract_strided_slice %get3A_294 {offsets = [0, 0], sizes = [2048, 32], strides = [1, 1]} : vector<2048x128xf32> to vector<2048x32xf32>
      %slice3A_324 = vector.extract_strided_slice %exp3A_322 {offsets = [0, 0], sizes = [2048, 1], strides = [1, 1]} : vector<2048x4xf32> to vector<2048x1xf32>
      %mul3A_325 = vector.broadcast %slice3A_324 : vector<2048x1xf32> to vector<2048x32xf32>
      %mul3A_326 = arith.mulf %slice3A_323, %mul3A_325 : vector<2048x32xf32>
      %slice3A_327 = vector.extract_strided_slice %get3A_294 {offsets = [0, 32], sizes = [2048, 32], strides = [1, 1]} : vector<2048x128xf32> to vector<2048x32xf32>
      %slice3A_328 = vector.extract_strided_slice %exp3A_322 {offsets = [0, 1], sizes = [2048, 1], strides = [1, 1]} : vector<2048x4xf32> to vector<2048x1xf32>
      %mul3A_329 = vector.broadcast %slice3A_328 : vector<2048x1xf32> to vector<2048x32xf32>
      %mul3A_330 = arith.mulf %slice3A_327, %mul3A_329 : vector<2048x32xf32>
      %slice3A_331 = vector.extract_strided_slice %get3A_294 {offsets = [0, 64], sizes = [2048, 32], strides = [1, 1]} : vector<2048x128xf32> to vector<2048x32xf32>
      %slice3A_332 = vector.extract_strided_slice %exp3A_322 {offsets = [0, 2], sizes = [2048, 1], strides = [1, 1]} : vector<2048x4xf32> to vector<2048x1xf32>
      %mul3A_333 = vector.broadcast %slice3A_332 : vector<2048x1xf32> to vector<2048x32xf32>
      %mul3A_334 = arith.mulf %slice3A_331, %mul3A_333 : vector<2048x32xf32>
      %slice3A_335 = vector.extract_strided_slice %get3A_294 {offsets = [0, 96], sizes = [2048, 32], strides = [1, 1]} : vector<2048x128xf32> to vector<2048x32xf32>
      %slice3A_336 = vector.extract_strided_slice %exp3A_322 {offsets = [0, 3], sizes = [2048, 1], strides = [1, 1]} : vector<2048x4xf32> to vector<2048x1xf32>
      %mul3A_337 = vector.broadcast %slice3A_336 : vector<2048x1xf32> to vector<2048x32xf32>
      %mul3A_338 = arith.mulf %slice3A_335, %mul3A_337 : vector<2048x32xf32>
      %concatenate3A_339 = tpu.concatenate %mul3A_326, %mul3A_330, %mul3A_334, %mul3A_338, %exp3A_322 in 1 : vector<2048x32xf32>, vector<2048x32xf32>, vector<2048x32xf32>, vector<2048x32xf32>, vector<2048x4xf32> -> vector<2048x132xf32>
      %dot_general3A_340 = arith.constant dense<0.000000e+00> : vector<512x132xf32>
      %dot_general3A_341 = tpu.matmul %convert_element_type3A_289, %concatenate3A_339, %dot_general3A_340 {dimension_numbers = #tpu.dot_dimension_numbers<[0], [0], [1], [1], [0, 1, 1, 1], [], []>, transpose_lhs_hint = false} : vector<2048x512xf32>, vector<2048x132xf32>, vector<512x132xf32> -> vector<512x132xf32>
      %jit3A_342 = arith.constant 0.000000e+00 : f32
      %broadcast_in_dim3A_343 = vector.broadcast %jit3A_342 : f32 to vector<512x132xf32>
      %select_n3A_344 = arith.select %lt3A_279, %dot_general3A_341, %broadcast_in_dim3A_343 : vector<512x132xf32>
      %add3A_345 = arith.addf %add3A_268, %select_n3A_344 : vector<512x132xf32>
      scf.yield %add3A_345 : vector<512x132xf32>
    }
    %while3A_122 = arith.constant 1 : i32
    %while3A_123 = scf.for %while3A_194 = %while3A_119 to %while3A_115 step %while3A_122 iter_args(%while3A_195 = %while3A_121) -> (vector<512x132xf32>)  : i32 {
      %mul3A_196 = arith.constant 2 : i32
      %mul3A_197 = arith.muli %mul3A_196, %while3A_194 : i32
      %add3A_198 = arith.addi %select_n3A, %mul3A_197 : i32
      %add3A_199 = arith.constant 1 : i32
      %add3A_200 = arith.addi %add3A_198, %add3A_199 : i32
      %lt3A_201 = arith.cmpi slt, %add3A_200, %select_n3A_46 : i32
      %convert_element_type3A = arith.extui %lt3A_201 : i1 to i32
      %cond3A = arith.constant 0 : i32
      %cond3A_202 = arith.cmpi ne, %convert_element_type3A, %cond3A : i32
      scf.if %cond3A_202 {
        %mul3A_346 = arith.constant 2048 : i32
        %mul3A_347 = arith.muli %add3A_200, %mul3A_346 : i32
        %dma_start3A_348 = arith.constant 0 : i32
        %dma_start3A_349 = tpu.memref_slice %arg3[%mul3A_347, %dma_start3A_348] : memref<1703936x128xf32, #tpu.memory_space<any>> -> memref<2048x128xf32, #tpu.memory_space<any>>
        tpu.enqueue_dma source(%dma_start3A_349 : memref<2048x128xf32, #tpu.memory_space<any>>) target(%arg14 : memref<2048x128xf32, #tpu.memory_space<vmem>>) target_semaphore(%arg18 : memref<!tpu.dma_semaphore, #tpu.memory_space<semaphore_mem>>)
        %mul3A_350 = arith.constant 2048 : i32
        %mul3A_351 = arith.muli %add3A_200, %mul3A_350 : i32
        %dma_start3A_352 = arith.constant 0 : i32
        %dma_start3A_353 = tpu.memref_slice %arg4[%mul3A_351, %dma_start3A_352] : memref<1703936x1xi32, #tpu.memory_space<any>> -> memref<2048x1xi32, #tpu.memory_space<any>>
        tpu.enqueue_dma source(%dma_start3A_353 : memref<2048x1xi32, #tpu.memory_space<any>>) target(%arg15 : memref<2048x1xi32, #tpu.memory_space<vmem>>) target_semaphore(%arg19 : memref<!tpu.dma_semaphore, #tpu.memory_space<semaphore_mem>>)
      } else {
      }
      %mul3A_203 = arith.constant 2048 : i32
      %mul3A_204 = arith.muli %add3A_198, %mul3A_203 : i32
      %dma_wait3A = arith.constant 0 : i32
      %dma_wait3A_205 = tpu.memref_slice %arg3[%mul3A_204, %dma_wait3A] : memref<1703936x128xf32, #tpu.memory_space<any>> -> memref<2048x128xf32, #tpu.memory_space<any>>
      tpu.wait_dma2 semaphore(%arg16 : memref<!tpu.dma_semaphore, #tpu.memory_space<semaphore_mem>>) src(%dma_wait3A_205 : memref<2048x128xf32, #tpu.memory_space<any>>) dst(%arg12 : memref<2048x128xf32, #tpu.memory_space<vmem>>)
      %mul3A_206 = arith.constant 2048 : i32
      %mul3A_207 = arith.muli %add3A_198, %mul3A_206 : i32
      %dma_wait3A_208 = arith.constant 0 : i32
      %dma_wait3A_209 = tpu.memref_slice %arg4[%mul3A_207, %dma_wait3A_208] : memref<1703936x1xi32, #tpu.memory_space<any>> -> memref<2048x1xi32, #tpu.memory_space<any>>
      tpu.wait_dma2 semaphore(%arg17 : memref<!tpu.dma_semaphore, #tpu.memory_space<semaphore_mem>>) src(%dma_wait3A_209 : memref<2048x1xi32, #tpu.memory_space<any>>) dst(%arg13 : memref<2048x1xi32, #tpu.memory_space<vmem>>)
      %get3A_210 = arith.constant 0 : index
      %get3A_211 = arith.constant 0 : index
      %get3A_212 = vector.load %arg13[%get3A_210, %get3A_211] : memref<2048x1xi32, #tpu.memory_space<vmem>>, vector<2048x1xi32>
      %sub3A_213 = vector.broadcast %mul3A_0 : i32 to vector<2048x1xi32>
      %sub3A_214 = arith.subi %get3A_212, %sub3A_213 : vector<2048x1xi32>
      %iota3A_215 = tpu.iota {dimensions = array<i32: 1>} : vector<2048x512xi32>
      %eq3A = vector.broadcast %sub3A_214 : vector<2048x1xi32> to vector<2048x512xi32>
      %eq3A_216 = arith.cmpi eq, %eq3A, %iota3A_215 : vector<2048x512xi32>
      %convert_element_type3A_217 = arith.extui %eq3A_216 : vector<2048x512xi1> to vector<2048x512xi32>
      %convert_element_type3A_218 = arith.sitofp %convert_element_type3A_217 : vector<2048x512xi32> to vector<2048x512xf32>
      %dot_general3A = arith.constant dense<0.000000e+00> : vector<2048x4xf32>
      %dot_general3A_219 = tpu.matmul %convert_element_type3A_218, %concatenate3A, %dot_general3A {dimension_numbers = #tpu.dot_dimension_numbers<[1], [0], [0], [1], [0, 0, 1, 1], [], []>, transpose_lhs_hint = false} : vector<2048x512xf32>, vector<512x4xf32>, vector<2048x4xf32> -> vector<2048x4xf32>
      %get3A_220 = arith.constant 0 : index
      %get3A_221 = arith.constant 0 : index
      %get3A_222 = vector.load %arg12[%get3A_220, %get3A_221] : memref<2048x128xf32, #tpu.memory_space<vmem>>, vector<2048x128xf32>
      %mul3A_223 = vector.broadcast %get3A_61 : vector<1x128xf32> to vector<2048x128xf32>
      %mul3A_224 = arith.mulf %get3A_222, %mul3A_223 : vector<2048x128xf32>
      %slice3A_225 = vector.extract_strided_slice %mul3A_224 {offsets = [0, 0], sizes = [2048, 32], strides = [1, 1]} : vector<2048x128xf32> to vector<2048x32xf32>
      %reduce_sum3A_226 = arith.constant dense<0.000000e+00> : vector<2048xf32>
      %reduce_sum3A_227 = vector.multi_reduction <add>, %slice3A_225, %reduce_sum3A_226 [1] : vector<2048x32xf32> to vector<2048xf32>
      %broadcast_in_dim3A_228 = vector.shape_cast %reduce_sum3A_227 : vector<2048xf32> to vector<2048x1xf32>
      %slice3A_229 = vector.extract_strided_slice %mul3A_224 {offsets = [0, 32], sizes = [2048, 32], strides = [1, 1]} : vector<2048x128xf32> to vector<2048x32xf32>
      %reduce_sum3A_230 = arith.constant dense<0.000000e+00> : vector<2048xf32>
      %reduce_sum3A_231 = vector.multi_reduction <add>, %slice3A_229, %reduce_sum3A_230 [1] : vector<2048x32xf32> to vector<2048xf32>
      %broadcast_in_dim3A_232 = vector.shape_cast %reduce_sum3A_231 : vector<2048xf32> to vector<2048x1xf32>
      %slice3A_233 = vector.extract_strided_slice %mul3A_224 {offsets = [0, 64], sizes = [2048, 32], strides = [1, 1]} : vector<2048x128xf32> to vector<2048x32xf32>
      %reduce_sum3A_234 = arith.constant dense<0.000000e+00> : vector<2048xf32>
      %reduce_sum3A_235 = vector.multi_reduction <add>, %slice3A_233, %reduce_sum3A_234 [1] : vector<2048x32xf32> to vector<2048xf32>
      %broadcast_in_dim3A_236 = vector.shape_cast %reduce_sum3A_235 : vector<2048xf32> to vector<2048x1xf32>
      %slice3A_237 = vector.extract_strided_slice %mul3A_224 {offsets = [0, 96], sizes = [2048, 32], strides = [1, 1]} : vector<2048x128xf32> to vector<2048x32xf32>
      %reduce_sum3A_238 = arith.constant dense<0.000000e+00> : vector<2048xf32>
      %reduce_sum3A_239 = vector.multi_reduction <add>, %slice3A_237, %reduce_sum3A_238 [1] : vector<2048x32xf32> to vector<2048xf32>
      %broadcast_in_dim3A_240 = vector.shape_cast %reduce_sum3A_239 : vector<2048xf32> to vector<2048x1xf32>
      %concatenate3A_241 = tpu.concatenate %broadcast_in_dim3A_228, %broadcast_in_dim3A_232, %broadcast_in_dim3A_236, %broadcast_in_dim3A_240 in 1 : vector<2048x1xf32>, vector<2048x1xf32>, vector<2048x1xf32>, vector<2048x1xf32> -> vector<2048x4xf32>
      %add3A_242 = arith.addf %concatenate3A_241, %dot_general3A_219 : vector<2048x4xf32>
      %ge3A = arith.constant 0.000000e+00 : f32
      %ge3A_243 = vector.broadcast %ge3A : f32 to vector<2048x4xf32>
      %ge3A_244 = arith.cmpf oge, %add3A_242, %ge3A_243 : vector<2048x4xf32>
      %mul3A_245 = arith.constant 2.000000e-01 : f32
      %mul3A_246 = vector.broadcast %mul3A_245 : f32 to vector<2048x4xf32>
      %mul3A_247 = arith.mulf %mul3A_246, %add3A_242 : vector<2048x4xf32>
      %select_n3A_248 = arith.select %ge3A_244, %add3A_242, %mul3A_247 : vector<2048x4xi1>, vector<2048x4xf32>
      %exp3A = math.exp %select_n3A_248 : vector<2048x4xf32>
      %slice3A_249 = vector.extract_strided_slice %get3A_222 {offsets = [0, 0], sizes = [2048, 32], strides = [1, 1]} : vector<2048x128xf32> to vector<2048x32xf32>
      %slice3A_250 = vector.extract_strided_slice %exp3A {offsets = [0, 0], sizes = [2048, 1], strides = [1, 1]} : vector<2048x4xf32> to vector<2048x1xf32>
      %mul3A_251 = vector.broadcast %slice3A_250 : vector<2048x1xf32> to vector<2048x32xf32>
      %mul3A_252 = arith.mulf %slice3A_249, %mul3A_251 : vector<2048x32xf32>
      %slice3A_253 = vector.extract_strided_slice %get3A_222 {offsets = [0, 32], sizes = [2048, 32], strides = [1, 1]} : vector<2048x128xf32> to vector<2048x32xf32>
      %slice3A_254 = vector.extract_strided_slice %exp3A {offsets = [0, 1], sizes = [2048, 1], strides = [1, 1]} : vector<2048x4xf32> to vector<2048x1xf32>
      %mul3A_255 = vector.broadcast %slice3A_254 : vector<2048x1xf32> to vector<2048x32xf32>
      %mul3A_256 = arith.mulf %slice3A_253, %mul3A_255 : vector<2048x32xf32>
      %slice3A_257 = vector.extract_strided_slice %get3A_222 {offsets = [0, 64], sizes = [2048, 32], strides = [1, 1]} : vector<2048x128xf32> to vector<2048x32xf32>
      %slice3A_258 = vector.extract_strided_slice %exp3A {offsets = [0, 2], sizes = [2048, 1], strides = [1, 1]} : vector<2048x4xf32> to vector<2048x1xf32>
      %mul3A_259 = vector.broadcast %slice3A_258 : vector<2048x1xf32> to vector<2048x32xf32>
      %mul3A_260 = arith.mulf %slice3A_257, %mul3A_259 : vector<2048x32xf32>
      %slice3A_261 = vector.extract_strided_slice %get3A_222 {offsets = [0, 96], sizes = [2048, 32], strides = [1, 1]} : vector<2048x128xf32> to vector<2048x32xf32>
      %slice3A_262 = vector.extract_strided_slice %exp3A {offsets = [0, 3], sizes = [2048, 1], strides = [1, 1]} : vector<2048x4xf32> to vector<2048x1xf32>
      %mul3A_263 = vector.broadcast %slice3A_262 : vector<2048x1xf32> to vector<2048x32xf32>
      %mul3A_264 = arith.mulf %slice3A_261, %mul3A_263 : vector<2048x32xf32>
      %concatenate3A_265 = tpu.concatenate %mul3A_252, %mul3A_256, %mul3A_260, %mul3A_264, %exp3A in 1 : vector<2048x32xf32>, vector<2048x32xf32>, vector<2048x32xf32>, vector<2048x32xf32>, vector<2048x4xf32> -> vector<2048x132xf32>
      %dot_general3A_266 = arith.constant dense<0.000000e+00> : vector<512x132xf32>
      %dot_general3A_267 = tpu.matmul %convert_element_type3A_218, %concatenate3A_265, %dot_general3A_266 {dimension_numbers = #tpu.dot_dimension_numbers<[0], [0], [1], [1], [0, 1, 1, 1], [], []>, transpose_lhs_hint = false} : vector<2048x512xf32>, vector<2048x132xf32>, vector<512x132xf32> -> vector<512x132xf32>
      %add3A_268 = arith.addf %while3A_195, %dot_general3A_267 : vector<512x132xf32>
      %add3A_269 = arith.constant 2 : i32
      %add3A_270 = arith.addi %add3A_198, %add3A_269 : i32
      %lt3A_271 = arith.cmpi slt, %add3A_270, %select_n3A_46 : i32
      %convert_element_type3A_272 = arith.extui %lt3A_271 : i1 to i32
      %cond3A_273 = arith.constant 0 : i32
      %cond3A_274 = arith.cmpi ne, %convert_element_type3A_272, %cond3A_273 : i32
      scf.if %cond3A_274 {
        %add3A_346 = arith.constant 2 : i32
        %add3A_347 = arith.addi %add3A_198, %add3A_346 : i32
        %mul3A_348 = arith.constant 2048 : i32
        %mul3A_349 = arith.muli %add3A_347, %mul3A_348 : i32
        %dma_start3A_350 = arith.constant 0 : i32
        %dma_start3A_351 = tpu.memref_slice %arg3[%mul3A_349, %dma_start3A_350] : memref<1703936x128xf32, #tpu.memory_space<any>> -> memref<2048x128xf32, #tpu.memory_space<any>>
        tpu.enqueue_dma source(%dma_start3A_351 : memref<2048x128xf32, #tpu.memory_space<any>>) target(%arg12 : memref<2048x128xf32, #tpu.memory_space<vmem>>) target_semaphore(%arg16 : memref<!tpu.dma_semaphore, #tpu.memory_space<semaphore_mem>>)
        %mul3A_352 = arith.constant 2048 : i32
        %mul3A_353 = arith.muli %add3A_347, %mul3A_352 : i32
        %dma_start3A_354 = arith.constant 0 : i32
        %dma_start3A_355 = tpu.memref_slice %arg4[%mul3A_353, %dma_start3A_354] : memref<1703936x1xi32, #tpu.memory_space<any>> -> memref<2048x1xi32, #tpu.memory_space<any>>
        tpu.enqueue_dma source(%dma_start3A_355 : memref<2048x1xi32, #tpu.memory_space<any>>) target(%arg13 : memref<2048x1xi32, #tpu.memory_space<vmem>>) target_semaphore(%arg17 : memref<!tpu.dma_semaphore, #tpu.memory_space<semaphore_mem>>)
      } else {
      }
      %lt3A_275 = arith.cmpi slt, %add3A_200, %select_n3A_46 : i32
      %convert_element_type3A_276 = arith.extui %lt3A_275 : i1 to i32
      %cond3A_277 = arith.constant 0 : i32
      %cond3A_278 = arith.cmpi ne, %convert_element_type3A_276, %cond3A_277 : i32
      scf.if %cond3A_278 {
        %mul3A_346 = arith.constant 2048 : i32
        %mul3A_347 = arith.muli %add3A_200, %mul3A_346 : i32
        %dma_wait3A_348 = arith.constant 0 : i32
        %dma_wait3A_349 = tpu.memref_slice %arg3[%mul3A_347, %dma_wait3A_348] : memref<1703936x128xf32, #tpu.memory_space<any>> -> memref<2048x128xf32, #tpu.memory_space<any>>
        tpu.wait_dma2 semaphore(%arg18 : memref<!tpu.dma_semaphore, #tpu.memory_space<semaphore_mem>>) src(%dma_wait3A_349 : memref<2048x128xf32, #tpu.memory_space<any>>) dst(%arg14 : memref<2048x128xf32, #tpu.memory_space<vmem>>)
        %mul3A_350 = arith.constant 2048 : i32
        %mul3A_351 = arith.muli %add3A_200, %mul3A_350 : i32
        %dma_wait3A_352 = arith.constant 0 : i32
        %dma_wait3A_353 = tpu.memref_slice %arg4[%mul3A_351, %dma_wait3A_352] : memref<1703936x1xi32, #tpu.memory_space<any>> -> memref<2048x1xi32, #tpu.memory_space<any>>
        tpu.wait_dma2 semaphore(%arg19 : memref<!tpu.dma_semaphore, #tpu.memory_space<semaphore_mem>>) src(%dma_wait3A_353 : memref<2048x1xi32, #tpu.memory_space<any>>) dst(%arg15 : memref<2048x1xi32, #tpu.memory_space<vmem>>)
      } else {
      }
      %lt3A_279 = arith.cmpi slt, %add3A_200, %select_n3A_46 : i32
      %get3A_280 = arith.constant 0 : index
      %get3A_281 = arith.constant 0 : index
      %get3A_282 = vector.load %arg15[%get3A_280, %get3A_281] : memref<2048x1xi32, #tpu.memory_space<vmem>>, vector<2048x1xi32>
      %sub3A_283 = vector.broadcast %mul3A_0 : i32 to vector<2048x1xi32>
      %sub3A_284 = arith.subi %get3A_282, %sub3A_283 : vector<2048x1xi32>
      %iota3A_285 = tpu.iota {dimensions = array<i32: 1>} : vector<2048x512xi32>
      %eq3A_286 = vector.broadcast %sub3A_284 : vector<2048x1xi32> to vector<2048x512xi32>
      %eq3A_287 = arith.cmpi eq, %eq3A_286, %iota3A_285 : vector<2048x512xi32>
      %convert_element_type3A_288 = arith.extui %eq3A_287 : vector<2048x512xi1> to vector<2048x512xi32>
      %convert_element_type3A_289 = arith.sitofp %convert_element_type3A_288 : vector<2048x512xi32> to vector<2048x512xf32>
      %dot_general3A_290 = arith.constant dense<0.000000e+00> : vector<2048x4xf32>
      %dot_general3A_291 = tpu.matmul %convert_element_type3A_289, %concatenate3A, %dot_general3A_290 {dimension_numbers = #tpu.dot_dimension_numbers<[1], [0], [0], [1], [0, 0, 1, 1], [], []>, transpose_lhs_hint = false} : vector<2048x512xf32>, vector<512x4xf32>, vector<2048x4xf32> -> vector<2048x4xf32>
      %get3A_292 = arith.constant 0 : index
      %get3A_293 = arith.constant 0 : index
      %get3A_294 = vector.load %arg14[%get3A_292, %get3A_293] : memref<2048x128xf32, #tpu.memory_space<vmem>>, vector<2048x128xf32>
      %mul3A_295 = vector.broadcast %get3A_61 : vector<1x128xf32> to vector<2048x128xf32>
      %mul3A_296 = arith.mulf %get3A_294, %mul3A_295 : vector<2048x128xf32>
      %slice3A_297 = vector.extract_strided_slice %mul3A_296 {offsets = [0, 0], sizes = [2048, 32], strides = [1, 1]} : vector<2048x128xf32> to vector<2048x32xf32>
      %reduce_sum3A_298 = arith.constant dense<0.000000e+00> : vector<2048xf32>
      %reduce_sum3A_299 = vector.multi_reduction <add>, %slice3A_297, %reduce_sum3A_298 [1] : vector<2048x32xf32> to vector<2048xf32>
      %broadcast_in_dim3A_300 = vector.shape_cast %reduce_sum3A_299 : vector<2048xf32> to vector<2048x1xf32>
      %slice3A_301 = vector.extract_strided_slice %mul3A_296 {offsets = [0, 32], sizes = [2048, 32], strides = [1, 1]} : vector<2048x128xf32> to vector<2048x32xf32>
      %reduce_sum3A_302 = arith.constant dense<0.000000e+00> : vector<2048xf32>
      %reduce_sum3A_303 = vector.multi_reduction <add>, %slice3A_301, %reduce_sum3A_302 [1] : vector<2048x32xf32> to vector<2048xf32>
      %broadcast_in_dim3A_304 = vector.shape_cast %reduce_sum3A_303 : vector<2048xf32> to vector<2048x1xf32>
      %slice3A_305 = vector.extract_strided_slice %mul3A_296 {offsets = [0, 64], sizes = [2048, 32], strides = [1, 1]} : vector<2048x128xf32> to vector<2048x32xf32>
      %reduce_sum3A_306 = arith.constant dense<0.000000e+00> : vector<2048xf32>
      %reduce_sum3A_307 = vector.multi_reduction <add>, %slice3A_305, %reduce_sum3A_306 [1] : vector<2048x32xf32> to vector<2048xf32>
      %broadcast_in_dim3A_308 = vector.shape_cast %reduce_sum3A_307 : vector<2048xf32> to vector<2048x1xf32>
      %slice3A_309 = vector.extract_strided_slice %mul3A_296 {offsets = [0, 96], sizes = [2048, 32], strides = [1, 1]} : vector<2048x128xf32> to vector<2048x32xf32>
      %reduce_sum3A_310 = arith.constant dense<0.000000e+00> : vector<2048xf32>
      %reduce_sum3A_311 = vector.multi_reduction <add>, %slice3A_309, %reduce_sum3A_310 [1] : vector<2048x32xf32> to vector<2048xf32>
      %broadcast_in_dim3A_312 = vector.shape_cast %reduce_sum3A_311 : vector<2048xf32> to vector<2048x1xf32>
      %concatenate3A_313 = tpu.concatenate %broadcast_in_dim3A_300, %broadcast_in_dim3A_304, %broadcast_in_dim3A_308, %broadcast_in_dim3A_312 in 1 : vector<2048x1xf32>, vector<2048x1xf32>, vector<2048x1xf32>, vector<2048x1xf32> -> vector<2048x4xf32>
      %add3A_314 = arith.addf %concatenate3A_313, %dot_general3A_291 : vector<2048x4xf32>
      %ge3A_315 = arith.constant 0.000000e+00 : f32
      %ge3A_316 = vector.broadcast %ge3A_315 : f32 to vector<2048x4xf32>
      %ge3A_317 = arith.cmpf oge, %add3A_314, %ge3A_316 : vector<2048x4xf32>
      %mul3A_318 = arith.constant 2.000000e-01 : f32
      %mul3A_319 = vector.broadcast %mul3A_318 : f32 to vector<2048x4xf32>
      %mul3A_320 = arith.mulf %mul3A_319, %add3A_314 : vector<2048x4xf32>
      %select_n3A_321 = arith.select %ge3A_317, %add3A_314, %mul3A_320 : vector<2048x4xi1>, vector<2048x4xf32>
      %exp3A_322 = math.exp %select_n3A_321 : vector<2048x4xf32>
      %slice3A_323 = vector.extract_strided_slice %get3A_294 {offsets = [0, 0], sizes = [2048, 32], strides = [1, 1]} : vector<2048x128xf32> to vector<2048x32xf32>
      %slice3A_324 = vector.extract_strided_slice %exp3A_322 {offsets = [0, 0], sizes = [2048, 1], strides = [1, 1]} : vector<2048x4xf32> to vector<2048x1xf32>
      %mul3A_325 = vector.broadcast %slice3A_324 : vector<2048x1xf32> to vector<2048x32xf32>
      %mul3A_326 = arith.mulf %slice3A_323, %mul3A_325 : vector<2048x32xf32>
      %slice3A_327 = vector.extract_strided_slice %get3A_294 {offsets = [0, 32], sizes = [2048, 32], strides = [1, 1]} : vector<2048x128xf32> to vector<2048x32xf32>
      %slice3A_328 = vector.extract_strided_slice %exp3A_322 {offsets = [0, 1], sizes = [2048, 1], strides = [1, 1]} : vector<2048x4xf32> to vector<2048x1xf32>
      %mul3A_329 = vector.broadcast %slice3A_328 : vector<2048x1xf32> to vector<2048x32xf32>
      %mul3A_330 = arith.mulf %slice3A_327, %mul3A_329 : vector<2048x32xf32>
      %slice3A_331 = vector.extract_strided_slice %get3A_294 {offsets = [0, 64], sizes = [2048, 32], strides = [1, 1]} : vector<2048x128xf32> to vector<2048x32xf32>
      %slice3A_332 = vector.extract_strided_slice %exp3A_322 {offsets = [0, 2], sizes = [2048, 1], strides = [1, 1]} : vector<2048x4xf32> to vector<2048x1xf32>
      %mul3A_333 = vector.broadcast %slice3A_332 : vector<2048x1xf32> to vector<2048x32xf32>
      %mul3A_334 = arith.mulf %slice3A_331, %mul3A_333 : vector<2048x32xf32>
      %slice3A_335 = vector.extract_strided_slice %get3A_294 {offsets = [0, 96], sizes = [2048, 32], strides = [1, 1]} : vector<2048x128xf32> to vector<2048x32xf32>
      %slice3A_336 = vector.extract_strided_slice %exp3A_322 {offsets = [0, 3], sizes = [2048, 1], strides = [1, 1]} : vector<2048x4xf32> to vector<2048x1xf32>
      %mul3A_337 = vector.broadcast %slice3A_336 : vector<2048x1xf32> to vector<2048x32xf32>
      %mul3A_338 = arith.mulf %slice3A_335, %mul3A_337 : vector<2048x32xf32>
      %concatenate3A_339 = tpu.concatenate %mul3A_326, %mul3A_330, %mul3A_334, %mul3A_338, %exp3A_322 in 1 : vector<2048x32xf32>, vector<2048x32xf32>, vector<2048x32xf32>, vector<2048x32xf32>, vector<2048x4xf32> -> vector<2048x132xf32>
      %dot_general3A_340 = arith.constant dense<0.000000e+00> : vector<512x132xf32>
      %dot_general3A_341 = tpu.matmul %convert_element_type3A_289, %concatenate3A_339, %dot_general3A_340 {dimension_numbers = #tpu.dot_dimension_numbers<[0], [0], [1], [1], [0, 1, 1, 1], [], []>, transpose_lhs_hint = false} : vector<2048x512xf32>, vector<2048x132xf32>, vector<512x132xf32> -> vector<512x132xf32>
      %jit3A_342 = arith.constant 0.000000e+00 : f32
      %broadcast_in_dim3A_343 = vector.broadcast %jit3A_342 : f32 to vector<512x132xf32>
      %select_n3A_344 = arith.select %lt3A_279, %dot_general3A_341, %broadcast_in_dim3A_343 : vector<512x132xf32>
      %add3A_345 = arith.addf %add3A_268, %select_n3A_344 : vector<512x132xf32>
      scf.yield %add3A_345 : vector<512x132xf32>
    }
    %slice3A_124 = vector.extract_strided_slice %while3A_123 {offsets = [0, 128], sizes = [512, 4], strides = [1, 1]} : vector<512x132xf32> to vector<512x4xf32>
    %slice3A_125 = vector.extract_strided_slice %while3A_123 {offsets = [0, 0], sizes = [512, 32], strides = [1, 1]} : vector<512x132xf32> to vector<512x32xf32>
    %slice3A_126 = vector.extract_strided_slice %slice3A_124 {offsets = [0, 0], sizes = [512, 1], strides = [1, 1]} : vector<512x4xf32> to vector<512x1xf32>
    %add3A_127 = arith.constant 1.000000e-16 : f32
    %add3A_128 = vector.broadcast %add3A_127 : f32 to vector<512x1xf32>
    %add3A_129 = arith.addf %slice3A_126, %add3A_128 : vector<512x1xf32>
    %div3A_130 = vector.broadcast %add3A_129 : vector<512x1xf32> to vector<512x32xf32>
    %div3A_131 = arith.divf %slice3A_125, %div3A_130 : vector<512x32xf32>
    %slice3A_132 = vector.extract_strided_slice %while3A_123 {offsets = [0, 32], sizes = [512, 32], strides = [1, 1]} : vector<512x132xf32> to vector<512x32xf32>
    %slice3A_133 = vector.extract_strided_slice %slice3A_124 {offsets = [0, 1], sizes = [512, 1], strides = [1, 1]} : vector<512x4xf32> to vector<512x1xf32>
    %add3A_134 = arith.constant 1.000000e-16 : f32
    %add3A_135 = vector.broadcast %add3A_134 : f32 to vector<512x1xf32>
    %add3A_136 = arith.addf %slice3A_133, %add3A_135 : vector<512x1xf32>
    %div3A_137 = vector.broadcast %add3A_136 : vector<512x1xf32> to vector<512x32xf32>
    %div3A_138 = arith.divf %slice3A_132, %div3A_137 : vector<512x32xf32>
    %slice3A_139 = vector.extract_strided_slice %while3A_123 {offsets = [0, 64], sizes = [512, 32], strides = [1, 1]} : vector<512x132xf32> to vector<512x32xf32>
    %slice3A_140 = vector.extract_strided_slice %slice3A_124 {offsets = [0, 2], sizes = [512, 1], strides = [1, 1]} : vector<512x4xf32> to vector<512x1xf32>
    %add3A_141 = arith.constant 1.000000e-16 : f32
    %add3A_142 = vector.broadcast %add3A_141 : f32 to vector<512x1xf32>
    %add3A_143 = arith.addf %slice3A_140, %add3A_142 : vector<512x1xf32>
    %div3A_144 = vector.broadcast %add3A_143 : vector<512x1xf32> to vector<512x32xf32>
    %div3A_145 = arith.divf %slice3A_139, %div3A_144 : vector<512x32xf32>
    %slice3A_146 = vector.extract_strided_slice %while3A_123 {offsets = [0, 96], sizes = [512, 32], strides = [1, 1]} : vector<512x132xf32> to vector<512x32xf32>
    %slice3A_147 = vector.extract_strided_slice %slice3A_124 {offsets = [0, 3], sizes = [512, 1], strides = [1, 1]} : vector<512x4xf32> to vector<512x1xf32>
    %add3A_148 = arith.constant 1.000000e-16 : f32
    %add3A_149 = vector.broadcast %add3A_148 : f32 to vector<512x1xf32>
    %add3A_150 = arith.addf %slice3A_147, %add3A_149 : vector<512x1xf32>
    %div3A_151 = vector.broadcast %add3A_150 : vector<512x1xf32> to vector<512x32xf32>
    %div3A_152 = arith.divf %slice3A_146, %div3A_151 : vector<512x32xf32>
    %concatenate3A_153 = tpu.concatenate %div3A_131, %div3A_138, %div3A_145, %div3A_152 in 1 : vector<512x32xf32>, vector<512x32xf32>, vector<512x32xf32>, vector<512x32xf32> -> vector<512x128xf32>
    %get3A_154 = arith.constant 0 : index
    %get3A_155 = arith.constant 0 : index
    %get3A_156 = vector.load %arg8[%get3A_154, %get3A_155] : memref<1x128xf32, #tpu.memory_space<vmem>>, vector<1x128xf32>
    %add3A_157 = vector.broadcast %get3A_156 : vector<1x128xf32> to vector<512x128xf32>
    %add3A_158 = arith.addf %concatenate3A_153, %add3A_157 : vector<512x128xf32>
    %reduce_sum3A_159 = arith.constant dense<0.000000e+00> : vector<512xf32>
    %reduce_sum3A_160 = vector.multi_reduction <add>, %add3A_158, %reduce_sum3A_159 [1] : vector<512x128xf32> to vector<512xf32>
    %broadcast_in_dim3A_161 = vector.shape_cast %reduce_sum3A_160 : vector<512xf32> to vector<512x1xf32>
    %div3A_162 = arith.constant 1.280000e+02 : f32
    %div3A_163 = vector.broadcast %div3A_162 : f32 to vector<512x1xf32>
    %div3A_164 = arith.divf %broadcast_in_dim3A_161, %div3A_163 : vector<512x1xf32>
    %sub3A_165 = vector.broadcast %div3A_164 : vector<512x1xf32> to vector<512x128xf32>
    %sub3A_166 = arith.subf %add3A_158, %sub3A_165 : vector<512x128xf32>
    %integer_pow3A = arith.mulf %sub3A_166, %sub3A_166 : vector<512x128xf32>
    %reduce_sum3A_167 = arith.constant dense<0.000000e+00> : vector<512xf32>
    %reduce_sum3A_168 = vector.multi_reduction <add>, %integer_pow3A, %reduce_sum3A_167 [1] : vector<512x128xf32> to vector<512xf32>
    %broadcast_in_dim3A_169 = vector.shape_cast %reduce_sum3A_168 : vector<512xf32> to vector<512x1xf32>
    %div3A_170 = arith.constant 1.280000e+02 : f32
    %div3A_171 = vector.broadcast %div3A_170 : f32 to vector<512x1xf32>
    %div3A_172 = arith.divf %broadcast_in_dim3A_169, %div3A_171 : vector<512x1xf32>
    %sub3A_173 = vector.broadcast %div3A_164 : vector<512x1xf32> to vector<512x128xf32>
    %sub3A_174 = arith.subf %add3A_158, %sub3A_173 : vector<512x128xf32>
    %add3A_175 = arith.constant 9.99999974E-6 : f32
    %add3A_176 = vector.broadcast %add3A_175 : f32 to vector<512x1xf32>
    %add3A_177 = arith.addf %div3A_172, %add3A_176 : vector<512x1xf32>
    %sqrt3A = math.sqrt %add3A_177 : vector<512x1xf32>
    %div3A_178 = vector.broadcast %sqrt3A : vector<512x1xf32> to vector<512x128xf32>
    %div3A_179 = arith.divf %sub3A_174, %div3A_178 : vector<512x128xf32>
    %get3A_180 = arith.constant 0 : index
    %get3A_181 = arith.constant 0 : index
    %get3A_182 = vector.load %arg9[%get3A_180, %get3A_181] : memref<1x128xf32, #tpu.memory_space<vmem>>, vector<1x128xf32>
    %mul3A_183 = vector.broadcast %get3A_182 : vector<1x128xf32> to vector<512x128xf32>
    %mul3A_184 = arith.mulf %div3A_179, %mul3A_183 : vector<512x128xf32>
    %get3A_185 = arith.constant 0 : index
    %get3A_186 = arith.constant 0 : index
    %get3A_187 = vector.load %arg10[%get3A_185, %get3A_186] : memref<1x128xf32, #tpu.memory_space<vmem>>, vector<1x128xf32>
    %add3A_188 = vector.broadcast %get3A_187 : vector<1x128xf32> to vector<512x128xf32>
    %add3A_189 = arith.addf %mul3A_184, %add3A_188 : vector<512x128xf32>
    %max3A = arith.constant 0.000000e+00 : f32
    %max3A_190 = vector.broadcast %max3A : f32 to vector<512x128xf32>
    %max3A_191 = arith.maximumf %add3A_189, %max3A_190 : vector<512x128xf32>
    %swap3A = arith.constant 0 : index
    %swap3A_192 = arith.constant 0 : index
    %swap3A_193 = vector.load %arg11[%swap3A, %swap3A_192] : memref<512x128xf32, #tpu.memory_space<vmem>>, vector<512x128xf32>
    tpu.vector_store %arg11[%swap3A, %swap3A_192], %max3A_191 {strides = array<i32>} : memref<512x128xf32, #tpu.memory_space<vmem>>, vector<512x128xf32>,
    return
  }
  func.func @transform_0(%arg0: i32) -> i32 {
    %c0_i32 = arith.constant 0 : i32
    %c0_i32_0 = arith.constant 0 : i32
    return %c0_i32 : i32
  }
  func.func @transform_1(%arg0: i32) -> i32 {
    %c0_i32 = arith.constant 0 : i32
    %c0_i32_0 = arith.constant 0 : i32
    return %c0_i32 : i32
  }
  func.func @transform_4(%arg0: i32) -> (i32, i32) {
    %c0_i32 = arith.constant 0 : i32
    %c0_i32_0 = arith.constant 0 : i32
    return %arg0, %c0_i32 : i32, i32
  }
  func.func @transform_5(%arg0: i32) -> (i32, i32) {
    %c0_i32 = arith.constant 0 : i32
    %c0_i32_0 = arith.constant 0 : i32
    %c0_i32_1 = arith.constant 0 : i32
    return %c0_i32, %c0_i32_0 : i32, i32
  }
  func.func @transform_6(%arg0: i32) -> (i32, i32) {
    %c0_i32 = arith.constant 0 : i32
    %c0_i32_0 = arith.constant 0 : i32
    %c0_i32_1 = arith.constant 0 : i32
    return %c0_i32, %c0_i32_0 : i32, i32
  }
  func.func @transform_7(%arg0: i32) -> (i32, i32) {
    %c0_i32 = arith.constant 0 : i32
    %c0_i32_0 = arith.constant 0 : i32
    %c0_i32_1 = arith.constant 0 : i32
    return %c0_i32, %c0_i32_0 : i32, i32
  }
  func.func @transform_8(%arg0: i32) -> (i32, i32) {
    %c0_i32 = arith.constant 0 : i32
    %c0_i32_0 = arith.constant 0 : i32
    %c0_i32_1 = arith.constant 0 : i32
    return %c0_i32, %c0_i32_0 : i32, i32
  }
  func.func @transform_9(%arg0: i32) -> (i32, i32) {
    %c0_i32 = arith.constant 0 : i32
    %c0_i32_0 = arith.constant 0 : i32
    %c0_i32_1 = arith.constant 0 : i32
    return %c0_i32, %c0_i32_0 : i32, i32
  }
  func.func @transform_10(%arg0: i32) -> (i32, i32) {
    %c0_i32 = arith.constant 0 : i32
    %c0_i32_0 = arith.constant 0 : i32
    return %arg0, %c0_i32 : i32, i32
  }
}

module attributes {stable_mosaic.version = 14 : i64} {
  func.func @_dense_body(%arg0: i32, %arg1: memref<512x128xf32, #tpu.memory_space<vmem>>, %arg2: memref<128x128xf32, #tpu.memory_space<vmem>>, %arg3: memref<512x128xf32, #tpu.memory_space<vmem>>) attributes {dimension_semantics = [#tpu.dimension_semantics<arbitrary>], iteration_bounds = array<i64: 196>, scalar_prefetch = 0 : i64, scratch_operands = 0 : i64, tpu.core_type = #tpu.core_type<tc>, window_params = [{transform_indices = @transform_0, window_bounds = array<i64: 512, 128>}, {pipeline_mode = #tpu.pipeline_mode<synchronous>, transform_indices = @transform_1, window_bounds = array<i64: 128, 128>}, {transform_indices = @transform_2, window_bounds = array<i64: 512, 128>}]} {
    %get3A = arith.constant 0 : index
    %get3A_0 = arith.constant 0 : index
    %get3A_1 = vector.load %arg1[%get3A, %get3A_0] : memref<512x128xf32, #tpu.memory_space<vmem>>, vector<512x128xf32>
    %get3A_2 = arith.constant 0 : index
    %get3A_3 = arith.constant 0 : index
    %get3A_4 = vector.load %arg2[%get3A_2, %get3A_3] : memref<128x128xf32, #tpu.memory_space<vmem>>, vector<128x128xf32>
    %dot_general3A = arith.constant dense<0.000000e+00> : vector<512x128xf32>
    %dot_general3A_5 = tpu.matmul %get3A_1, %get3A_4, %dot_general3A {dimension_numbers = #tpu.dot_dimension_numbers<[1], [0], [0], [1], [0, 0, 1, 1], [], []>, transpose_lhs_hint = false} : vector<512x128xf32>, vector<128x128xf32>, vector<512x128xf32> -> vector<512x128xf32>
    %swap3A = arith.constant 0 : index
    %swap3A_6 = arith.constant 0 : index
    %swap3A_7 = vector.load %arg3[%swap3A, %swap3A_6] : memref<512x128xf32, #tpu.memory_space<vmem>>, vector<512x128xf32>
    tpu.vector_store %arg3[%swap3A, %swap3A_6], %dot_general3A_5 {strides = array<i32>} : memref<512x128xf32, #tpu.memory_space<vmem>>, vector<512x128xf32>,
    return
  }
  func.func @transform_0(%arg0: i32) -> (i32, i32) {
    %c0_i32 = arith.constant 0 : i32
    %c0_i32_0 = arith.constant 0 : i32
    return %arg0, %c0_i32 : i32, i32
  }
  func.func @transform_1(%arg0: i32) -> (i32, i32) {
    %c0_i32 = arith.constant 0 : i32
    %c0_i32_0 = arith.constant 0 : i32
    %c0_i32_1 = arith.constant 0 : i32
    return %c0_i32, %c0_i32_0 : i32, i32
  }
  func.func @transform_2(%arg0: i32) -> (i32, i32) {
    %c0_i32 = arith.constant 0 : i32
    %c0_i32_0 = arith.constant 0 : i32
    return %arg0, %c0_i32 : i32, i32
  }
}

module attributes {stable_mosaic.version = 14 : i64} {
  func.func @_edge_body(%arg0: i32, %arg1: memref<196xi32, #tpu.memory_space<smem>>, %arg2: memref<196xi32, #tpu.memory_space<smem>>, %arg3: memref<1703936x128xf32, #tpu.memory_space<any>>, %arg4: memref<1703936x1xi32, #tpu.memory_space<any>>, %arg5: memref<512x128xf32, #tpu.memory_space<vmem>>, %arg6: memref<1x128xf32, #tpu.memory_space<vmem>>, %arg7: memref<1x128xf32, #tpu.memory_space<vmem>>, %arg8: memref<1x128xf32, #tpu.memory_space<vmem>>, %arg9: memref<1x128xf32, #tpu.memory_space<vmem>>, %arg10: memref<1x128xf32, #tpu.memory_space<vmem>>, %arg11: memref<512x128xf32, #tpu.memory_space<vmem>>, %arg12: memref<2048x128xf32, #tpu.memory_space<vmem>>, %arg13: memref<2048x1xi32, #tpu.memory_space<vmem>>, %arg14: memref<2048x128xf32, #tpu.memory_space<vmem>>, %arg15: memref<2048x1xi32, #tpu.memory_space<vmem>>, %arg16: memref<!tpu.dma_semaphore, #tpu.memory_space<semaphore_mem>>, %arg17: memref<!tpu.dma_semaphore, #tpu.memory_space<semaphore_mem>>, %arg18: memref<!tpu.dma_semaphore, #tpu.memory_space<semaphore_mem>>, %arg19: memref<!tpu.dma_semaphore, #tpu.memory_space<semaphore_mem>>) attributes {dimension_semantics = [#tpu.dimension_semantics<arbitrary>], iteration_bounds = array<i64: 196>, scalar_prefetch = 0 : i64, scratch_operands = 8 : i64, tpu.core_type = #tpu.core_type<tc>, window_params = [{transform_indices = @transform_0, window_bounds = array<i64: 196>}, {transform_indices = @transform_1, window_bounds = array<i64: 196>}, {}, {}, {transform_indices = @transform_4, window_bounds = array<i64: 512, 128>}, {pipeline_mode = #tpu.pipeline_mode<synchronous>, transform_indices = @transform_5, window_bounds = array<i64: 1, 128>}, {pipeline_mode = #tpu.pipeline_mode<synchronous>, transform_indices = @transform_6, window_bounds = array<i64: 1, 128>}, {pipeline_mode = #tpu.pipeline_mode<synchronous>, transform_indices = @transform_7, window_bounds = array<i64: 1, 128>}, {pipeline_mode = #tpu.pipeline_mode<synchronous>, transform_indices = @transform_8, window_bounds = array<i64: 1, 128>}, {pipeline_mode = #tpu.pipeline_mode<synchronous>, transform_indices = @transform_9, window_bounds = array<i64: 1, 128>}, {transform_indices = @transform_10, window_bounds = array<i64: 512, 128>}]} {
    %mul3A = arith.constant 512 : i32
    %mul3A_0 = arith.muli %arg0, %mul3A : i32
    %get3A = arith.index_cast %arg0 : i32 to index
    %get3A_1 = memref.load %arg1[%get3A] : memref<196xi32, #tpu.memory_space<smem>>
    %get3A_2 = arith.index_cast %arg0 : i32 to index
    %get3A_3 = memref.load %arg2[%get3A_2] : memref<196xi32, #tpu.memory_space<smem>>
    %jit3A = arith.constant 2048 : i32
    %div3A = arith.divsi %get3A_1, %jit3A : i32
    %sign3A = arith.constant 0 : i32
    %sign3A_4 = arith.cmpi sgt, %get3A_1, %sign3A : i32
    %sign3A_5 = arith.extui %sign3A_4 : i1 to i32
    %sign3A_6 = arith.constant 0 : i32
    %sign3A_7 = arith.cmpi slt, %get3A_1, %sign3A_6 : i32
    %sign3A_8 = arith.extui %sign3A_7 : i1 to i32
    %sign3A_9 = arith.subi %sign3A_5, %sign3A_8 : i32
    %sign3A_10 = arith.constant 0 : i32
    %sign3A_11 = arith.cmpi sgt, %jit3A, %sign3A_10 : i32
    %sign3A_12 = arith.extui %sign3A_11 : i1 to i32
    %sign3A_13 = arith.constant 0 : i32
    %sign3A_14 = arith.cmpi slt, %jit3A, %sign3A_13 : i32
    %sign3A_15 = arith.extui %sign3A_14 : i1 to i32
    %sign3A_16 = arith.subi %sign3A_12, %sign3A_15 : i32
    %ne3A = arith.cmpi ne, %sign3A_9, %sign3A_16 : i32
    %rem3A = arith.remsi %get3A_1, %jit3A : i32
    %ne3A_17 = arith.constant 0 : i32
    %ne3A_18 = arith.cmpi ne, %rem3A, %ne3A_17 : i32
    %and3A = arith.andi %ne3A, %ne3A_18 : i1
    %sub3A = arith.constant 1 : i32
    %sub3A_19 = arith.subi %div3A, %sub3A : i32
    %select_n3A = arith.select %and3A, %sub3A_19, %div3A : i32
    %add3A = arith.constant 2048 : i32
    %add3A_20 = arith.addi %get3A_3, %add3A : i32
    %sub3A_21 = arith.constant 1 : i32
    %sub3A_22 = arith.subi %add3A_20, %sub3A_21 : i32
    %jit3A_23 = arith.constant 2048 : i32
    %div3A_24 = arith.divsi %sub3A_22, %jit3A_23 : i32
    %sign3A_25 = arith.constant 0 : i32
    %sign3A_26 = arith.cmpi sgt, %sub3A_22, %sign3A_25 : i32
    %sign3A_27 = arith.extui %sign3A_26 : i1 to i32
    %sign3A_28 = arith.constant 0 : i32
    %sign3A_29 = arith.cmpi slt, %sub3A_22, %sign3A_28 : i32
    %sign3A_30 = arith.extui %sign3A_29 : i1 to i32
    %sign3A_31 = arith.subi %sign3A_27, %sign3A_30 : i32
    %sign3A_32 = arith.constant 0 : i32
    %sign3A_33 = arith.cmpi sgt, %jit3A_23, %sign3A_32 : i32
    %sign3A_34 = arith.extui %sign3A_33 : i1 to i32
    %sign3A_35 = arith.constant 0 : i32
    %sign3A_36 = arith.cmpi slt, %jit3A_23, %sign3A_35 : i32
    %sign3A_37 = arith.extui %sign3A_36 : i1 to i32
    %sign3A_38 = arith.subi %sign3A_34, %sign3A_37 : i32
    %ne3A_39 = arith.cmpi ne, %sign3A_31, %sign3A_38 : i32
    %rem3A_40 = arith.remsi %sub3A_22, %jit3A_23 : i32
    %ne3A_41 = arith.constant 0 : i32
    %ne3A_42 = arith.cmpi ne, %rem3A_40, %ne3A_41 : i32
    %and3A_43 = arith.andi %ne3A_39, %ne3A_42 : i1
    %sub3A_44 = arith.constant 1 : i32
    %sub3A_45 = arith.subi %div3A_24, %sub3A_44 : i32
    %select_n3A_46 = arith.select %and3A_43, %sub3A_45, %div3A_24 : i32
    %iota3A = tpu.iota {dimensions = array<i32: 0>} : vector<512x128xi32>
    %add3A_47 = vector.broadcast %mul3A_0 : i32 to vector<512x128xi32>
    %add3A_48 = arith.addi %iota3A, %add3A_47 : vector<512x128xi32>
    %lt3A = arith.constant 100000 : i32
    %lt3A_49 = vector.broadcast %lt3A : i32 to vector<512x128xi32>
    %lt3A_50 = arith.cmpi slt, %add3A_48, %lt3A_49 : vector<512x128xi32>
    %get3A_51 = arith.constant 0 : index
    %get3A_52 = arith.constant 0 : index
    %get3A_53 = vector.load %arg5[%get3A_51, %get3A_52] : memref<512x128xf32, #tpu.memory_space<vmem>>, vector<512x128xf32>
    %jit3A_54 = arith.constant 0.000000e+00 : f32
    %broadcast_in_dim3A = vector.broadcast %jit3A_54 : f32 to vector<512x128xf32>
    %select_n3A_55 = arith.select %lt3A_50, %get3A_53, %broadcast_in_dim3A : vector<512x128xi1>, vector<512x128xf32>
    %get3A_56 = arith.constant 0 : index
    %get3A_57 = arith.constant 0 : index
    %get3A_58 = vector.load %arg7[%get3A_56, %get3A_57] : memref<1x128xf32, #tpu.memory_space<vmem>>, vector<1x128xf32>
    %get3A_59 = arith.constant 0 : index
    %get3A_60 = arith.constant 0 : index
    %get3A_61 = vector.load %arg6[%get3A_59, %get3A_60] : memref<1x128xf32, #tpu.memory_space<vmem>>, vector<1x128xf32>
    %mul3A_62 = vector.broadcast %get3A_58 : vector<1x128xf32> to vector<512x128xf32>
    %mul3A_63 = arith.mulf %select_n3A_55, %mul3A_62 : vector<512x128xf32>
    %reduce_sum3A = arith.constant dense<0.000000e+00> : vector<512xf32>
    %reduce_sum3A_64 = vector.multi_reduction <add>, %mul3A_63, %reduce_sum3A [1] : vector<512x128xf32> to vector<512xf32>
    %broadcast_in_dim3A_65 = vector.shape_cast %reduce_sum3A_64 : vector<512xf32> to vector<512x1xf32>
    %mul3A_66 = arith.constant 2048 : i32
    %mul3A_67 = arith.muli %select_n3A, %mul3A_66 : i32
    %dma_start3A = arith.constant 0 : i32
    %dma_start3A_68 = tpu.memref_slice %arg3[%mul3A_67, %dma_start3A] : memref<1703936x128xf32, #tpu.memory_space<any>> -> memref<2048x128xf32, #tpu.memory_space<any>>
    tpu.enqueue_dma source(%dma_start3A_68 : memref<2048x128xf32, #tpu.memory_space<any>>) target(%arg12 : memref<2048x128xf32, #tpu.memory_space<vmem>>) target_semaphore(%arg16 : memref<!tpu.dma_semaphore, #tpu.memory_space<semaphore_mem>>)
    %mul3A_69 = arith.constant 2048 : i32
    %mul3A_70 = arith.muli %select_n3A, %mul3A_69 : i32
    %dma_start3A_71 = arith.constant 0 : i32
    %dma_start3A_72 = tpu.memref_slice %arg4[%mul3A_70, %dma_start3A_71] : memref<1703936x1xi32, #tpu.memory_space<any>> -> memref<2048x1xi32, #tpu.memory_space<any>>
    tpu.enqueue_dma source(%dma_start3A_72 : memref<2048x1xi32, #tpu.memory_space<any>>) target(%arg13 : memref<2048x1xi32, #tpu.memory_space<vmem>>) target_semaphore(%arg17 : memref<!tpu.dma_semaphore, #tpu.memory_space<semaphore_mem>>)
    %broadcast_in_dim3A_73 = arith.constant 0.000000e+00 : f32
    %broadcast_in_dim3A_74 = vector.broadcast %broadcast_in_dim3A_73 : f32 to vector<512x129xf32>
    %sub3A_75 = arith.subi %select_n3A_46, %select_n3A : i32
    %add3A_76 = arith.constant 1 : i32
    %add3A_77 = arith.addi %sub3A_75, %add3A_76 : i32
    %jit3A_78 = arith.constant 2 : i32
    %div3A_79 = arith.divsi %add3A_77, %jit3A_78 : i32
    %sign3A_80 = arith.constant 0 : i32
    %sign3A_81 = arith.cmpi sgt, %add3A_77, %sign3A_80 : i32
    %sign3A_82 = arith.extui %sign3A_81 : i1 to i32
    %sign3A_83 = arith.constant 0 : i32
    %sign3A_84 = arith.cmpi slt, %add3A_77, %sign3A_83 : i32
    %sign3A_85 = arith.extui %sign3A_84 : i1 to i32
    %sign3A_86 = arith.subi %sign3A_82, %sign3A_85 : i32
    %sign3A_87 = arith.constant 0 : i32
    %sign3A_88 = arith.cmpi sgt, %jit3A_78, %sign3A_87 : i32
    %sign3A_89 = arith.extui %sign3A_88 : i1 to i32
    %sign3A_90 = arith.constant 0 : i32
    %sign3A_91 = arith.cmpi slt, %jit3A_78, %sign3A_90 : i32
    %sign3A_92 = arith.extui %sign3A_91 : i1 to i32
    %sign3A_93 = arith.subi %sign3A_89, %sign3A_92 : i32
    %ne3A_94 = arith.cmpi ne, %sign3A_86, %sign3A_93 : i32
    %rem3A_95 = arith.remsi %add3A_77, %jit3A_78 : i32
    %ne3A_96 = arith.constant 0 : i32
    %ne3A_97 = arith.cmpi ne, %rem3A_95, %ne3A_96 : i32
    %and3A_98 = arith.andi %ne3A_94, %ne3A_97 : i1
    %sub3A_99 = arith.constant 1 : i32
    %sub3A_100 = arith.subi %div3A_79, %sub3A_99 : i32
    %select_n3A_101 = arith.select %and3A_98, %sub3A_100, %div3A_79 : i32
    %while3A = arith.constant 0 : i32
    %while3A_102 = arith.subi %select_n3A_101, %while3A : i32
    %while3A_103 = arith.addi %while3A, %while3A_102 : i32
    %while3A_104 = arith.constant 1 : i32
    %while3A_105 = arith.divsi %while3A_102, %while3A_104 : i32
    %while3A_106 = arith.muli %while3A_105, %while3A_104 : i32
    %while3A_107 = arith.addi %while3A, %while3A_106 : i32
    %while3A_108 = arith.constant 1 : i32
    %while3A_109 = scf.for %while3A_158 = %while3A to %while3A_107 step %while3A_108 iter_args(%while3A_159 = %broadcast_in_dim3A_74) -> (vector<512x129xf32>)  : i32 {
      %mul3A_160 = arith.constant 2 : i32
      %mul3A_161 = arith.muli %mul3A_160, %while3A_158 : i32
      %add3A_162 = arith.addi %select_n3A, %mul3A_161 : i32
      %add3A_163 = arith.constant 1 : i32
      %add3A_164 = arith.addi %add3A_162, %add3A_163 : i32
      %lt3A_165 = arith.cmpi slt, %add3A_164, %select_n3A_46 : i32
      %convert_element_type3A = arith.extui %lt3A_165 : i1 to i32
      %cond3A = arith.constant 0 : i32
      %cond3A_166 = arith.cmpi ne, %convert_element_type3A, %cond3A : i32
      scf.if %cond3A_166 {
        %mul3A_253 = arith.constant 2048 : i32
        %mul3A_254 = arith.muli %add3A_164, %mul3A_253 : i32
        %dma_start3A_255 = arith.constant 0 : i32
        %dma_start3A_256 = tpu.memref_slice %arg3[%mul3A_254, %dma_start3A_255] : memref<1703936x128xf32, #tpu.memory_space<any>> -> memref<2048x128xf32, #tpu.memory_space<any>>
        tpu.enqueue_dma source(%dma_start3A_256 : memref<2048x128xf32, #tpu.memory_space<any>>) target(%arg14 : memref<2048x128xf32, #tpu.memory_space<vmem>>) target_semaphore(%arg18 : memref<!tpu.dma_semaphore, #tpu.memory_space<semaphore_mem>>)
        %mul3A_257 = arith.constant 2048 : i32
        %mul3A_258 = arith.muli %add3A_164, %mul3A_257 : i32
        %dma_start3A_259 = arith.constant 0 : i32
        %dma_start3A_260 = tpu.memref_slice %arg4[%mul3A_258, %dma_start3A_259] : memref<1703936x1xi32, #tpu.memory_space<any>> -> memref<2048x1xi32, #tpu.memory_space<any>>
        tpu.enqueue_dma source(%dma_start3A_260 : memref<2048x1xi32, #tpu.memory_space<any>>) target(%arg15 : memref<2048x1xi32, #tpu.memory_space<vmem>>) target_semaphore(%arg19 : memref<!tpu.dma_semaphore, #tpu.memory_space<semaphore_mem>>)
      } else {
      }
      %mul3A_167 = arith.constant 2048 : i32
      %mul3A_168 = arith.muli %add3A_162, %mul3A_167 : i32
      %dma_wait3A = arith.constant 0 : i32
      %dma_wait3A_169 = tpu.memref_slice %arg3[%mul3A_168, %dma_wait3A] : memref<1703936x128xf32, #tpu.memory_space<any>> -> memref<2048x128xf32, #tpu.memory_space<any>>
      tpu.wait_dma2 semaphore(%arg16 : memref<!tpu.dma_semaphore, #tpu.memory_space<semaphore_mem>>) src(%dma_wait3A_169 : memref<2048x128xf32, #tpu.memory_space<any>>) dst(%arg12 : memref<2048x128xf32, #tpu.memory_space<vmem>>)
      %mul3A_170 = arith.constant 2048 : i32
      %mul3A_171 = arith.muli %add3A_162, %mul3A_170 : i32
      %dma_wait3A_172 = arith.constant 0 : i32
      %dma_wait3A_173 = tpu.memref_slice %arg4[%mul3A_171, %dma_wait3A_172] : memref<1703936x1xi32, #tpu.memory_space<any>> -> memref<2048x1xi32, #tpu.memory_space<any>>
      tpu.wait_dma2 semaphore(%arg17 : memref<!tpu.dma_semaphore, #tpu.memory_space<semaphore_mem>>) src(%dma_wait3A_173 : memref<2048x1xi32, #tpu.memory_space<any>>) dst(%arg13 : memref<2048x1xi32, #tpu.memory_space<vmem>>)
      %get3A_174 = arith.constant 0 : index
      %get3A_175 = arith.constant 0 : index
      %get3A_176 = vector.load %arg13[%get3A_174, %get3A_175] : memref<2048x1xi32, #tpu.memory_space<vmem>>, vector<2048x1xi32>
      %sub3A_177 = vector.broadcast %mul3A_0 : i32 to vector<2048x1xi32>
      %sub3A_178 = arith.subi %get3A_176, %sub3A_177 : vector<2048x1xi32>
      %iota3A_179 = tpu.iota {dimensions = array<i32: 1>} : vector<2048x512xi32>
      %eq3A = vector.broadcast %sub3A_178 : vector<2048x1xi32> to vector<2048x512xi32>
      %eq3A_180 = arith.cmpi eq, %eq3A, %iota3A_179 : vector<2048x512xi32>
      %convert_element_type3A_181 = arith.extui %eq3A_180 : vector<2048x512xi1> to vector<2048x512xi32>
      %convert_element_type3A_182 = arith.sitofp %convert_element_type3A_181 : vector<2048x512xi32> to vector<2048x512xf32>
      %dot_general3A = arith.constant dense<0.000000e+00> : vector<2048x1xf32>
      %dot_general3A_183 = tpu.matmul %convert_element_type3A_182, %broadcast_in_dim3A_65, %dot_general3A {dimension_numbers = #tpu.dot_dimension_numbers<[1], [0], [0], [1], [0, 0, 1, 1], [], []>, transpose_lhs_hint = false} : vector<2048x512xf32>, vector<512x1xf32>, vector<2048x1xf32> -> vector<2048x1xf32>
      %get3A_184 = arith.constant 0 : index
      %get3A_185 = arith.constant 0 : index
      %get3A_186 = vector.load %arg12[%get3A_184, %get3A_185] : memref<2048x128xf32, #tpu.memory_space<vmem>>, vector<2048x128xf32>
      %mul3A_187 = vector.broadcast %get3A_61 : vector<1x128xf32> to vector<2048x128xf32>
      %mul3A_188 = arith.mulf %get3A_186, %mul3A_187 : vector<2048x128xf32>
      %reduce_sum3A_189 = arith.constant dense<0.000000e+00> : vector<2048xf32>
      %reduce_sum3A_190 = vector.multi_reduction <add>, %mul3A_188, %reduce_sum3A_189 [1] : vector<2048x128xf32> to vector<2048xf32>
      %broadcast_in_dim3A_191 = vector.shape_cast %reduce_sum3A_190 : vector<2048xf32> to vector<2048x1xf32>
      %add3A_192 = arith.addf %broadcast_in_dim3A_191, %dot_general3A_183 : vector<2048x1xf32>
      %ge3A = arith.constant 0.000000e+00 : f32
      %ge3A_193 = vector.broadcast %ge3A : f32 to vector<2048x1xf32>
      %ge3A_194 = arith.cmpf oge, %add3A_192, %ge3A_193 : vector<2048x1xf32>
      %mul3A_195 = arith.constant 2.000000e-01 : f32
      %mul3A_196 = vector.broadcast %mul3A_195 : f32 to vector<2048x1xf32>
      %mul3A_197 = arith.mulf %mul3A_196, %add3A_192 : vector<2048x1xf32>
      %select_n3A_198 = arith.select %ge3A_194, %add3A_192, %mul3A_197 : vector<2048x1xi1>, vector<2048x1xf32>
      %exp3A = math.exp %select_n3A_198 : vector<2048x1xf32>
      %mul3A_199 = vector.broadcast %exp3A : vector<2048x1xf32> to vector<2048x128xf32>
      %mul3A_200 = arith.mulf %get3A_186, %mul3A_199 : vector<2048x128xf32>
      %concatenate3A = tpu.concatenate %mul3A_200, %exp3A in 1 : vector<2048x128xf32>, vector<2048x1xf32> -> vector<2048x129xf32>
      %dot_general3A_201 = arith.constant dense<0.000000e+00> : vector<512x129xf32>
      %dot_general3A_202 = tpu.matmul %convert_element_type3A_182, %concatenate3A, %dot_general3A_201 {dimension_numbers = #tpu.dot_dimension_numbers<[0], [0], [1], [1], [0, 1, 1, 1], [], []>, transpose_lhs_hint = false} : vector<2048x512xf32>, vector<2048x129xf32>, vector<512x129xf32> -> vector<512x129xf32>
      %add3A_203 = arith.addf %while3A_159, %dot_general3A_202 : vector<512x129xf32>
      %add3A_204 = arith.constant 2 : i32
      %add3A_205 = arith.addi %add3A_162, %add3A_204 : i32
      %lt3A_206 = arith.cmpi slt, %add3A_205, %select_n3A_46 : i32
      %convert_element_type3A_207 = arith.extui %lt3A_206 : i1 to i32
      %cond3A_208 = arith.constant 0 : i32
      %cond3A_209 = arith.cmpi ne, %convert_element_type3A_207, %cond3A_208 : i32
      scf.if %cond3A_209 {
        %add3A_253 = arith.constant 2 : i32
        %add3A_254 = arith.addi %add3A_162, %add3A_253 : i32
        %mul3A_255 = arith.constant 2048 : i32
        %mul3A_256 = arith.muli %add3A_254, %mul3A_255 : i32
        %dma_start3A_257 = arith.constant 0 : i32
        %dma_start3A_258 = tpu.memref_slice %arg3[%mul3A_256, %dma_start3A_257] : memref<1703936x128xf32, #tpu.memory_space<any>> -> memref<2048x128xf32, #tpu.memory_space<any>>
        tpu.enqueue_dma source(%dma_start3A_258 : memref<2048x128xf32, #tpu.memory_space<any>>) target(%arg12 : memref<2048x128xf32, #tpu.memory_space<vmem>>) target_semaphore(%arg16 : memref<!tpu.dma_semaphore, #tpu.memory_space<semaphore_mem>>)
        %mul3A_259 = arith.constant 2048 : i32
        %mul3A_260 = arith.muli %add3A_254, %mul3A_259 : i32
        %dma_start3A_261 = arith.constant 0 : i32
        %dma_start3A_262 = tpu.memref_slice %arg4[%mul3A_260, %dma_start3A_261] : memref<1703936x1xi32, #tpu.memory_space<any>> -> memref<2048x1xi32, #tpu.memory_space<any>>
        tpu.enqueue_dma source(%dma_start3A_262 : memref<2048x1xi32, #tpu.memory_space<any>>) target(%arg13 : memref<2048x1xi32, #tpu.memory_space<vmem>>) target_semaphore(%arg17 : memref<!tpu.dma_semaphore, #tpu.memory_space<semaphore_mem>>)
      } else {
      }
      %lt3A_210 = arith.cmpi slt, %add3A_164, %select_n3A_46 : i32
      %convert_element_type3A_211 = arith.extui %lt3A_210 : i1 to i32
      %cond3A_212 = arith.constant 0 : i32
      %cond3A_213 = arith.cmpi ne, %convert_element_type3A_211, %cond3A_212 : i32
      scf.if %cond3A_213 {
        %mul3A_253 = arith.constant 2048 : i32
        %mul3A_254 = arith.muli %add3A_164, %mul3A_253 : i32
        %dma_wait3A_255 = arith.constant 0 : i32
        %dma_wait3A_256 = tpu.memref_slice %arg3[%mul3A_254, %dma_wait3A_255] : memref<1703936x128xf32, #tpu.memory_space<any>> -> memref<2048x128xf32, #tpu.memory_space<any>>
        tpu.wait_dma2 semaphore(%arg18 : memref<!tpu.dma_semaphore, #tpu.memory_space<semaphore_mem>>) src(%dma_wait3A_256 : memref<2048x128xf32, #tpu.memory_space<any>>) dst(%arg14 : memref<2048x128xf32, #tpu.memory_space<vmem>>)
        %mul3A_257 = arith.constant 2048 : i32
        %mul3A_258 = arith.muli %add3A_164, %mul3A_257 : i32
        %dma_wait3A_259 = arith.constant 0 : i32
        %dma_wait3A_260 = tpu.memref_slice %arg4[%mul3A_258, %dma_wait3A_259] : memref<1703936x1xi32, #tpu.memory_space<any>> -> memref<2048x1xi32, #tpu.memory_space<any>>
        tpu.wait_dma2 semaphore(%arg19 : memref<!tpu.dma_semaphore, #tpu.memory_space<semaphore_mem>>) src(%dma_wait3A_260 : memref<2048x1xi32, #tpu.memory_space<any>>) dst(%arg15 : memref<2048x1xi32, #tpu.memory_space<vmem>>)
      } else {
      }
      %lt3A_214 = arith.cmpi slt, %add3A_164, %select_n3A_46 : i32
      %get3A_215 = arith.constant 0 : index
      %get3A_216 = arith.constant 0 : index
      %get3A_217 = vector.load %arg15[%get3A_215, %get3A_216] : memref<2048x1xi32, #tpu.memory_space<vmem>>, vector<2048x1xi32>
      %sub3A_218 = vector.broadcast %mul3A_0 : i32 to vector<2048x1xi32>
      %sub3A_219 = arith.subi %get3A_217, %sub3A_218 : vector<2048x1xi32>
      %iota3A_220 = tpu.iota {dimensions = array<i32: 1>} : vector<2048x512xi32>
      %eq3A_221 = vector.broadcast %sub3A_219 : vector<2048x1xi32> to vector<2048x512xi32>
      %eq3A_222 = arith.cmpi eq, %eq3A_221, %iota3A_220 : vector<2048x512xi32>
      %convert_element_type3A_223 = arith.extui %eq3A_222 : vector<2048x512xi1> to vector<2048x512xi32>
      %convert_element_type3A_224 = arith.sitofp %convert_element_type3A_223 : vector<2048x512xi32> to vector<2048x512xf32>
      %dot_general3A_225 = arith.constant dense<0.000000e+00> : vector<2048x1xf32>
      %dot_general3A_226 = tpu.matmul %convert_element_type3A_224, %broadcast_in_dim3A_65, %dot_general3A_225 {dimension_numbers = #tpu.dot_dimension_numbers<[1], [0], [0], [1], [0, 0, 1, 1], [], []>, transpose_lhs_hint = false} : vector<2048x512xf32>, vector<512x1xf32>, vector<2048x1xf32> -> vector<2048x1xf32>
      %get3A_227 = arith.constant 0 : index
      %get3A_228 = arith.constant 0 : index
      %get3A_229 = vector.load %arg14[%get3A_227, %get3A_228] : memref<2048x128xf32, #tpu.memory_space<vmem>>, vector<2048x128xf32>
      %mul3A_230 = vector.broadcast %get3A_61 : vector<1x128xf32> to vector<2048x128xf32>
      %mul3A_231 = arith.mulf %get3A_229, %mul3A_230 : vector<2048x128xf32>
      %reduce_sum3A_232 = arith.constant dense<0.000000e+00> : vector<2048xf32>
      %reduce_sum3A_233 = vector.multi_reduction <add>, %mul3A_231, %reduce_sum3A_232 [1] : vector<2048x128xf32> to vector<2048xf32>
      %broadcast_in_dim3A_234 = vector.shape_cast %reduce_sum3A_233 : vector<2048xf32> to vector<2048x1xf32>
      %add3A_235 = arith.addf %broadcast_in_dim3A_234, %dot_general3A_226 : vector<2048x1xf32>
      %ge3A_236 = arith.constant 0.000000e+00 : f32
      %ge3A_237 = vector.broadcast %ge3A_236 : f32 to vector<2048x1xf32>
      %ge3A_238 = arith.cmpf oge, %add3A_235, %ge3A_237 : vector<2048x1xf32>
      %mul3A_239 = arith.constant 2.000000e-01 : f32
      %mul3A_240 = vector.broadcast %mul3A_239 : f32 to vector<2048x1xf32>
      %mul3A_241 = arith.mulf %mul3A_240, %add3A_235 : vector<2048x1xf32>
      %select_n3A_242 = arith.select %ge3A_238, %add3A_235, %mul3A_241 : vector<2048x1xi1>, vector<2048x1xf32>
      %exp3A_243 = math.exp %select_n3A_242 : vector<2048x1xf32>
      %mul3A_244 = vector.broadcast %exp3A_243 : vector<2048x1xf32> to vector<2048x128xf32>
      %mul3A_245 = arith.mulf %get3A_229, %mul3A_244 : vector<2048x128xf32>
      %concatenate3A_246 = tpu.concatenate %mul3A_245, %exp3A_243 in 1 : vector<2048x128xf32>, vector<2048x1xf32> -> vector<2048x129xf32>
      %dot_general3A_247 = arith.constant dense<0.000000e+00> : vector<512x129xf32>
      %dot_general3A_248 = tpu.matmul %convert_element_type3A_224, %concatenate3A_246, %dot_general3A_247 {dimension_numbers = #tpu.dot_dimension_numbers<[0], [0], [1], [1], [0, 1, 1, 1], [], []>, transpose_lhs_hint = false} : vector<2048x512xf32>, vector<2048x129xf32>, vector<512x129xf32> -> vector<512x129xf32>
      %jit3A_249 = arith.constant 0.000000e+00 : f32
      %broadcast_in_dim3A_250 = vector.broadcast %jit3A_249 : f32 to vector<512x129xf32>
      %select_n3A_251 = arith.select %lt3A_214, %dot_general3A_248, %broadcast_in_dim3A_250 : vector<512x129xf32>
      %add3A_252 = arith.addf %add3A_203, %select_n3A_251 : vector<512x129xf32>
      scf.yield %add3A_252 : vector<512x129xf32>
    }
    %while3A_110 = arith.constant 1 : i32
    %while3A_111 = scf.for %while3A_158 = %while3A_107 to %while3A_103 step %while3A_110 iter_args(%while3A_159 = %while3A_109) -> (vector<512x129xf32>)  : i32 {
      %mul3A_160 = arith.constant 2 : i32
      %mul3A_161 = arith.muli %mul3A_160, %while3A_158 : i32
      %add3A_162 = arith.addi %select_n3A, %mul3A_161 : i32
      %add3A_163 = arith.constant 1 : i32
      %add3A_164 = arith.addi %add3A_162, %add3A_163 : i32
      %lt3A_165 = arith.cmpi slt, %add3A_164, %select_n3A_46 : i32
      %convert_element_type3A = arith.extui %lt3A_165 : i1 to i32
      %cond3A = arith.constant 0 : i32
      %cond3A_166 = arith.cmpi ne, %convert_element_type3A, %cond3A : i32
      scf.if %cond3A_166 {
        %mul3A_253 = arith.constant 2048 : i32
        %mul3A_254 = arith.muli %add3A_164, %mul3A_253 : i32
        %dma_start3A_255 = arith.constant 0 : i32
        %dma_start3A_256 = tpu.memref_slice %arg3[%mul3A_254, %dma_start3A_255] : memref<1703936x128xf32, #tpu.memory_space<any>> -> memref<2048x128xf32, #tpu.memory_space<any>>
        tpu.enqueue_dma source(%dma_start3A_256 : memref<2048x128xf32, #tpu.memory_space<any>>) target(%arg14 : memref<2048x128xf32, #tpu.memory_space<vmem>>) target_semaphore(%arg18 : memref<!tpu.dma_semaphore, #tpu.memory_space<semaphore_mem>>)
        %mul3A_257 = arith.constant 2048 : i32
        %mul3A_258 = arith.muli %add3A_164, %mul3A_257 : i32
        %dma_start3A_259 = arith.constant 0 : i32
        %dma_start3A_260 = tpu.memref_slice %arg4[%mul3A_258, %dma_start3A_259] : memref<1703936x1xi32, #tpu.memory_space<any>> -> memref<2048x1xi32, #tpu.memory_space<any>>
        tpu.enqueue_dma source(%dma_start3A_260 : memref<2048x1xi32, #tpu.memory_space<any>>) target(%arg15 : memref<2048x1xi32, #tpu.memory_space<vmem>>) target_semaphore(%arg19 : memref<!tpu.dma_semaphore, #tpu.memory_space<semaphore_mem>>)
      } else {
      }
      %mul3A_167 = arith.constant 2048 : i32
      %mul3A_168 = arith.muli %add3A_162, %mul3A_167 : i32
      %dma_wait3A = arith.constant 0 : i32
      %dma_wait3A_169 = tpu.memref_slice %arg3[%mul3A_168, %dma_wait3A] : memref<1703936x128xf32, #tpu.memory_space<any>> -> memref<2048x128xf32, #tpu.memory_space<any>>
      tpu.wait_dma2 semaphore(%arg16 : memref<!tpu.dma_semaphore, #tpu.memory_space<semaphore_mem>>) src(%dma_wait3A_169 : memref<2048x128xf32, #tpu.memory_space<any>>) dst(%arg12 : memref<2048x128xf32, #tpu.memory_space<vmem>>)
      %mul3A_170 = arith.constant 2048 : i32
      %mul3A_171 = arith.muli %add3A_162, %mul3A_170 : i32
      %dma_wait3A_172 = arith.constant 0 : i32
      %dma_wait3A_173 = tpu.memref_slice %arg4[%mul3A_171, %dma_wait3A_172] : memref<1703936x1xi32, #tpu.memory_space<any>> -> memref<2048x1xi32, #tpu.memory_space<any>>
      tpu.wait_dma2 semaphore(%arg17 : memref<!tpu.dma_semaphore, #tpu.memory_space<semaphore_mem>>) src(%dma_wait3A_173 : memref<2048x1xi32, #tpu.memory_space<any>>) dst(%arg13 : memref<2048x1xi32, #tpu.memory_space<vmem>>)
      %get3A_174 = arith.constant 0 : index
      %get3A_175 = arith.constant 0 : index
      %get3A_176 = vector.load %arg13[%get3A_174, %get3A_175] : memref<2048x1xi32, #tpu.memory_space<vmem>>, vector<2048x1xi32>
      %sub3A_177 = vector.broadcast %mul3A_0 : i32 to vector<2048x1xi32>
      %sub3A_178 = arith.subi %get3A_176, %sub3A_177 : vector<2048x1xi32>
      %iota3A_179 = tpu.iota {dimensions = array<i32: 1>} : vector<2048x512xi32>
      %eq3A = vector.broadcast %sub3A_178 : vector<2048x1xi32> to vector<2048x512xi32>
      %eq3A_180 = arith.cmpi eq, %eq3A, %iota3A_179 : vector<2048x512xi32>
      %convert_element_type3A_181 = arith.extui %eq3A_180 : vector<2048x512xi1> to vector<2048x512xi32>
      %convert_element_type3A_182 = arith.sitofp %convert_element_type3A_181 : vector<2048x512xi32> to vector<2048x512xf32>
      %dot_general3A = arith.constant dense<0.000000e+00> : vector<2048x1xf32>
      %dot_general3A_183 = tpu.matmul %convert_element_type3A_182, %broadcast_in_dim3A_65, %dot_general3A {dimension_numbers = #tpu.dot_dimension_numbers<[1], [0], [0], [1], [0, 0, 1, 1], [], []>, transpose_lhs_hint = false} : vector<2048x512xf32>, vector<512x1xf32>, vector<2048x1xf32> -> vector<2048x1xf32>
      %get3A_184 = arith.constant 0 : index
      %get3A_185 = arith.constant 0 : index
      %get3A_186 = vector.load %arg12[%get3A_184, %get3A_185] : memref<2048x128xf32, #tpu.memory_space<vmem>>, vector<2048x128xf32>
      %mul3A_187 = vector.broadcast %get3A_61 : vector<1x128xf32> to vector<2048x128xf32>
      %mul3A_188 = arith.mulf %get3A_186, %mul3A_187 : vector<2048x128xf32>
      %reduce_sum3A_189 = arith.constant dense<0.000000e+00> : vector<2048xf32>
      %reduce_sum3A_190 = vector.multi_reduction <add>, %mul3A_188, %reduce_sum3A_189 [1] : vector<2048x128xf32> to vector<2048xf32>
      %broadcast_in_dim3A_191 = vector.shape_cast %reduce_sum3A_190 : vector<2048xf32> to vector<2048x1xf32>
      %add3A_192 = arith.addf %broadcast_in_dim3A_191, %dot_general3A_183 : vector<2048x1xf32>
      %ge3A = arith.constant 0.000000e+00 : f32
      %ge3A_193 = vector.broadcast %ge3A : f32 to vector<2048x1xf32>
      %ge3A_194 = arith.cmpf oge, %add3A_192, %ge3A_193 : vector<2048x1xf32>
      %mul3A_195 = arith.constant 2.000000e-01 : f32
      %mul3A_196 = vector.broadcast %mul3A_195 : f32 to vector<2048x1xf32>
      %mul3A_197 = arith.mulf %mul3A_196, %add3A_192 : vector<2048x1xf32>
      %select_n3A_198 = arith.select %ge3A_194, %add3A_192, %mul3A_197 : vector<2048x1xi1>, vector<2048x1xf32>
      %exp3A = math.exp %select_n3A_198 : vector<2048x1xf32>
      %mul3A_199 = vector.broadcast %exp3A : vector<2048x1xf32> to vector<2048x128xf32>
      %mul3A_200 = arith.mulf %get3A_186, %mul3A_199 : vector<2048x128xf32>
      %concatenate3A = tpu.concatenate %mul3A_200, %exp3A in 1 : vector<2048x128xf32>, vector<2048x1xf32> -> vector<2048x129xf32>
      %dot_general3A_201 = arith.constant dense<0.000000e+00> : vector<512x129xf32>
      %dot_general3A_202 = tpu.matmul %convert_element_type3A_182, %concatenate3A, %dot_general3A_201 {dimension_numbers = #tpu.dot_dimension_numbers<[0], [0], [1], [1], [0, 1, 1, 1], [], []>, transpose_lhs_hint = false} : vector<2048x512xf32>, vector<2048x129xf32>, vector<512x129xf32> -> vector<512x129xf32>
      %add3A_203 = arith.addf %while3A_159, %dot_general3A_202 : vector<512x129xf32>
      %add3A_204 = arith.constant 2 : i32
      %add3A_205 = arith.addi %add3A_162, %add3A_204 : i32
      %lt3A_206 = arith.cmpi slt, %add3A_205, %select_n3A_46 : i32
      %convert_element_type3A_207 = arith.extui %lt3A_206 : i1 to i32
      %cond3A_208 = arith.constant 0 : i32
      %cond3A_209 = arith.cmpi ne, %convert_element_type3A_207, %cond3A_208 : i32
      scf.if %cond3A_209 {
        %add3A_253 = arith.constant 2 : i32
        %add3A_254 = arith.addi %add3A_162, %add3A_253 : i32
        %mul3A_255 = arith.constant 2048 : i32
        %mul3A_256 = arith.muli %add3A_254, %mul3A_255 : i32
        %dma_start3A_257 = arith.constant 0 : i32
        %dma_start3A_258 = tpu.memref_slice %arg3[%mul3A_256, %dma_start3A_257] : memref<1703936x128xf32, #tpu.memory_space<any>> -> memref<2048x128xf32, #tpu.memory_space<any>>
        tpu.enqueue_dma source(%dma_start3A_258 : memref<2048x128xf32, #tpu.memory_space<any>>) target(%arg12 : memref<2048x128xf32, #tpu.memory_space<vmem>>) target_semaphore(%arg16 : memref<!tpu.dma_semaphore, #tpu.memory_space<semaphore_mem>>)
        %mul3A_259 = arith.constant 2048 : i32
        %mul3A_260 = arith.muli %add3A_254, %mul3A_259 : i32
        %dma_start3A_261 = arith.constant 0 : i32
        %dma_start3A_262 = tpu.memref_slice %arg4[%mul3A_260, %dma_start3A_261] : memref<1703936x1xi32, #tpu.memory_space<any>> -> memref<2048x1xi32, #tpu.memory_space<any>>
        tpu.enqueue_dma source(%dma_start3A_262 : memref<2048x1xi32, #tpu.memory_space<any>>) target(%arg13 : memref<2048x1xi32, #tpu.memory_space<vmem>>) target_semaphore(%arg17 : memref<!tpu.dma_semaphore, #tpu.memory_space<semaphore_mem>>)
      } else {
      }
      %lt3A_210 = arith.cmpi slt, %add3A_164, %select_n3A_46 : i32
      %convert_element_type3A_211 = arith.extui %lt3A_210 : i1 to i32
      %cond3A_212 = arith.constant 0 : i32
      %cond3A_213 = arith.cmpi ne, %convert_element_type3A_211, %cond3A_212 : i32
      scf.if %cond3A_213 {
        %mul3A_253 = arith.constant 2048 : i32
        %mul3A_254 = arith.muli %add3A_164, %mul3A_253 : i32
        %dma_wait3A_255 = arith.constant 0 : i32
        %dma_wait3A_256 = tpu.memref_slice %arg3[%mul3A_254, %dma_wait3A_255] : memref<1703936x128xf32, #tpu.memory_space<any>> -> memref<2048x128xf32, #tpu.memory_space<any>>
        tpu.wait_dma2 semaphore(%arg18 : memref<!tpu.dma_semaphore, #tpu.memory_space<semaphore_mem>>) src(%dma_wait3A_256 : memref<2048x128xf32, #tpu.memory_space<any>>) dst(%arg14 : memref<2048x128xf32, #tpu.memory_space<vmem>>)
        %mul3A_257 = arith.constant 2048 : i32
        %mul3A_258 = arith.muli %add3A_164, %mul3A_257 : i32
        %dma_wait3A_259 = arith.constant 0 : i32
        %dma_wait3A_260 = tpu.memref_slice %arg4[%mul3A_258, %dma_wait3A_259] : memref<1703936x1xi32, #tpu.memory_space<any>> -> memref<2048x1xi32, #tpu.memory_space<any>>
        tpu.wait_dma2 semaphore(%arg19 : memref<!tpu.dma_semaphore, #tpu.memory_space<semaphore_mem>>) src(%dma_wait3A_260 : memref<2048x1xi32, #tpu.memory_space<any>>) dst(%arg15 : memref<2048x1xi32, #tpu.memory_space<vmem>>)
      } else {
      }
      %lt3A_214 = arith.cmpi slt, %add3A_164, %select_n3A_46 : i32
      %get3A_215 = arith.constant 0 : index
      %get3A_216 = arith.constant 0 : index
      %get3A_217 = vector.load %arg15[%get3A_215, %get3A_216] : memref<2048x1xi32, #tpu.memory_space<vmem>>, vector<2048x1xi32>
      %sub3A_218 = vector.broadcast %mul3A_0 : i32 to vector<2048x1xi32>
      %sub3A_219 = arith.subi %get3A_217, %sub3A_218 : vector<2048x1xi32>
      %iota3A_220 = tpu.iota {dimensions = array<i32: 1>} : vector<2048x512xi32>
      %eq3A_221 = vector.broadcast %sub3A_219 : vector<2048x1xi32> to vector<2048x512xi32>
      %eq3A_222 = arith.cmpi eq, %eq3A_221, %iota3A_220 : vector<2048x512xi32>
      %convert_element_type3A_223 = arith.extui %eq3A_222 : vector<2048x512xi1> to vector<2048x512xi32>
      %convert_element_type3A_224 = arith.sitofp %convert_element_type3A_223 : vector<2048x512xi32> to vector<2048x512xf32>
      %dot_general3A_225 = arith.constant dense<0.000000e+00> : vector<2048x1xf32>
      %dot_general3A_226 = tpu.matmul %convert_element_type3A_224, %broadcast_in_dim3A_65, %dot_general3A_225 {dimension_numbers = #tpu.dot_dimension_numbers<[1], [0], [0], [1], [0, 0, 1, 1], [], []>, transpose_lhs_hint = false} : vector<2048x512xf32>, vector<512x1xf32>, vector<2048x1xf32> -> vector<2048x1xf32>
      %get3A_227 = arith.constant 0 : index
      %get3A_228 = arith.constant 0 : index
      %get3A_229 = vector.load %arg14[%get3A_227, %get3A_228] : memref<2048x128xf32, #tpu.memory_space<vmem>>, vector<2048x128xf32>
      %mul3A_230 = vector.broadcast %get3A_61 : vector<1x128xf32> to vector<2048x128xf32>
      %mul3A_231 = arith.mulf %get3A_229, %mul3A_230 : vector<2048x128xf32>
      %reduce_sum3A_232 = arith.constant dense<0.000000e+00> : vector<2048xf32>
      %reduce_sum3A_233 = vector.multi_reduction <add>, %mul3A_231, %reduce_sum3A_232 [1] : vector<2048x128xf32> to vector<2048xf32>
      %broadcast_in_dim3A_234 = vector.shape_cast %reduce_sum3A_233 : vector<2048xf32> to vector<2048x1xf32>
      %add3A_235 = arith.addf %broadcast_in_dim3A_234, %dot_general3A_226 : vector<2048x1xf32>
      %ge3A_236 = arith.constant 0.000000e+00 : f32
      %ge3A_237 = vector.broadcast %ge3A_236 : f32 to vector<2048x1xf32>
      %ge3A_238 = arith.cmpf oge, %add3A_235, %ge3A_237 : vector<2048x1xf32>
      %mul3A_239 = arith.constant 2.000000e-01 : f32
      %mul3A_240 = vector.broadcast %mul3A_239 : f32 to vector<2048x1xf32>
      %mul3A_241 = arith.mulf %mul3A_240, %add3A_235 : vector<2048x1xf32>
      %select_n3A_242 = arith.select %ge3A_238, %add3A_235, %mul3A_241 : vector<2048x1xi1>, vector<2048x1xf32>
      %exp3A_243 = math.exp %select_n3A_242 : vector<2048x1xf32>
      %mul3A_244 = vector.broadcast %exp3A_243 : vector<2048x1xf32> to vector<2048x128xf32>
      %mul3A_245 = arith.mulf %get3A_229, %mul3A_244 : vector<2048x128xf32>
      %concatenate3A_246 = tpu.concatenate %mul3A_245, %exp3A_243 in 1 : vector<2048x128xf32>, vector<2048x1xf32> -> vector<2048x129xf32>
      %dot_general3A_247 = arith.constant dense<0.000000e+00> : vector<512x129xf32>
      %dot_general3A_248 = tpu.matmul %convert_element_type3A_224, %concatenate3A_246, %dot_general3A_247 {dimension_numbers = #tpu.dot_dimension_numbers<[0], [0], [1], [1], [0, 1, 1, 1], [], []>, transpose_lhs_hint = false} : vector<2048x512xf32>, vector<2048x129xf32>, vector<512x129xf32> -> vector<512x129xf32>
      %jit3A_249 = arith.constant 0.000000e+00 : f32
      %broadcast_in_dim3A_250 = vector.broadcast %jit3A_249 : f32 to vector<512x129xf32>
      %select_n3A_251 = arith.select %lt3A_214, %dot_general3A_248, %broadcast_in_dim3A_250 : vector<512x129xf32>
      %add3A_252 = arith.addf %add3A_203, %select_n3A_251 : vector<512x129xf32>
      scf.yield %add3A_252 : vector<512x129xf32>
    }
    %slice3A = vector.extract_strided_slice %while3A_111 {offsets = [0, 128], sizes = [512, 1], strides = [1, 1]} : vector<512x129xf32> to vector<512x1xf32>
    %slice3A_112 = vector.extract_strided_slice %while3A_111 {offsets = [0, 0], sizes = [512, 128], strides = [1, 1]} : vector<512x129xf32> to vector<512x128xf32>
    %add3A_113 = arith.constant 1.000000e-16 : f32
    %add3A_114 = vector.broadcast %add3A_113 : f32 to vector<512x1xf32>
    %add3A_115 = arith.addf %slice3A, %add3A_114 : vector<512x1xf32>
    %div3A_116 = vector.broadcast %add3A_115 : vector<512x1xf32> to vector<512x128xf32>
    %div3A_117 = arith.divf %slice3A_112, %div3A_116 : vector<512x128xf32>
    %get3A_118 = arith.constant 0 : index
    %get3A_119 = arith.constant 0 : index
    %get3A_120 = vector.load %arg8[%get3A_118, %get3A_119] : memref<1x128xf32, #tpu.memory_space<vmem>>, vector<1x128xf32>
    %add3A_121 = vector.broadcast %get3A_120 : vector<1x128xf32> to vector<512x128xf32>
    %add3A_122 = arith.addf %div3A_117, %add3A_121 : vector<512x128xf32>
    %reduce_sum3A_123 = arith.constant dense<0.000000e+00> : vector<512xf32>
    %reduce_sum3A_124 = vector.multi_reduction <add>, %add3A_122, %reduce_sum3A_123 [1] : vector<512x128xf32> to vector<512xf32>
    %broadcast_in_dim3A_125 = vector.shape_cast %reduce_sum3A_124 : vector<512xf32> to vector<512x1xf32>
    %div3A_126 = arith.constant 1.280000e+02 : f32
    %div3A_127 = vector.broadcast %div3A_126 : f32 to vector<512x1xf32>
    %div3A_128 = arith.divf %broadcast_in_dim3A_125, %div3A_127 : vector<512x1xf32>
    %sub3A_129 = vector.broadcast %div3A_128 : vector<512x1xf32> to vector<512x128xf32>
    %sub3A_130 = arith.subf %add3A_122, %sub3A_129 : vector<512x128xf32>
    %integer_pow3A = arith.mulf %sub3A_130, %sub3A_130 : vector<512x128xf32>
    %reduce_sum3A_131 = arith.constant dense<0.000000e+00> : vector<512xf32>
    %reduce_sum3A_132 = vector.multi_reduction <add>, %integer_pow3A, %reduce_sum3A_131 [1] : vector<512x128xf32> to vector<512xf32>
    %broadcast_in_dim3A_133 = vector.shape_cast %reduce_sum3A_132 : vector<512xf32> to vector<512x1xf32>
    %div3A_134 = arith.constant 1.280000e+02 : f32
    %div3A_135 = vector.broadcast %div3A_134 : f32 to vector<512x1xf32>
    %div3A_136 = arith.divf %broadcast_in_dim3A_133, %div3A_135 : vector<512x1xf32>
    %sub3A_137 = vector.broadcast %div3A_128 : vector<512x1xf32> to vector<512x128xf32>
    %sub3A_138 = arith.subf %add3A_122, %sub3A_137 : vector<512x128xf32>
    %add3A_139 = arith.constant 9.99999974E-6 : f32
    %add3A_140 = vector.broadcast %add3A_139 : f32 to vector<512x1xf32>
    %add3A_141 = arith.addf %div3A_136, %add3A_140 : vector<512x1xf32>
    %sqrt3A = math.sqrt %add3A_141 : vector<512x1xf32>
    %div3A_142 = vector.broadcast %sqrt3A : vector<512x1xf32> to vector<512x128xf32>
    %div3A_143 = arith.divf %sub3A_138, %div3A_142 : vector<512x128xf32>
    %get3A_144 = arith.constant 0 : index
    %get3A_145 = arith.constant 0 : index
    %get3A_146 = vector.load %arg9[%get3A_144, %get3A_145] : memref<1x128xf32, #tpu.memory_space<vmem>>, vector<1x128xf32>
    %mul3A_147 = vector.broadcast %get3A_146 : vector<1x128xf32> to vector<512x128xf32>
    %mul3A_148 = arith.mulf %div3A_143, %mul3A_147 : vector<512x128xf32>
    %get3A_149 = arith.constant 0 : index
    %get3A_150 = arith.constant 0 : index
    %get3A_151 = vector.load %arg10[%get3A_149, %get3A_150] : memref<1x128xf32, #tpu.memory_space<vmem>>, vector<1x128xf32>
    %add3A_152 = vector.broadcast %get3A_151 : vector<1x128xf32> to vector<512x128xf32>
    %add3A_153 = arith.addf %mul3A_148, %add3A_152 : vector<512x128xf32>
    %max3A = arith.constant 0.000000e+00 : f32
    %max3A_154 = vector.broadcast %max3A : f32 to vector<512x128xf32>
    %max3A_155 = arith.maximumf %add3A_153, %max3A_154 : vector<512x128xf32>
    %swap3A = arith.constant 0 : index
    %swap3A_156 = arith.constant 0 : index
    %swap3A_157 = vector.load %arg11[%swap3A, %swap3A_156] : memref<512x128xf32, #tpu.memory_space<vmem>>, vector<512x128xf32>
    tpu.vector_store %arg11[%swap3A, %swap3A_156], %max3A_155 {strides = array<i32>} : memref<512x128xf32, #tpu.memory_space<vmem>>, vector<512x128xf32>,
    return
  }
  func.func @transform_0(%arg0: i32) -> i32 {
    %c0_i32 = arith.constant 0 : i32
    %c0_i32_0 = arith.constant 0 : i32
    return %c0_i32 : i32
  }
  func.func @transform_1(%arg0: i32) -> i32 {
    %c0_i32 = arith.constant 0 : i32
    %c0_i32_0 = arith.constant 0 : i32
    return %c0_i32 : i32
  }
  func.func @transform_4(%arg0: i32) -> (i32, i32) {
    %c0_i32 = arith.constant 0 : i32
    %c0_i32_0 = arith.constant 0 : i32
    return %arg0, %c0_i32 : i32, i32
  }
  func.func @transform_5(%arg0: i32) -> (i32, i32) {
    %c0_i32 = arith.constant 0 : i32
    %c0_i32_0 = arith.constant 0 : i32
    %c0_i32_1 = arith.constant 0 : i32
    return %c0_i32, %c0_i32_0 : i32, i32
  }
  func.func @transform_6(%arg0: i32) -> (i32, i32) {
    %c0_i32 = arith.constant 0 : i32
    %c0_i32_0 = arith.constant 0 : i32
    %c0_i32_1 = arith.constant 0 : i32
    return %c0_i32, %c0_i32_0 : i32, i32
  }
  func.func @transform_7(%arg0: i32) -> (i32, i32) {
    %c0_i32 = arith.constant 0 : i32
    %c0_i32_0 = arith.constant 0 : i32
    %c0_i32_1 = arith.constant 0 : i32
    return %c0_i32, %c0_i32_0 : i32, i32
  }
  func.func @transform_8(%arg0: i32) -> (i32, i32) {
    %c0_i32 = arith.constant 0 : i32
    %c0_i32_0 = arith.constant 0 : i32
    %c0_i32_1 = arith.constant 0 : i32
    return %c0_i32, %c0_i32_0 : i32, i32
  }
  func.func @transform_9(%arg0: i32) -> (i32, i32) {
    %c0_i32 = arith.constant 0 : i32
    %c0_i32_0 = arith.constant 0 : i32
    %c0_i32_1 = arith.constant 0 : i32
    return %c0_i32, %c0_i32_0 : i32, i32
  }
  func.func @transform_10(%arg0: i32) -> (i32, i32) {
    %c0_i32 = arith.constant 0 : i32
    %c0_i32_0 = arith.constant 0 : i32
    return %arg0, %c0_i32 : i32, i32
  }
}

module attributes {stable_mosaic.version = 14 : i64} {
  func.func @_pool_body(%arg0: i32, %arg1: memref<2048x128xf32, #tpu.memory_space<vmem>>, %arg2: memref<2048x1xi32, #tpu.memory_space<vmem>>, %arg3: memref<64x128xf32, #tpu.memory_space<vmem>>, %arg4: memref<64x129xf32, #tpu.memory_space<vmem>>) attributes {dimension_semantics = [#tpu.dimension_semantics<arbitrary>], iteration_bounds = array<i64: 49>, scalar_prefetch = 0 : i64, scratch_operands = 1 : i64, tpu.core_type = #tpu.core_type<tc>, window_params = [{transform_indices = @transform_0, window_bounds = array<i64: 2048, 128>}, {transform_indices = @transform_1, window_bounds = array<i64: 2048, 1>}, {pipeline_mode = #tpu.pipeline_mode<synchronous>, transform_indices = @transform_2, window_bounds = array<i64: 64, 128>}]} {
    %eq3A = arith.constant 0 : i32
    %eq3A_0 = arith.cmpi eq, %arg0, %eq3A : i32
    %convert_element_type3A = arith.extui %eq3A_0 : i1 to i32
    %cond3A = arith.constant 0 : i32
    %cond3A_1 = arith.cmpi ne, %convert_element_type3A, %cond3A : i32
    scf.if %cond3A_1 {
      %broadcast_in_dim3A_33 = arith.constant 0.000000e+00 : f32
      %broadcast_in_dim3A_34 = vector.broadcast %broadcast_in_dim3A_33 : f32 to vector<64x129xf32>
      %swap3A_35 = arith.constant 0 : index
      %swap3A_36 = arith.constant 0 : index
      %swap3A_37 = vector.load %arg4[%swap3A_35, %swap3A_36] : memref<64x129xf32, #tpu.memory_space<vmem>>, vector<64x129xf32>
      tpu.vector_store %arg4[%swap3A_35, %swap3A_36], %broadcast_in_dim3A_34 {strides = array<i32>} : memref<64x129xf32, #tpu.memory_space<vmem>>, vector<64x129xf32>,
    } else {
    }
    %iota3A = tpu.iota {dimensions = array<i32: 0>} : vector<2048x1xi32>
    %mul3A = arith.constant 2048 : i32
    %mul3A_2 = arith.muli %arg0, %mul3A : i32
    %add3A = vector.broadcast %mul3A_2 : i32 to vector<2048x1xi32>
    %add3A_3 = arith.addi %iota3A, %add3A : vector<2048x1xi32>
    %lt3A = arith.constant 100000 : i32
    %lt3A_4 = vector.broadcast %lt3A : i32 to vector<2048x1xi32>
    %lt3A_5 = arith.cmpi slt, %add3A_3, %lt3A_4 : vector<2048x1xi32>
    %get3A = arith.constant 0 : index
    %get3A_6 = arith.constant 0 : index
    %get3A_7 = vector.load %arg2[%get3A, %get3A_6] : memref<2048x1xi32, #tpu.memory_space<vmem>>, vector<2048x1xi32>
    %iota3A_8 = tpu.iota {dimensions = array<i32: 1>} : vector<2048x64xi32>
    %eq3A_9 = vector.broadcast %get3A_7 : vector<2048x1xi32> to vector<2048x64xi32>
    %eq3A_10 = arith.cmpi eq, %eq3A_9, %iota3A_8 : vector<2048x64xi32>
    %and3A = vector.broadcast %lt3A_5 : vector<2048x1xi1> to vector<2048x64xi1>
    %and3A_11 = arith.andi %eq3A_10, %and3A : vector<2048x64xi1>
    %convert_element_type3A_12 = arith.extui %and3A_11 : vector<2048x64xi1> to vector<2048x64xi32>
    %convert_element_type3A_13 = arith.sitofp %convert_element_type3A_12 : vector<2048x64xi32> to vector<2048x64xf32>
    %broadcast_in_dim3A = arith.constant 1.000000e+00 : f32
    %broadcast_in_dim3A_14 = vector.broadcast %broadcast_in_dim3A : f32 to vector<2048x1xf32>
    %get3A_15 = arith.constant 0 : index
    %get3A_16 = arith.constant 0 : index
    %get3A_17 = vector.load %arg1[%get3A_15, %get3A_16] : memref<2048x128xf32, #tpu.memory_space<vmem>>, vector<2048x128xf32>
    %jit3A = arith.constant 0.000000e+00 : f32
    %broadcast_in_dim3A_18 = vector.shape_cast %lt3A_5 : vector<2048x1xi1> to vector<2048x1xi1>
    %broadcast_in_dim3A_19 = vector.broadcast %broadcast_in_dim3A_18 : vector<2048x1xi1> to vector<2048x128xi1>
    %broadcast_in_dim3A_20 = vector.broadcast %jit3A : f32 to vector<2048x128xf32>
    %select_n3A = arith.select %broadcast_in_dim3A_19, %get3A_17, %broadcast_in_dim3A_20 : vector<2048x128xi1>, vector<2048x128xf32>
    %concatenate3A = tpu.concatenate %select_n3A, %broadcast_in_dim3A_14 in 1 : vector<2048x128xf32>, vector<2048x1xf32> -> vector<2048x129xf32>
    %get3A_21 = arith.constant 0 : index
    %get3A_22 = arith.constant 0 : index
    %get3A_23 = vector.load %arg4[%get3A_21, %get3A_22] : memref<64x129xf32, #tpu.memory_space<vmem>>, vector<64x129xf32>
    %dot_general3A = arith.constant dense<0.000000e+00> : vector<64x129xf32>
    %dot_general3A_24 = tpu.matmul %convert_element_type3A_13, %concatenate3A, %dot_general3A {dimension_numbers = #tpu.dot_dimension_numbers<[0], [0], [1], [1], [0, 1, 1, 1], [], []>, transpose_lhs_hint = false} : vector<2048x64xf32>, vector<2048x129xf32>, vector<64x129xf32> -> vector<64x129xf32>
    %add3A_25 = arith.addf %get3A_23, %dot_general3A_24 : vector<64x129xf32>
    %swap3A = arith.constant 0 : index
    %swap3A_26 = arith.constant 0 : index
    %swap3A_27 = vector.load %arg4[%swap3A, %swap3A_26] : memref<64x129xf32, #tpu.memory_space<vmem>>, vector<64x129xf32>
    tpu.vector_store %arg4[%swap3A, %swap3A_26], %add3A_25 {strides = array<i32>} : memref<64x129xf32, #tpu.memory_space<vmem>>, vector<64x129xf32>,
    %eq3A_28 = arith.constant 48 : i32
    %eq3A_29 = arith.cmpi eq, %arg0, %eq3A_28 : i32
    %convert_element_type3A_30 = arith.extui %eq3A_29 : i1 to i32
    %cond3A_31 = arith.constant 0 : i32
    %cond3A_32 = arith.cmpi ne, %convert_element_type3A_30, %cond3A_31 : i32
    scf.if %cond3A_32 {
      %get3A_33 = arith.constant 0 : index
      %get3A_34 = arith.constant 128 : index
      %get3A_35 = vector.load %arg4[%get3A_33, %get3A_34] : memref<64x129xf32, #tpu.memory_space<vmem>>, vector<64x1xf32>
      %max3A = arith.constant 1.000000e+00 : f32
      %max3A_36 = vector.broadcast %max3A : f32 to vector<64x1xf32>
      %max3A_37 = arith.maximumf %get3A_35, %max3A_36 : vector<64x1xf32>
      %get3A_38 = arith.constant 0 : index
      %get3A_39 = arith.constant 0 : index
      %get3A_40 = vector.load %arg4[%get3A_38, %get3A_39] : memref<64x129xf32, #tpu.memory_space<vmem>>, vector<64x128xf32>
      %div3A = vector.broadcast %max3A_37 : vector<64x1xf32> to vector<64x128xf32>
      %div3A_41 = arith.divf %get3A_40, %div3A : vector<64x128xf32>
      %swap3A_42 = arith.constant 0 : index
      %swap3A_43 = arith.constant 0 : index
      %swap3A_44 = vector.load %arg3[%swap3A_42, %swap3A_43] : memref<64x128xf32, #tpu.memory_space<vmem>>, vector<64x128xf32>
      tpu.vector_store %arg3[%swap3A_42, %swap3A_43], %div3A_41 {strides = array<i32>} : memref<64x128xf32, #tpu.memory_space<vmem>>, vector<64x128xf32>,
    } else {
    }
    return
  }
  func.func @transform_0(%arg0: i32) -> (i32, i32) {
    %c0_i32 = arith.constant 0 : i32
    %c0_i32_0 = arith.constant 0 : i32
    return %arg0, %c0_i32 : i32, i32
  }
  func.func @transform_1(%arg0: i32) -> (i32, i32) {
    %c0_i32 = arith.constant 0 : i32
    %c0_i32_0 = arith.constant 0 : i32
    return %arg0, %c0_i32 : i32, i32
  }
  func.func @transform_2(%arg0: i32) -> (i32, i32) {
    %c0_i32 = arith.constant 0 : i32
    %c0_i32_0 = arith.constant 0 : i32
    %c0_i32_1 = arith.constant 0 : i32
    return %c0_i32, %c0_i32_0 : i32, i32
  }
}

</mosaic_0001>

<sc_bundles>
// kernel: kernel.12.cloned.1.call-start
scs
__scs_entry_jumppad:
0x0: {  	(pc) =	sbr.rel $0x88, $3  }
0x1: {  	(tag) =	ssettag $0x0;
	lr =	simm.s32 $0x1  }
0x2: {  	[smem:$0x3F8C] =	sst lr;
	_ =	strace $0xD0000000  }
0x3: {  	_ = 	snop  }
0x4: {  	_ = 	snop  }
0x5: {  	_ = 	snop  }
0x6: {  	_ = 	snop  }
0x7: {  	_ = 	snop  }
__scs_overlays_trampoline_lowered:
0x8: {  	[smem:$0x3F9B] =	sst s0  }
0x9: {  	[smem:$0x3F9C] =	sst s1  }
0xa: {  	[smem:$0x3F9D] =	sst s2  }
0xb: {  	[smem:$0x3F9E] =	sst s3  }
0xc: {  	[smem:$0x3F9F] =	sst s4  }
0xd: {  	[smem:$0x3FA0] =	sst s5  }
0xe: {  	[smem:$0x3FA1] =	sst s6  }
0xf: {  	[smem:$0x3FA2] =	sst s7  }
0x10: {  	[smem:$0x3FA3] =	sst s8  }
0x11: {  	[smem:$0x3FA4] =	sst s9;
	s0 =	simm.s32 @!p0 $0x0  }
0x12: {  	s1 =	sld [smem:$0x3F8A];
	s0 =	simm.s32 @p0 $0x1  }
0x13: {  	[smem:$0x3FA5] =	sst s0;
	s0 =	simm.s32 @!p1 $0x0  }
0x14: {  	s2 =	sld [smem:$0x3F89];
	s0 =	simm.s32 @p1 $0x1  }
0x15: {  	[smem:$0x3FA6] =	sst s0;
	s0 =	simm.s32 @!p2 $0x0  }
0x16: {  	s3 =	sld [smem:$0x3FDB];
	s0 =	simm.s32 @p2 $0x1  }
0x17: {  	s4 =	simm.s32 $0x1BF5;
	[smem:$0x3FA8] =	sst s0  }
0x18: {  	s0 =	sld [smem:$0x3F8B];
	_ =	swait.ge [sflag:s4], $0x0  }
0x19: {  	s7 =	sld [smem:$0x3F8C]  }
0x1a: {  	s8 =	sadd.s32 $0xFFFFE003, lr  }
0x1b: {  	s9 =	sadd.s32 $0xFFFFFEF7, lr;
	s5 =	simm.s32 $0xFFFFFFFF;
	p2 =	slt.u32 s8, $0xFFFFF086  }
0x1c: {  	p1 =	slt.u32 s9, $0xF7A;
	s5 =	simm.s32 @!p2 $0x0  }
0x1d: {  	s5 =	simm.s32 @p1 $0x1;
	p0 =	seq.s32 s7, s2  }
0x1e: {  	s7 =	smul.u32 @!p0 $0xF7A, s2;
	p2 =	seq.s32 @!p0 s5, $0x0  }
0x1f: {  	s9 =	smul.u32 $0xF7A, s1;
	s8 =	simm.s32 @!p0 $0x1BF5;
	p2 =	por !p2, p0  }
0x20: {  	[sflag:s8] =	ssyncset.s32 @!p0 $0xFFFFF086;
	s6 =	sadd.s32 @!p0 s3, s7;
	s7 =	simm.s32 @!p0 $0x108  }
0x21: {  	s3 =	sadd.s32 s3, s9;
	s6 =	sadd.s32 @!p0 $0x88, s6;
	s7 =	simm.s32 @p2 $0x1082  }
0x22: {  	[simem:s7], [sflag:s8] =	dma.local @!p0 [hbm:s6], $0xF7A  }
0x23: {  	s9 =	sor.u32 $0xD0000000, s2;
	s6 =	simm.s32 $0x108;
	_ =	swait.ge @!p0 [sflag:s8], $0x0  }
0x24: {  	s3 =	sadd.s32 $0x88, s3;
	s6 =	simm.s32 @!p1 $0x1082;
	[sflag:s4] =	ssyncset.s32 $0xFFFFF086  }
0x25: {  	[simem:s6], [sflag:s4] =	dma.local [hbm:s3], $0xF7A  }
0x26: {  	[smem:$0x3F8C] =	sst s1;
	(tag) =	ssettag s2;
	_ =	strace s9  }
0x27: {  	s1 =	sld [smem:$0x3F9C]  }
0x28: {  	s2 =	sld [smem:$0x3F9D]  }
0x29: {  	s4 =	sld [smem:$0x3F9F]  }
0x2a: {  	p0 =	seq.s32 s5, $0x0;
	s5 =	sld [smem:$0x3FA0]  }
0x2b: {  	s6 =	sld [smem:$0x3FA1]  }
0x2c: {  	s7 =	sld [smem:$0x3FA2]  }
0x2d: {  	s3 =	simm.s32 $0x108;
	s8 =	sld [smem:$0x3FA3]  }
0x2e: {  	s3 =	simm.s32 @!p0 $0x1082;
	s9 =	sld [smem:$0x3FA4]  }
0x2f: {  	lr =	sadd.s32 s0, s3;
	s0 =	sld [smem:$0x3F9B]  }
0x30: {  	s3 =	sld [smem:$0x3F9E]  }
0x31: {  	[smem:$0x3FA7] =	sst s10  }
0x32: {  	s10 =	sld [smem:$0x3FA5];
	_ =	sdelay $0x3  }
0x33: {  	p0 =	seq.s32 s10, $0x1;
	s10 =	sld [smem:$0x3FA7];
	_ =	sdelay $0x3  }
0x34: {  	[smem:$0x3FA7] =	sst s10  }
0x35: {  	s10 =	sld [smem:$0x3FA6];
	_ =	sdelay $0x3  }
0x36: {  	p1 =	seq.s32 s10, $0x1;
	s10 =	sld [smem:$0x3FA7];
	_ =	sdelay $0x3  }
0x37: {  	[smem:$0x3FA7] =	sst s10  }
0x38: {  	s10 =	sld [smem:$0x3FA8]  }
0x39: {  	_ = 	snop;
	(pc) =	sbr.ind lr, $3  }
0x3a: {  	_ = 	snop  }
0x3b: {  	_ = 	snop  }
0x3c: {  	p2 =	seq.s32 s10, $0x1;
	s10 =	sld [smem:$0x3FA7]  }
0x3d: {  	_ =	shalt  }
0x3e: {  	_ =	shalt  }
0x3f: {  	_ =	shalt  }
0x40: {  	_ =	shalt  }
0x41: {  	_ =	shalt  }
0x42: {  	_ =	shalt  }
0x43: {  	_ =	shalt  }
0x44: {  	_ =	shalt  }
0x45: {  	_ =	shalt  }
0x46: {  	_ =	shalt  }
0x47: {  	_ =	shalt  }
0x48: {  	_ =	shalt  }
0x49: {  	_ =	shalt  }
0x4a: {  	_ =	shalt  }
0x4b: {  	_ =	shalt  }
0x4c: {  	_ =	shalt  }
0x4d: {  	_ =	shalt  }
0x4e: {  	_ =	shalt  }
0x4f: {  	_ =	shalt  }
0x50: {  	_ =	shalt  }
0x51: {  	_ =	shalt  }
0x52: {  	_ =	shalt  }
0x53: {  	_ =	shalt  }
0x54: {  	_ =	shalt  }
0x55: {  	_ =	shalt  }
0x56: {  	_ =	shalt  }
0x57: {  	_ =	shalt  }
0x58: {  	_ =	shalt  }
0x59: {  	_ =	shalt  }
0x5a: {  	_ =	shalt  }
0x5b: {  	_ =	shalt  }
0x5c: {  	_ =	shalt  }
0x5d: {  	_ =	shalt  }
0x5e: {  	_ =	shalt  }
0x5f: {  	_ =	shalt  }
0x60: {  	_ =	shalt  }
0x61: {  	_ =	shalt  }
0x62: {  	_ =	shalt  }
0x63: {  	_ =	shalt  }
0x64: {  	_ =	shalt  }
0x65: {  	_ =	shalt  }
0x66: {  	_ =	shalt  }
0x67: {  	_ =	shalt  }
0x68: {  	_ =	shalt  }
0x69: {  	_ =	shalt  }
0x6a: {  	_ =	shalt  }
0x6b: {  	_ =	shalt  }
0x6c: {  	_ =	shalt  }
0x6d: {  	_ =	shalt  }
0x6e: {  	_ =	shalt  }
0x6f: {  	_ =	shalt  }
0x70: {  	_ =	shalt  }
0x71: {  	_ =	shalt  }
0x72: {  	_ =	shalt  }
0x73: {  	_ =	shalt  }
0x74: {  	_ =	shalt  }
0x75: {  	_ =	shalt  }
0x76: {  	_ =	shalt  }
0x77: {  	_ =	shalt  }
0x78: {  	_ =	shalt  }
0x79: {  	_ =	shalt  }
0x7a: {  	_ =	shalt  }
0x7b: {  	_ =	shalt  }
0x7c: {  	_ =	shalt  }
0x7d: {  	_ =	shalt  }
0x7e: {  	_ =	shalt  }
0x7f: {  	_ =	shalt  }
0x80: {  	_ =	shalt  }
0x81: {  	_ =	shalt  }
0x82: {  	_ =	shalt  }
0x83: {  	_ =	shalt  }
0x84: {  	_ =	shalt  }
0x85: {  	_ =	shalt  }
0x86: {  	_ =	shalt  }
0x87: {  	_ =	shalt  }
.Lfunc_end0:
.L_simem_size_0:
called_computation_lowered:
.L_overlay_start_0:
0x88: {  	s2 =	sld [smem:$0x3FD9]  }
0x89: {  	s3 =	sld [smem:$0x3FFE];
	_ =	sdelay $0x1  }
0x8a: {  	s1 =	srdreg.scid  }
0x8b: {  	s0 =	sand.u32 $0x1, s1  }
0x8c: {  	s16 =	sshll.u32 s0, $0xA;
	s2 =	sadd.s32 s3, s2  }
0x8d: {  	s2 =	sadd.s32 s2, s16  }
0x8e: {  	[smem:$0x3FB3] =	sst s2  }
0x8f: {  	_ = 	snop  }
0x90: {  	(tm) =	ssettm $0x1  }
0x91: {  	s17 =	sld [smem:$0x3FFB];
	_ =	sdelay $0x3  }
0x92: {  	_ =	strace s17  }
0x93: {  	s2 =	sld [smem:$0x3FFC];
	_ =	sdelay $0x3  }
0x94: {  	_ =	strace s2  }
0x95: {  	s2 =	sld [smem:$0x3FFD];
	_ =	sdelay $0x3  }
0x96: {  	_ =	strace s2  }
0x97: {  	_ =	strace $0x8FFFFFFF  }
0x98: {  	s18 =	sld [smem:$0x3FDB];
	_ =	sdelay $0x1  }
0x99: {  	s19 =	simm.s32 $_scs_section_size  }
0x9a: {  	s4 =	simm.s32 $_size__tile_overlayer_lowered;
	s5 =	simm.s32 $_tile_overlayer_lowered  }
0x9b: {  	s22 =	simm.s32 $0x1BFF;
	s21 =	sshll.u32 s5, $0x1;
	s2 =	sadd.s32 s19, s18  }
0x9c: {  	s6 =	simm.s32 $0x0;
	s20 =	sshll.u32 s4, $0x1;
	s4 =	sadd.s32 s21, s2  }
0x9d: {  	[timem:s6], [sflag:s22] =	dma.local [hbm:s4], s20  }
0x9e: {  	_ =	swait.ge [sflag:s22], s20  }
0x9f: {  	s3 =	ssub.s32 $0x0, s20;
	[sflag:s22] =	ssyncset.done $0x0  }
0xa0: {  	[sflag:s22] =	ssyncadd.s32 s3;
	_ =	sdelay $0x1  }
0xa1: {  	s23 =	simm.s32 $0x1B8B  }
0xa2: {  	_ =	swait.ge [sflag:s23], $0x1  }
0xa3: {  	[sflag:s23] =	ssyncset.done $0x0  }
0xa4: {  	s25 =	simm.s32 $0x1B8E;
	s24 =	sld [smem:$0x3FFE];
	[sflag:s23] =	ssyncadd.s32 $0xFFFFFFFF  }
0xa5: {  	s26 =	simm.s32 $execute0_lowered;
	[smem:$0x3FD2] =	sst s25  }
0xa6: {  	s4 =	sshll.u32 s26, $0x1;
	_ =	strace $0x80000046;
	[dreg:$0x1] =	wrdreg $0xFFFFFFFF  }
0xa7: {  	s28 =	simm.s32 $_size_execute0_lowered;
	s2 =	sadd.s32 s2, s4;
	[dreg:$0x0] =	wrdreg $0x0  }
0xa8: {  	s4 =	sshll.u32 s28, $0x1;
	[dreg:$0x2] =	wrdreg s2  }
0xa9: {  	[dreg:$0x3] =	wrdreg s4  }
0xaa: {  	[dreg:$0x4] =	wrdreg $0xC0  }
0xab: {  	_ =	task [dreg:s6], $0x5FFFF  }
0xac: {  	[dreg:$0x1] =	wrdreg $0xFFFFFFFF  }
0xad: {  	[dreg:$0x0] =	wrdreg $0x60  }
0xae: {  	[dreg:$0x2] =	wrdreg s24  }
0xaf: {  	[dreg:$0x3] =	wrdreg $0x9  }
0xb0: {  	_ =	task.clear_ibuf [dreg:s6], $0x4FFFF;
	_ =	strace $0x90000046  }
0xb1: {  	s29 =	simm.s32 $0x9;
	_ =	strace $0x80000048  }
0xb2: {  	_ =	swait.ge [sflag:s29], $0x1  }
0xb3: {  	[sflag:s29] =	ssyncadd.s32 $0xFFFFFFFF  }
0xb4: {  	_ =	strace $0x90000048  }
0xb5: {  	_ =	sfence  }
0xb6: {  	s30 =	sld [smem:$0x0];
	_ =	sdelay $0x2  }
0xb7: {  	s31 =	sshll.u32 s1, $0xD;
	s1 =	sshrl.u32 s1, $0x2  }
0xb8: {  	s3 =	sand.u32 $0x4000, s31;
	s1 =	sadd.s32 s1, s30  }
0xb9: {  	s0 =	sor.u32 s3, s0;
	s1 =	sshll.u32 s1, $0x11  }
0xba: {  	s0 =	sor.u32 s1, s0  }
0xbb: {  	s0 =	sadd.s32 $0x8F2B, s0  }
0xbc: {  	[sflag:s0] =	ssyncadd.remote.s32 $0x1  }
0xbd: {  	_ =	sfence.sel $0xFFFF  }
0xbe: {  	[dreg:$0x0] =	wrdreg $0xFFFFFFFF;
	(pc) =	sbr.abs _section_cstart, $3  }
0xbf: {  	[dreg:$0x1] =	wrdreg $0xFFFFFFFF  }
0xc0: {  	_ =	task.clear_ibuf [dreg:s6], $0x2FFFF;
	_ =	strace $0x9FFFFFFF  }
0xc1: {  	(tm) =	ssettm $0x7FFFFFFF  }
tec
execute0_lowered:
.L_overlay_start_1:
0x0: {  	(tag) =	ssettag $0x1  }
0x1: {  	s4 =	rddreg [dreg:$0x0]  }
0x2: {  	s0 =	rddreg [dreg:$0x1];
	s3 =	srdreg.scid  }
0x3: {  	s1 =	stileid.u32;
	s2 =	simm.s32 $0x0;
	s10 =	simm.s32 $0x11000  }
0x4: {  	s11 =	simm.s32 $0x15000;
	s12 =	simm.s32 $0x19000;
	s13 =	simm.s32 $0x1  }
0x5: {  	s14 =	simm.s32 $0x2;
	s15 =	simm.s32 $0x0;
	s3 =	sand.u32 $0x1, s3  }
0x6: {  	s5 =	smul.u32 $0xD00000, s1;
	[smem:$0x7FF] =	sst s2;
	s6 =	sshll.u32 s1, $0x1  }
0x7: {  	s7 =	smul.u32 $0x680000, s3;
	s6 =	sor.u32 s3, s6;
	s30 =	ssub.s32 $0x2, s3  }
0x8: {  	_ =	strace $0x80000047;
	s6 =	smul.u32 $0x1A00, s6;
	s8 =	sshrl.u32 s30, $0x1  }
0x9: {  	s3 =	sadd.s32 $0x225A00, s4;
	s5 =	sadd.s32 s7, s5;
	s31 =	ssub.s32 s30, s8  }
0xa: {  	s7 =	simm.s32 $0x3;
	s5 =	sshrl.u32 s5, $0x3;
	s6 =	sadd.s32 s6, s4  }
0xb: {  	s8 =	simm.s32 $0x80;
	s9 =	sadd.s32 s5, s4;
	s4 =	sadd.s32 $0x6B000, s6  }
0xc: {  	s5 =	smax.u32 s31, $0x1;
	s6 =	sadd.s32 $0x3AC400, s9;
	s9 =	simm.s32 $0xD000  }
.LBB2_1:
0xd: {  	[tilespmem:s2], [sflag:$0x3] =	stream.linear.gather [hbm4b:s4+s2], $0xD000, $0x38;
	[tilespmem:$0x1D000] =	vst v63  }
0xe: {  	_ =	swait.ge [sflag:s7], $0xD000  }
0xf: {  	[sflag:s7] =	ssyncset.done $0x0  }
0x10: {  	s16 =	simm.s32 $0x0;
	[sflag:s7] =	ssyncadd.s32 $0xFFFF3000  }
0x11: {  	[tilespmem:s9], [sflag:$0x1] =	stream.indirect.gather [hbm4b:s3+s8], $0x80, s16, s8, $0xb8;
	[tilespmem:$0x1D000] =	vst v63  }
0x12: {  	s28 =	simm.s32 $0x80  }
0x13: {  	[tilespmem:s10], [sflag:$0x1] =	stream.indirect.gather [hbm4b:s3+s8], $0x80, s28, s8, $0xb8;
	[tilespmem:$0x1D000] =	vst v63  }
0x14: {  	s29 =	simm.s32 $0x100  }
0x15: {  	[tilespmem:s11], [sflag:$0x1] =	stream.indirect.gather [hbm4b:s3+s8], $0x80, s29, s8, $0xb8;
	[tilespmem:$0x1D000] =	vst v63  }
0x16: {  	s30 =	simm.s32 $0x180  }
0x17: {  	[tilespmem:s12], [sflag:$0x1] =	stream.indirect.gather [hbm4b:s3+s8], $0x80, s30, s8, $0xb8;
	[tilespmem:$0x1D000] =	vst v63  }
0x18: {  	_ =	swait.ge [sflag:s13], $0x4000  }
0x19: {  	[sflag:s13] =	ssyncset.done $0x0  }
0x1a: {  	[sflag:s13] =	ssyncadd.s32 $0xFFFFC000  }
0x1b: {  	_ =	swait.ge [sflag:s13], $0x4000  }
0x1c: {  	[sflag:s13] =	ssyncset.done $0x0  }
0x1d: {  	[sflag:s13] =	ssyncadd.s32 $0xFFFFC000  }
0x1e: {  	_ =	swait.ge [sflag:s13], $0x4000  }
0x1f: {  	[sflag:s13] =	ssyncset.done $0x0  }
0x20: {  	[sflag:s13] =	ssyncadd.s32 $0xFFFFC000  }
0x21: {  	_ =	swait.ge [sflag:s13], $0x4000  }
0x22: {  	[sflag:s13] =	ssyncset.done $0x0  }
0x23: {  	s31 =	sadd.s32 $0x0, s6;
	[sflag:s13] =	ssyncadd.s32 $0xFFFFC000  }
0x24: {  	[hbm4b:s31+s2] =	stream.linear.scatter [tilespmem:s9], [sflag:$0x2], $0x10000, $0x38;
	[tilespmem:$0x1D000] =	vst v63  }
0x25: {  	s18 =	simm.s32 $0x4000;
	_ =	swait.ge [sflag:s14], $0x10000  }
0x26: {  	s17 =	simm.s32 $0x380;
	s16 =	simm.s32 $0x2000;
	[sflag:s14] =	ssyncset.done $0x0  }
.LBB2_2:
0x27: {  	p0 =	sne.s32 s18, $0xCE000;
	s19 =	sadd.s32 $0xFFFFFE80, s17;
	[sflag:s14] =	ssyncadd.s32 $0xFFFF0000  }
0x28: {  	[tilespmem:s9], [sflag:$0x1] =	stream.indirect.gather [hbm4b:s3+s8], $0x80, s19, s8, $0xb8;
	[tilespmem:$0x1D000] =	vst v63  }
0x29: {  	s20 =	smov.u32 s18;
	s18 =	sadd.s32 $0x2000, s18;
	s19 =	sadd.s32 $0xFFFFFF00, s17  }
0x2a: {  	[tilespmem:s10], [sflag:$0x1] =	stream.indirect.gather [hbm4b:s3+s8], $0x80, s19, s8, $0xb8;
	[tilespmem:$0x1D000] =	vst v63  }
0x2b: {  	s19 =	sadd.s32 $0xFFFFFF80, s17  }
0x2c: {  	[tilespmem:s11], [sflag:$0x1] =	stream.indirect.gather [hbm4b:s3+s8], $0x80, s19, s8, $0xb8;
	[tilespmem:$0x1D000] =	vst v63  }
0x2d: {  	_ = 	snop  }
0x2e: {  	[tilespmem:s12], [sflag:$0x1] =	stream.indirect.gather [hbm4b:s3+s8], $0x80, s17, s8, $0xb8;
	[tilespmem:$0x1D000] =	vst v63  }
0x2f: {  	_ =	swait.ge [sflag:s13], $0x4000  }
0x30: {  	[sflag:s13] =	ssyncset.done $0x0  }
0x31: {  	[sflag:s13] =	ssyncadd.s32 $0xFFFFC000  }
0x32: {  	_ =	swait.ge [sflag:s13], $0x4000  }
0x33: {  	[sflag:s13] =	ssyncset.done $0x0  }
0x34: {  	[sflag:s13] =	ssyncadd.s32 $0xFFFFC000  }
0x35: {  	_ =	swait.ge [sflag:s13], $0x4000  }
0x36: {  	[sflag:s13] =	ssyncset.done $0x0  }
0x37: {  	[sflag:s13] =	ssyncadd.s32 $0xFFFFC000  }
0x38: {  	_ =	swait.ge [sflag:s13], $0x4000  }
.Ltmp0:
0x39: {  	[sflag:s13] =	ssyncset.done $0x0;
	(pc) =	sbr.rel @p0 .LBB2_2-.Ltmp0, $4  }
0x3a: {  	s19 =	sadd.s32 s16, s6;
	s16 =	smov.u32 s20;
	[sflag:s13] =	ssyncadd.s32 $0xFFFFC000  }
0x3b: {  	[hbm4b:s19+s2] =	stream.linear.scatter [tilespmem:s9], [sflag:$0x2], $0x10000, $0x38;
	[tilespmem:$0x1D000] =	vst v63  }
0x3c: {  	_ =	swait.ge [sflag:s14], $0x10000  }
0x3d: {  	s17 =	sadd.s32 $0x200, s17;
	[sflag:s14] =	ssyncset.done $0x0  }
0x3e: {  	s18 =	sadd.s32 $0xFFFFFE80, s17;
	[sflag:s14] =	ssyncadd.s32 $0xFFFF0000  }
0x3f: {  	[tilespmem:s9], [sflag:$0x1] =	stream.indirect.gather [hbm4b:s3+s8], $0x80, s18, s8, $0xb8;
	[tilespmem:$0x1D000] =	vst v63  }
0x40: {  	s30 =	sadd.s32 $0xFFFFFF00, s17  }
0x41: {  	[tilespmem:s10], [sflag:$0x1] =	stream.indirect.gather [hbm4b:s3+s8], $0x80, s30, s8, $0xb8;
	[tilespmem:$0x1D000] =	vst v63  }
0x42: {  	s31 =	sadd.s32 $0xFFFFFF80, s17  }
0x43: {  	[tilespmem:s11], [sflag:$0x1] =	stream.indirect.gather [hbm4b:s3+s8], $0x80, s31, s8, $0xb8;
	[tilespmem:$0x1D000] =	vst v63  }
0x44: {  	_ = 	snop  }
0x45: {  	[tilespmem:s12], [sflag:$0x1] =	stream.indirect.gather [hbm4b:s3+s8], $0x80, s17, s8, $0xb8;
	[tilespmem:$0x1D000] =	vst v63  }
0x46: {  	_ =	swait.ge [sflag:s13], $0x4000  }
0x47: {  	[sflag:s13] =	ssyncset.done $0x0  }
0x48: {  	[sflag:s13] =	ssyncadd.s32 $0xFFFFC000  }
0x49: {  	_ =	swait.ge [sflag:s13], $0x4000  }
0x4a: {  	[sflag:s13] =	ssyncset.done $0x0  }
0x4b: {  	[sflag:s13] =	ssyncadd.s32 $0xFFFFC000  }
0x4c: {  	_ =	swait.ge [sflag:s13], $0x4000  }
0x4d: {  	[sflag:s13] =	ssyncset.done $0x0  }
0x4e: {  	[sflag:s13] =	ssyncadd.s32 $0xFFFFC000  }
0x4f: {  	s15 =	sadd.s32 $0x1, s15;
	_ =	swait.ge [sflag:s13], $0x4000  }
0x50: {  	p0 =	sne.s32 s15, s5;
	[sflag:s13] =	ssyncset.done $0x0  }
.Ltmp1:
0x51: {  	s16 =	sadd.s32 s16, s6;
	[sflag:s13] =	ssyncadd.s32 $0xFFFFC000;
	(pc) =	sbr.rel @p0 .LBB2_1-.Ltmp1, $4  }
0x52: {  	[hbm4b:s16+s2] =	stream.linear.scatter [tilespmem:s9], [sflag:$0x2], $0x10000, $0x38;
	[tilespmem:$0x1D000] =	vst v63  }
0x53: {  	_ =	swait.ge [sflag:s14], $0x10000  }
0x54: {  	[sflag:s14] =	ssyncset.done $0x0  }
0x55: {  	[sflag:s14] =	ssyncadd.s32 $0xFFFF0000  }
0x56: {  	_ =	sfence.sel $0x180000  }
0x57: {  	[bflag:$0x0] =	sbarrier.arrive $0xFFFF  }
0x58: {  	p0 =	sne.s32 s1, $0x0;
	_ =	strace $0x90000047  }
0x59: {  	s0 =	sadd.s32 @!p0 $0x100000, s0;
	[bflag:$0x2] =	sbarrier.arrive $0xFFFF  }
0x5a: {  	[sflag:s0] =	ssyncadd.tile.s32 @!p0 $0x1;
	_ =	shalt  }
.Lfunc_end2:
_tile_overlayer_lowered:
.L_overlay_start_2:
0x5b: {  	(tag) =	ssettag $0x2  }
0x5c: {  	s0 =	rddreg [dreg:$0x0];
	s2 =	stileid.u32  }
0x5d: {  	s1 =	rddreg [dreg:$0x1];
	p0 =	sne.s32 s2, $0x0  }
0x5e: {  	s3 =	rddreg [dreg:$0x2];
	[bflag:$0x3] =	sbarrier.arrive $0xFFFF;
	s2 =	simm.s32 @!p0 $0x1C03  }
0x5f: {  	[timem:s3], [sflag:s2] =	dma.local @!p0 [hbm:s0], s1  }
0x60: {  	s0 =	simm.s32 @!p0 $0x3  }
0x61: {  	_ =	swait.ge @!p0 [sflag:s0], s1  }
0x62: {  	s1 =	ssub.s32 @!p0 $0x0, s1;
	[sflag:s0] =	ssyncset.done @!p0 $0x0  }
0x63: {  	[sflag:s0] =	ssyncadd.s32 @!p0 s1  }
0x64: {  	[bflag:$0x3] =	sbarrier.arrive $0xFFFF  }
0x65: {  	_ =	shalt  }

// kernel: kernel.15.cloned.1.call-start
scs
__scs_entry_jumppad:
0x0: {  	(pc) =	sbr.rel $0x88, $3  }
0x1: {  	(tag) =	ssettag $0x0;
	lr =	simm.s32 $0x1  }
0x2: {  	[smem:$0x3F8C] =	sst lr;
	_ =	strace $0xD0000000  }
0x3: {  	_ = 	snop  }
0x4: {  	_ = 	snop  }
0x5: {  	_ = 	snop  }
0x6: {  	_ = 	snop  }
0x7: {  	_ = 	snop  }
__scs_overlays_trampoline_lowered:
0x8: {  	[smem:$0x3F9B] =	sst s0  }
0x9: {  	[smem:$0x3F9C] =	sst s1  }
0xa: {  	[smem:$0x3F9D] =	sst s2  }
0xb: {  	[smem:$0x3F9E] =	sst s3  }
0xc: {  	[smem:$0x3F9F] =	sst s4  }
0xd: {  	[smem:$0x3FA0] =	sst s5  }
0xe: {  	[smem:$0x3FA1] =	sst s6  }
0xf: {  	[smem:$0x3FA2] =	sst s7  }
0x10: {  	[smem:$0x3FA3] =	sst s8  }
0x11: {  	[smem:$0x3FA4] =	sst s9;
	s0 =	simm.s32 @!p0 $0x0  }
0x12: {  	s1 =	sld [smem:$0x3F8A];
	s0 =	simm.s32 @p0 $0x1  }
0x13: {  	[smem:$0x3FA5] =	sst s0;
	s0 =	simm.s32 @!p1 $0x0  }
0x14: {  	s2 =	sld [smem:$0x3F89];
	s0 =	simm.s32 @p1 $0x1  }
0x15: {  	[smem:$0x3FA6] =	sst s0;
	s0 =	simm.s32 @!p2 $0x0  }
0x16: {  	s3 =	sld [smem:$0x3FDB];
	s0 =	simm.s32 @p2 $0x1  }
0x17: {  	s4 =	simm.s32 $0x1BF5;
	[smem:$0x3FA8] =	sst s0  }
0x18: {  	s0 =	sld [smem:$0x3F8B];
	_ =	swait.ge [sflag:s4], $0x0  }
0x19: {  	s7 =	sld [smem:$0x3F8C]  }
0x1a: {  	s8 =	sadd.s32 $0xFFFFE003, lr  }
0x1b: {  	s9 =	sadd.s32 $0xFFFFFEF7, lr;
	s5 =	simm.s32 $0xFFFFFFFF;
	p2 =	slt.u32 s8, $0xFFFFF086  }
0x1c: {  	p1 =	slt.u32 s9, $0xF7A;
	s5 =	simm.s32 @!p2 $0x0  }
0x1d: {  	s5 =	simm.s32 @p1 $0x1;
	p0 =	seq.s32 s7, s2  }
0x1e: {  	s7 =	smul.u32 @!p0 $0xF7A, s2;
	p2 =	seq.s32 @!p0 s5, $0x0  }
0x1f: {  	s9 =	smul.u32 $0xF7A, s1;
	s8 =	simm.s32 @!p0 $0x1BF5;
	p2 =	por !p2, p0  }
0x20: {  	[sflag:s8] =	ssyncset.s32 @!p0 $0xFFFFF086;
	s6 =	sadd.s32 @!p0 s3, s7;
	s7 =	simm.s32 @!p0 $0x108  }
0x21: {  	s3 =	sadd.s32 s3, s9;
	s6 =	sadd.s32 @!p0 $0x88, s6;
	s7 =	simm.s32 @p2 $0x1082  }
0x22: {  	[simem:s7], [sflag:s8] =	dma.local @!p0 [hbm:s6], $0xF7A  }
0x23: {  	s9 =	sor.u32 $0xD0000000, s2;
	s6 =	simm.s32 $0x108;
	_ =	swait.ge @!p0 [sflag:s8], $0x0  }
0x24: {  	s3 =	sadd.s32 $0x88, s3;
	s6 =	simm.s32 @!p1 $0x1082;
	[sflag:s4] =	ssyncset.s32 $0xFFFFF086  }
0x25: {  	[simem:s6], [sflag:s4] =	dma.local [hbm:s3], $0xF7A  }
0x26: {  	[smem:$0x3F8C] =	sst s1;
	(tag) =	ssettag s2;
	_ =	strace s9  }
0x27: {  	s1 =	sld [smem:$0x3F9C]  }
0x28: {  	s2 =	sld [smem:$0x3F9D]  }
0x29: {  	s4 =	sld [smem:$0x3F9F]  }
0x2a: {  	p0 =	seq.s32 s5, $0x0;
	s5 =	sld [smem:$0x3FA0]  }
0x2b: {  	s6 =	sld [smem:$0x3FA1]  }
0x2c: {  	s7 =	sld [smem:$0x3FA2]  }
0x2d: {  	s3 =	simm.s32 $0x108;
	s8 =	sld [smem:$0x3FA3]  }
0x2e: {  	s3 =	simm.s32 @!p0 $0x1082;
	s9 =	sld [smem:$0x3FA4]  }
0x2f: {  	lr =	sadd.s32 s0, s3;
	s0 =	sld [smem:$0x3F9B]  }
0x30: {  	s3 =	sld [smem:$0x3F9E]  }
0x31: {  	[smem:$0x3FA7] =	sst s10  }
0x32: {  	s10 =	sld [smem:$0x3FA5];
	_ =	sdelay $0x3  }
0x33: {  	p0 =	seq.s32 s10, $0x1;
	s10 =	sld [smem:$0x3FA7];
	_ =	sdelay $0x3  }
0x34: {  	[smem:$0x3FA7] =	sst s10  }
0x35: {  	s10 =	sld [smem:$0x3FA6];
	_ =	sdelay $0x3  }
0x36: {  	p1 =	seq.s32 s10, $0x1;
	s10 =	sld [smem:$0x3FA7];
	_ =	sdelay $0x3  }
0x37: {  	[smem:$0x3FA7] =	sst s10  }
0x38: {  	s10 =	sld [smem:$0x3FA8]  }
0x39: {  	_ = 	snop;
	(pc) =	sbr.ind lr, $3  }
0x3a: {  	_ = 	snop  }
0x3b: {  	_ = 	snop  }
0x3c: {  	p2 =	seq.s32 s10, $0x1;
	s10 =	sld [smem:$0x3FA7]  }
0x3d: {  	_ =	shalt  }
0x3e: {  	_ =	shalt  }
0x3f: {  	_ =	shalt  }
0x40: {  	_ =	shalt  }
0x41: {  	_ =	shalt  }
0x42: {  	_ =	shalt  }
0x43: {  	_ =	shalt  }
0x44: {  	_ =	shalt  }
0x45: {  	_ =	shalt  }
0x46: {  	_ =	shalt  }
0x47: {  	_ =	shalt  }
0x48: {  	_ =	shalt  }
0x49: {  	_ =	shalt  }
0x4a: {  	_ =	shalt  }
0x4b: {  	_ =	shalt  }
0x4c: {  	_ =	shalt  }
0x4d: {  	_ =	shalt  }
0x4e: {  	_ =	shalt  }
0x4f: {  	_ =	shalt  }
0x50: {  	_ =	shalt  }
0x51: {  	_ =	shalt  }
0x52: {  	_ =	shalt  }
0x53: {  	_ =	shalt  }
0x54: {  	_ =	shalt  }
0x55: {  	_ =	shalt  }
0x56: {  	_ =	shalt  }
0x57: {  	_ =	shalt  }
0x58: {  	_ =	shalt  }
0x59: {  	_ =	shalt  }
0x5a: {  	_ =	shalt  }
0x5b: {  	_ =	shalt  }
0x5c: {  	_ =	shalt  }
0x5d: {  	_ =	shalt  }
0x5e: {  	_ =	shalt  }
0x5f: {  	_ =	shalt  }
0x60: {  	_ =	shalt  }
0x61: {  	_ =	shalt  }
0x62: {  	_ =	shalt  }
0x63: {  	_ =	shalt  }
0x64: {  	_ =	shalt  }
0x65: {  	_ =	shalt  }
0x66: {  	_ =	shalt  }
0x67: {  	_ =	shalt  }
0x68: {  	_ =	shalt  }
0x69: {  	_ =	shalt  }
0x6a: {  	_ =	shalt  }
0x6b: {  	_ =	shalt  }
0x6c: {  	_ =	shalt  }
0x6d: {  	_ =	shalt  }
0x6e: {  	_ =	shalt  }
0x6f: {  	_ =	shalt  }
0x70: {  	_ =	shalt  }
0x71: {  	_ =	shalt  }
0x72: {  	_ =	shalt  }
0x73: {  	_ =	shalt  }
0x74: {  	_ =	shalt  }
0x75: {  	_ =	shalt  }
0x76: {  	_ =	shalt  }
0x77: {  	_ =	shalt  }
0x78: {  	_ =	shalt  }
0x79: {  	_ =	shalt  }
0x7a: {  	_ =	shalt  }
0x7b: {  	_ =	shalt  }
0x7c: {  	_ =	shalt  }
0x7d: {  	_ =	shalt  }
0x7e: {  	_ =	shalt  }
0x7f: {  	_ =	shalt  }
0x80: {  	_ =	shalt  }
0x81: {  	_ =	shalt  }
0x82: {  	_ =	shalt  }
0x83: {  	_ =	shalt  }
0x84: {  	_ =	shalt  }
0x85: {  	_ =	shalt  }
0x86: {  	_ =	shalt  }
0x87: {  	_ =	shalt  }
.Lfunc_end0:
.L_simem_size_0:
called_computation.1_lowered:
.L_overlay_start_0:
0x88: {  	s2 =	sld [smem:$0x3FD9]  }
0x89: {  	s3 =	sld [smem:$0x3FFE];
	_ =	sdelay $0x1  }
0x8a: {  	s1 =	srdreg.scid  }
0x8b: {  	s0 =	sand.u32 $0x1, s1  }
0x8c: {  	s16 =	sshll.u32 s0, $0xA;
	s2 =	sadd.s32 s3, s2  }
0x8d: {  	s2 =	sadd.s32 s2, s16  }
0x8e: {  	[smem:$0x3FB3] =	sst s2  }
0x8f: {  	_ = 	snop  }
0x90: {  	(tm) =	ssettm $0x1  }
0x91: {  	s17 =	sld [smem:$0x3FFB];
	_ =	sdelay $0x3  }
0x92: {  	_ =	strace s17  }
0x93: {  	s2 =	sld [smem:$0x3FFC];
	_ =	sdelay $0x3  }
0x94: {  	_ =	strace s2  }
0x95: {  	s2 =	sld [smem:$0x3FFD];
	_ =	sdelay $0x3  }
0x96: {  	_ =	strace s2  }
0x97: {  	_ =	strace $0x8FFFFFFF  }
0x98: {  	s18 =	sld [smem:$0x3FDB];
	_ =	sdelay $0x1  }
0x99: {  	s19 =	simm.s32 $_scs_section_size  }
0x9a: {  	s4 =	simm.s32 $_size__tile_overlayer_lowered;
	s5 =	simm.s32 $_tile_overlayer_lowered  }
0x9b: {  	s22 =	simm.s32 $0x1BFF;
	s21 =	sshll.u32 s5, $0x1;
	s2 =	sadd.s32 s19, s18  }
0x9c: {  	s6 =	simm.s32 $0x0;
	s20 =	sshll.u32 s4, $0x1;
	s4 =	sadd.s32 s21, s2  }
0x9d: {  	[timem:s6], [sflag:s22] =	dma.local [hbm:s4], s20  }
0x9e: {  	_ =	swait.ge [sflag:s22], s20  }
0x9f: {  	s3 =	ssub.s32 $0x0, s20;
	[sflag:s22] =	ssyncset.done $0x0  }
0xa0: {  	[sflag:s22] =	ssyncadd.s32 s3;
	_ =	sdelay $0x1  }
0xa1: {  	s23 =	simm.s32 $0x1B8B  }
0xa2: {  	_ =	swait.ge [sflag:s23], $0x1  }
0xa3: {  	[sflag:s23] =	ssyncset.done $0x0  }
0xa4: {  	s25 =	simm.s32 $0x1B8E;
	s24 =	sld [smem:$0x3FFE];
	[sflag:s23] =	ssyncadd.s32 $0xFFFFFFFF  }
0xa5: {  	s26 =	simm.s32 $execute0_lowered;
	[smem:$0x3FD2] =	sst s25  }
0xa6: {  	s4 =	sshll.u32 s26, $0x1;
	_ =	strace $0x80000049;
	[dreg:$0x1] =	wrdreg $0xFFFFFFFF  }
0xa7: {  	s28 =	simm.s32 $_size_execute0_lowered;
	s2 =	sadd.s32 s2, s4;
	[dreg:$0x0] =	wrdreg $0x0  }
0xa8: {  	s4 =	sshll.u32 s28, $0x1;
	[dreg:$0x2] =	wrdreg s2  }
0xa9: {  	[dreg:$0x3] =	wrdreg s4  }
0xaa: {  	[dreg:$0x4] =	wrdreg $0xC0  }
0xab: {  	_ =	task [dreg:s6], $0x5FFFF  }
0xac: {  	[dreg:$0x1] =	wrdreg $0xFFFFFFFF  }
0xad: {  	[dreg:$0x0] =	wrdreg $0x60  }
0xae: {  	[dreg:$0x2] =	wrdreg s24  }
0xaf: {  	[dreg:$0x3] =	wrdreg $0x9  }
0xb0: {  	_ =	task.clear_ibuf [dreg:s6], $0x4FFFF;
	_ =	strace $0x90000049  }
0xb1: {  	s29 =	simm.s32 $0x9;
	_ =	strace $0x8000004B  }
0xb2: {  	_ =	swait.ge [sflag:s29], $0x1  }
0xb3: {  	[sflag:s29] =	ssyncadd.s32 $0xFFFFFFFF  }
0xb4: {  	_ =	strace $0x9000004B  }
0xb5: {  	_ =	sfence  }
0xb6: {  	s30 =	sld [smem:$0x0];
	_ =	sdelay $0x2  }
0xb7: {  	s31 =	sshll.u32 s1, $0xD;
	s1 =	sshrl.u32 s1, $0x2  }
0xb8: {  	s3 =	sand.u32 $0x4000, s31;
	s1 =	sadd.s32 s1, s30  }
0xb9: {  	s0 =	sor.u32 s3, s0;
	s1 =	sshll.u32 s1, $0x11  }
0xba: {  	s0 =	sor.u32 s1, s0  }
0xbb: {  	s0 =	sadd.s32 $0x8F2B, s0  }
0xbc: {  	[sflag:s0] =	ssyncadd.remote.s32 $0x1  }
0xbd: {  	_ =	sfence.sel $0xFFFF  }
0xbe: {  	[dreg:$0x0] =	wrdreg $0xFFFFFFFF;
	(pc) =	sbr.abs _section_cstart, $3  }
0xbf: {  	[dreg:$0x1] =	wrdreg $0xFFFFFFFF  }
0xc0: {  	_ =	task.clear_ibuf [dreg:s6], $0x2FFFF;
	_ =	strace $0x9FFFFFFF  }
0xc1: {  	(tm) =	ssettm $0x7FFFFFFF  }
tec
execute0_lowered:
.L_overlay_start_1:
0x0: {  	(tag) =	ssettag $0x1  }
0x1: {  	s4 =	rddreg [dreg:$0x0]  }
0x2: {  	s0 =	rddreg [dreg:$0x1];
	s3 =	srdreg.scid  }
0x3: {  	s1 =	stileid.u32;
	s2 =	simm.s32 $0x0;
	s10 =	simm.s32 $0x11000  }
0x4: {  	s11 =	simm.s32 $0x15000;
	s12 =	simm.s32 $0x19000;
	s13 =	simm.s32 $0x1  }
0x5: {  	s14 =	simm.s32 $0x2;
	s15 =	simm.s32 $0x0;
	s3 =	sand.u32 $0x1, s3  }
0x6: {  	s5 =	smul.u32 $0xD00000, s1;
	[smem:$0x7FF] =	sst s2;
	s6 =	sshll.u32 s1, $0x1  }
0x7: {  	s7 =	smul.u32 $0x680000, s3;
	s6 =	sor.u32 s3, s6;
	s30 =	ssub.s32 $0x2, s3  }
0x8: {  	_ =	strace $0x8000004A;
	s6 =	smul.u32 $0x1A00, s6;
	s8 =	sshrl.u32 s30, $0x1  }
0x9: {  	s3 =	sadd.s32 $0x225A00, s4;
	s5 =	sadd.s32 s7, s5;
	s31 =	ssub.s32 s30, s8  }
0xa: {  	s7 =	simm.s32 $0x3;
	s5 =	sshrl.u32 s5, $0x3;
	s6 =	sadd.s32 s6, s4  }
0xb: {  	s8 =	simm.s32 $0x80;
	s9 =	sadd.s32 s5, s4;
	s4 =	sadd.s32 $0x6B000, s6  }
0xc: {  	s5 =	smax.u32 s31, $0x1;
	s6 =	sadd.s32 $0x3AC400, s9;
	s9 =	simm.s32 $0xD000  }
.LBB2_1:
0xd: {  	[tilespmem:s2], [sflag:$0x3] =	stream.linear.gather [hbm4b:s4+s2], $0xD000, $0x38;
	[tilespmem:$0x1D000] =	vst v63  }
0xe: {  	_ =	swait.ge [sflag:s7], $0xD000  }
0xf: {  	[sflag:s7] =	ssyncset.done $0x0  }
0x10: {  	s16 =	simm.s32 $0x0;
	[sflag:s7] =	ssyncadd.s32 $0xFFFF3000  }
0x11: {  	[tilespmem:s9], [sflag:$0x1] =	stream.indirect.gather [hbm4b:s3+s8], $0x80, s16, s8, $0xb8;
	[tilespmem:$0x1D000] =	vst v63  }
0x12: {  	s28 =	simm.s32 $0x80  }
0x13: {  	[tilespmem:s10], [sflag:$0x1] =	stream.indirect.gather [hbm4b:s3+s8], $0x80, s28, s8, $0xb8;
	[tilespmem:$0x1D000] =	vst v63  }
0x14: {  	s29 =	simm.s32 $0x100  }
0x15: {  	[tilespmem:s11], [sflag:$0x1] =	stream.indirect.gather [hbm4b:s3+s8], $0x80, s29, s8, $0xb8;
	[tilespmem:$0x1D000] =	vst v63  }
0x16: {  	s30 =	simm.s32 $0x180  }
0x17: {  	[tilespmem:s12], [sflag:$0x1] =	stream.indirect.gather [hbm4b:s3+s8], $0x80, s30, s8, $0xb8;
	[tilespmem:$0x1D000] =	vst v63  }
0x18: {  	_ =	swait.ge [sflag:s13], $0x4000  }
0x19: {  	[sflag:s13] =	ssyncset.done $0x0  }
0x1a: {  	[sflag:s13] =	ssyncadd.s32 $0xFFFFC000  }
0x1b: {  	_ =	swait.ge [sflag:s13], $0x4000  }
0x1c: {  	[sflag:s13] =	ssyncset.done $0x0  }
0x1d: {  	[sflag:s13] =	ssyncadd.s32 $0xFFFFC000  }
0x1e: {  	_ =	swait.ge [sflag:s13], $0x4000  }
0x1f: {  	[sflag:s13] =	ssyncset.done $0x0  }
0x20: {  	[sflag:s13] =	ssyncadd.s32 $0xFFFFC000  }
0x21: {  	_ =	swait.ge [sflag:s13], $0x4000  }
0x22: {  	[sflag:s13] =	ssyncset.done $0x0  }
0x23: {  	s31 =	sadd.s32 $0x0, s6;
	[sflag:s13] =	ssyncadd.s32 $0xFFFFC000  }
0x24: {  	[hbm4b:s31+s2] =	stream.linear.scatter [tilespmem:s9], [sflag:$0x2], $0x10000, $0x38;
	[tilespmem:$0x1D000] =	vst v63  }
0x25: {  	s18 =	simm.s32 $0x4000;
	_ =	swait.ge [sflag:s14], $0x10000  }
0x26: {  	s17 =	simm.s32 $0x380;
	s16 =	simm.s32 $0x2000;
	[sflag:s14] =	ssyncset.done $0x0  }
.LBB2_2:
0x27: {  	p0 =	sne.s32 s18, $0xCE000;
	s19 =	sadd.s32 $0xFFFFFE80, s17;
	[sflag:s14] =	ssyncadd.s32 $0xFFFF0000  }
0x28: {  	[tilespmem:s9], [sflag:$0x1] =	stream.indirect.gather [hbm4b:s3+s8], $0x80, s19, s8, $0xb8;
	[tilespmem:$0x1D000] =	vst v63  }
0x29: {  	s20 =	smov.u32 s18;
	s18 =	sadd.s32 $0x2000, s18;
	s19 =	sadd.s32 $0xFFFFFF00, s17  }
0x2a: {  	[tilespmem:s10], [sflag:$0x1] =	stream.indirect.gather [hbm4b:s3+s8], $0x80, s19, s8, $0xb8;
	[tilespmem:$0x1D000] =	vst v63  }
0x2b: {  	s19 =	sadd.s32 $0xFFFFFF80, s17  }
0x2c: {  	[tilespmem:s11], [sflag:$0x1] =	stream.indirect.gather [hbm4b:s3+s8], $0x80, s19, s8, $0xb8;
	[tilespmem:$0x1D000] =	vst v63  }
0x2d: {  	_ = 	snop  }
0x2e: {  	[tilespmem:s12], [sflag:$0x1] =	stream.indirect.gather [hbm4b:s3+s8], $0x80, s17, s8, $0xb8;
	[tilespmem:$0x1D000] =	vst v63  }
0x2f: {  	_ =	swait.ge [sflag:s13], $0x4000  }
0x30: {  	[sflag:s13] =	ssyncset.done $0x0  }
0x31: {  	[sflag:s13] =	ssyncadd.s32 $0xFFFFC000  }
0x32: {  	_ =	swait.ge [sflag:s13], $0x4000  }
0x33: {  	[sflag:s13] =	ssyncset.done $0x0  }
0x34: {  	[sflag:s13] =	ssyncadd.s32 $0xFFFFC000  }
0x35: {  	_ =	swait.ge [sflag:s13], $0x4000  }
0x36: {  	[sflag:s13] =	ssyncset.done $0x0  }
0x37: {  	[sflag:s13] =	ssyncadd.s32 $0xFFFFC000  }
0x38: {  	_ =	swait.ge [sflag:s13], $0x4000  }
.Ltmp0:
0x39: {  	[sflag:s13] =	ssyncset.done $0x0;
	(pc) =	sbr.rel @p0 .LBB2_2-.Ltmp0, $4  }
0x3a: {  	s19 =	sadd.s32 s16, s6;
	s16 =	smov.u32 s20;
	[sflag:s13] =	ssyncadd.s32 $0xFFFFC000  }
0x3b: {  	[hbm4b:s19+s2] =	stream.linear.scatter [tilespmem:s9], [sflag:$0x2], $0x10000, $0x38;
	[tilespmem:$0x1D000] =	vst v63  }
0x3c: {  	_ =	swait.ge [sflag:s14], $0x10000  }
0x3d: {  	s17 =	sadd.s32 $0x200, s17;
	[sflag:s14] =	ssyncset.done $0x0  }
0x3e: {  	s18 =	sadd.s32 $0xFFFFFE80, s17;
	[sflag:s14] =	ssyncadd.s32 $0xFFFF0000  }
0x3f: {  	[tilespmem:s9], [sflag:$0x1] =	stream.indirect.gather [hbm4b:s3+s8], $0x80, s18, s8, $0xb8;
	[tilespmem:$0x1D000] =	vst v63  }
0x40: {  	s30 =	sadd.s32 $0xFFFFFF00, s17  }
0x41: {  	[tilespmem:s10], [sflag:$0x1] =	stream.indirect.gather [hbm4b:s3+s8], $0x80, s30, s8, $0xb8;
	[tilespmem:$0x1D000] =	vst v63  }
0x42: {  	s31 =	sadd.s32 $0xFFFFFF80, s17  }
0x43: {  	[tilespmem:s11], [sflag:$0x1] =	stream.indirect.gather [hbm4b:s3+s8], $0x80, s31, s8, $0xb8;
	[tilespmem:$0x1D000] =	vst v63  }
0x44: {  	_ = 	snop  }
0x45: {  	[tilespmem:s12], [sflag:$0x1] =	stream.indirect.gather [hbm4b:s3+s8], $0x80, s17, s8, $0xb8;
	[tilespmem:$0x1D000] =	vst v63  }
0x46: {  	_ =	swait.ge [sflag:s13], $0x4000  }
0x47: {  	[sflag:s13] =	ssyncset.done $0x0  }
0x48: {  	[sflag:s13] =	ssyncadd.s32 $0xFFFFC000  }
0x49: {  	_ =	swait.ge [sflag:s13], $0x4000  }
0x4a: {  	[sflag:s13] =	ssyncset.done $0x0  }
0x4b: {  	[sflag:s13] =	ssyncadd.s32 $0xFFFFC000  }
0x4c: {  	_ =	swait.ge [sflag:s13], $0x4000  }
0x4d: {  	[sflag:s13] =	ssyncset.done $0x0  }
0x4e: {  	[sflag:s13] =	ssyncadd.s32 $0xFFFFC000  }
0x4f: {  	s15 =	sadd.s32 $0x1, s15;
	_ =	swait.ge [sflag:s13], $0x4000  }
0x50: {  	p0 =	sne.s32 s15, s5;
	[sflag:s13] =	ssyncset.done $0x0  }
.Ltmp1:
0x51: {  	s16 =	sadd.s32 s16, s6;
	[sflag:s13] =	ssyncadd.s32 $0xFFFFC000;
	(pc) =	sbr.rel @p0 .LBB2_1-.Ltmp1, $4  }
0x52: {  	[hbm4b:s16+s2] =	stream.linear.scatter [tilespmem:s9], [sflag:$0x2], $0x10000, $0x38;
	[tilespmem:$0x1D000] =	vst v63  }
0x53: {  	_ =	swait.ge [sflag:s14], $0x10000  }
0x54: {  	[sflag:s14] =	ssyncset.done $0x0  }
0x55: {  	[sflag:s14] =	ssyncadd.s32 $0xFFFF0000  }
0x56: {  	_ =	sfence.sel $0x180000  }
0x57: {  	[bflag:$0x0] =	sbarrier.arrive $0xFFFF  }
0x58: {  	p0 =	sne.s32 s1, $0x0;
	_ =	strace $0x9000004A  }
0x59: {  	s0 =	sadd.s32 @!p0 $0x100000, s0;
	[bflag:$0x2] =	sbarrier.arrive $0xFFFF  }
0x5a: {  	[sflag:s0] =	ssyncadd.tile.s32 @!p0 $0x1;
	_ =	shalt  }
.Lfunc_end2:
_tile_overlayer_lowered:
.L_overlay_start_2:
0x5b: {  	(tag) =	ssettag $0x2  }
0x5c: {  	s0 =	rddreg [dreg:$0x0];
	s2 =	stileid.u32  }
0x5d: {  	s1 =	rddreg [dreg:$0x1];
	p0 =	sne.s32 s2, $0x0  }
0x5e: {  	s3 =	rddreg [dreg:$0x2];
	[bflag:$0x3] =	sbarrier.arrive $0xFFFF;
	s2 =	simm.s32 @!p0 $0x1C03  }
0x5f: {  	[timem:s3], [sflag:s2] =	dma.local @!p0 [hbm:s0], s1  }
0x60: {  	s0 =	simm.s32 @!p0 $0x3  }
0x61: {  	_ =	swait.ge @!p0 [sflag:s0], s1  }
0x62: {  	s1 =	ssub.s32 @!p0 $0x0, s1;
	[sflag:s0] =	ssyncset.done @!p0 $0x0  }
0x63: {  	[sflag:s0] =	ssyncadd.s32 @!p0 s1  }
0x64: {  	[bflag:$0x3] =	sbarrier.arrive $0xFFFF  }
0x65: {  	_ =	shalt  }

// kernel: kernel.18.cloned.1.call-start
scs
__scs_entry_jumppad:
0x0: {  	(pc) =	sbr.rel $0x88, $3  }
0x1: {  	(tag) =	ssettag $0x0;
	lr =	simm.s32 $0x1  }
0x2: {  	[smem:$0x3F8C] =	sst lr;
	_ =	strace $0xD0000000  }
0x3: {  	_ = 	snop  }
0x4: {  	_ = 	snop  }
0x5: {  	_ = 	snop  }
0x6: {  	_ = 	snop  }
0x7: {  	_ = 	snop  }
__scs_overlays_trampoline_lowered:
0x8: {  	[smem:$0x3F9B] =	sst s0  }
0x9: {  	[smem:$0x3F9C] =	sst s1  }
0xa: {  	[smem:$0x3F9D] =	sst s2  }
0xb: {  	[smem:$0x3F9E] =	sst s3  }
0xc: {  	[smem:$0x3F9F] =	sst s4  }
0xd: {  	[smem:$0x3FA0] =	sst s5  }
0xe: {  	[smem:$0x3FA1] =	sst s6  }
0xf: {  	[smem:$0x3FA2] =	sst s7  }
0x10: {  	[smem:$0x3FA3] =	sst s8  }
0x11: {  	[smem:$0x3FA4] =	sst s9;
	s0 =	simm.s32 @!p0 $0x0  }
0x12: {  	s1 =	sld [smem:$0x3F8A];
	s0 =	simm.s32 @p0 $0x1  }
0x13: {  	[smem:$0x3FA5] =	sst s0;
	s0 =	simm.s32 @!p1 $0x0  }
0x14: {  	s2 =	sld [smem:$0x3F89];
	s0 =	simm.s32 @p1 $0x1  }
0x15: {  	[smem:$0x3FA6] =	sst s0;
	s0 =	simm.s32 @!p2 $0x0  }
0x16: {  	s3 =	sld [smem:$0x3FDB];
	s0 =	simm.s32 @p2 $0x1  }
0x17: {  	s4 =	simm.s32 $0x1BF5;
	[smem:$0x3FA8] =	sst s0  }
0x18: {  	s0 =	sld [smem:$0x3F8B];
	_ =	swait.ge [sflag:s4], $0x0  }
0x19: {  	s7 =	sld [smem:$0x3F8C]  }
0x1a: {  	s8 =	sadd.s32 $0xFFFFE003, lr  }
0x1b: {  	s9 =	sadd.s32 $0xFFFFFEF7, lr;
	s5 =	simm.s32 $0xFFFFFFFF;
	p2 =	slt.u32 s8, $0xFFFFF086  }
0x1c: {  	p1 =	slt.u32 s9, $0xF7A;
	s5 =	simm.s32 @!p2 $0x0  }
0x1d: {  	s5 =	simm.s32 @p1 $0x1;
	p0 =	seq.s32 s7, s2  }
0x1e: {  	s7 =	smul.u32 @!p0 $0xF7A, s2;
	p2 =	seq.s32 @!p0 s5, $0x0  }
0x1f: {  	s9 =	smul.u32 $0xF7A, s1;
	s8 =	simm.s32 @!p0 $0x1BF5;
	p2 =	por !p2, p0  }
0x20: {  	[sflag:s8] =	ssyncset.s32 @!p0 $0xFFFFF086;
	s6 =	sadd.s32 @!p0 s3, s7;
	s7 =	simm.s32 @!p0 $0x108  }
0x21: {  	s3 =	sadd.s32 s3, s9;
	s6 =	sadd.s32 @!p0 $0x88, s6;
	s7 =	simm.s32 @p2 $0x1082  }
0x22: {  	[simem:s7], [sflag:s8] =	dma.local @!p0 [hbm:s6], $0xF7A  }
0x23: {  	s9 =	sor.u32 $0xD0000000, s2;
	s6 =	simm.s32 $0x108;
	_ =	swait.ge @!p0 [sflag:s8], $0x0  }
0x24: {  	s3 =	sadd.s32 $0x88, s3;
	s6 =	simm.s32 @!p1 $0x1082;
	[sflag:s4] =	ssyncset.s32 $0xFFFFF086  }
0x25: {  	[simem:s6], [sflag:s4] =	dma.local [hbm:s3], $0xF7A  }
0x26: {  	[smem:$0x3F8C] =	sst s1;
	(tag) =	ssettag s2;
	_ =	strace s9  }
0x27: {  	s1 =	sld [smem:$0x3F9C]  }
0x28: {  	s2 =	sld [smem:$0x3F9D]  }
0x29: {  	s4 =	sld [smem:$0x3F9F]  }
0x2a: {  	p0 =	seq.s32 s5, $0x0;
	s5 =	sld [smem:$0x3FA0]  }
0x2b: {  	s6 =	sld [smem:$0x3FA1]  }
0x2c: {  	s7 =	sld [smem:$0x3FA2]  }
0x2d: {  	s3 =	simm.s32 $0x108;
	s8 =	sld [smem:$0x3FA3]  }
0x2e: {  	s3 =	simm.s32 @!p0 $0x1082;
	s9 =	sld [smem:$0x3FA4]  }
0x2f: {  	lr =	sadd.s32 s0, s3;
	s0 =	sld [smem:$0x3F9B]  }
0x30: {  	s3 =	sld [smem:$0x3F9E]  }
0x31: {  	[smem:$0x3FA7] =	sst s10  }
0x32: {  	s10 =	sld [smem:$0x3FA5];
	_ =	sdelay $0x3  }
0x33: {  	p0 =	seq.s32 s10, $0x1;
	s10 =	sld [smem:$0x3FA7];
	_ =	sdelay $0x3  }
0x34: {  	[smem:$0x3FA7] =	sst s10  }
0x35: {  	s10 =	sld [smem:$0x3FA6];
	_ =	sdelay $0x3  }
0x36: {  	p1 =	seq.s32 s10, $0x1;
	s10 =	sld [smem:$0x3FA7];
	_ =	sdelay $0x3  }
0x37: {  	[smem:$0x3FA7] =	sst s10  }
0x38: {  	s10 =	sld [smem:$0x3FA8]  }
0x39: {  	_ = 	snop;
	(pc) =	sbr.ind lr, $3  }
0x3a: {  	_ = 	snop  }
0x3b: {  	_ = 	snop  }
0x3c: {  	p2 =	seq.s32 s10, $0x1;
	s10 =	sld [smem:$0x3FA7]  }
0x3d: {  	_ =	shalt  }
0x3e: {  	_ =	shalt  }
0x3f: {  	_ =	shalt  }
0x40: {  	_ =	shalt  }
0x41: {  	_ =	shalt  }
0x42: {  	_ =	shalt  }
0x43: {  	_ =	shalt  }
0x44: {  	_ =	shalt  }
0x45: {  	_ =	shalt  }
0x46: {  	_ =	shalt  }
0x47: {  	_ =	shalt  }
0x48: {  	_ =	shalt  }
0x49: {  	_ =	shalt  }
0x4a: {  	_ =	shalt  }
0x4b: {  	_ =	shalt  }
0x4c: {  	_ =	shalt  }
0x4d: {  	_ =	shalt  }
0x4e: {  	_ =	shalt  }
0x4f: {  	_ =	shalt  }
0x50: {  	_ =	shalt  }
0x51: {  	_ =	shalt  }
0x52: {  	_ =	shalt  }
0x53: {  	_ =	shalt  }
0x54: {  	_ =	shalt  }
0x55: {  	_ =	shalt  }
0x56: {  	_ =	shalt  }
0x57: {  	_ =	shalt  }
0x58: {  	_ =	shalt  }
0x59: {  	_ =	shalt  }
0x5a: {  	_ =	shalt  }
0x5b: {  	_ =	shalt  }
0x5c: {  	_ =	shalt  }
0x5d: {  	_ =	shalt  }
0x5e: {  	_ =	shalt  }
0x5f: {  	_ =	shalt  }
0x60: {  	_ =	shalt  }
0x61: {  	_ =	shalt  }
0x62: {  	_ =	shalt  }
0x63: {  	_ =	shalt  }
0x64: {  	_ =	shalt  }
0x65: {  	_ =	shalt  }
0x66: {  	_ =	shalt  }
0x67: {  	_ =	shalt  }
0x68: {  	_ =	shalt  }
0x69: {  	_ =	shalt  }
0x6a: {  	_ =	shalt  }
0x6b: {  	_ =	shalt  }
0x6c: {  	_ =	shalt  }
0x6d: {  	_ =	shalt  }
0x6e: {  	_ =	shalt  }
0x6f: {  	_ =	shalt  }
0x70: {  	_ =	shalt  }
0x71: {  	_ =	shalt  }
0x72: {  	_ =	shalt  }
0x73: {  	_ =	shalt  }
0x74: {  	_ =	shalt  }
0x75: {  	_ =	shalt  }
0x76: {  	_ =	shalt  }
0x77: {  	_ =	shalt  }
0x78: {  	_ =	shalt  }
0x79: {  	_ =	shalt  }
0x7a: {  	_ =	shalt  }
0x7b: {  	_ =	shalt  }
0x7c: {  	_ =	shalt  }
0x7d: {  	_ =	shalt  }
0x7e: {  	_ =	shalt  }
0x7f: {  	_ =	shalt  }
0x80: {  	_ =	shalt  }
0x81: {  	_ =	shalt  }
0x82: {  	_ =	shalt  }
0x83: {  	_ =	shalt  }
0x84: {  	_ =	shalt  }
0x85: {  	_ =	shalt  }
0x86: {  	_ =	shalt  }
0x87: {  	_ =	shalt  }
.Lfunc_end0:
.L_simem_size_0:
called_computation.2_lowered:
.L_overlay_start_0:
0x88: {  	s2 =	sld [smem:$0x3FD9]  }
0x89: {  	s3 =	sld [smem:$0x3FFE];
	_ =	sdelay $0x1  }
0x8a: {  	s1 =	srdreg.scid  }
0x8b: {  	s0 =	sand.u32 $0x1, s1  }
0x8c: {  	s16 =	sshll.u32 s0, $0xA;
	s2 =	sadd.s32 s3, s2  }
0x8d: {  	s2 =	sadd.s32 s2, s16  }
0x8e: {  	[smem:$0x3FB3] =	sst s2  }
0x8f: {  	_ = 	snop  }
0x90: {  	(tm) =	ssettm $0x1  }
0x91: {  	s17 =	sld [smem:$0x3FFB];
	_ =	sdelay $0x3  }
0x92: {  	_ =	strace s17  }
0x93: {  	s2 =	sld [smem:$0x3FFC];
	_ =	sdelay $0x3  }
0x94: {  	_ =	strace s2  }
0x95: {  	s2 =	sld [smem:$0x3FFD];
	_ =	sdelay $0x3  }
0x96: {  	_ =	strace s2  }
0x97: {  	_ =	strace $0x8FFFFFFF  }
0x98: {  	s18 =	sld [smem:$0x3FDB];
	_ =	sdelay $0x1  }
0x99: {  	s19 =	simm.s32 $_scs_section_size  }
0x9a: {  	s4 =	simm.s32 $_size__tile_overlayer_lowered;
	s5 =	simm.s32 $_tile_overlayer_lowered  }
0x9b: {  	s22 =	simm.s32 $0x1BFF;
	s21 =	sshll.u32 s5, $0x1;
	s2 =	sadd.s32 s19, s18  }
0x9c: {  	s6 =	simm.s32 $0x0;
	s20 =	sshll.u32 s4, $0x1;
	s4 =	sadd.s32 s21, s2  }
0x9d: {  	[timem:s6], [sflag:s22] =	dma.local [hbm:s4], s20  }
0x9e: {  	_ =	swait.ge [sflag:s22], s20  }
0x9f: {  	s3 =	ssub.s32 $0x0, s20;
	[sflag:s22] =	ssyncset.done $0x0  }
0xa0: {  	[sflag:s22] =	ssyncadd.s32 s3;
	_ =	sdelay $0x1  }
0xa1: {  	s23 =	simm.s32 $0x1B8B  }
0xa2: {  	_ =	swait.ge [sflag:s23], $0x1  }
0xa3: {  	[sflag:s23] =	ssyncset.done $0x0  }
0xa4: {  	s25 =	simm.s32 $0x1B8E;
	s24 =	sld [smem:$0x3FFE];
	[sflag:s23] =	ssyncadd.s32 $0xFFFFFFFF  }
0xa5: {  	s26 =	simm.s32 $execute0_lowered;
	[smem:$0x3FD2] =	sst s25  }
0xa6: {  	s4 =	sshll.u32 s26, $0x1;
	_ =	strace $0x8000004C;
	[dreg:$0x1] =	wrdreg $0xFFFFFFFF  }
0xa7: {  	s28 =	simm.s32 $_size_execute0_lowered;
	s2 =	sadd.s32 s2, s4;
	[dreg:$0x0] =	wrdreg $0x0  }
0xa8: {  	s4 =	sshll.u32 s28, $0x1;
	[dreg:$0x2] =	wrdreg s2  }
0xa9: {  	[dreg:$0x3] =	wrdreg s4  }
0xaa: {  	[dreg:$0x4] =	wrdreg $0xC0  }
0xab: {  	_ =	task [dreg:s6], $0x5FFFF  }
0xac: {  	[dreg:$0x1] =	wrdreg $0xFFFFFFFF  }
0xad: {  	[dreg:$0x0] =	wrdreg $0x60  }
0xae: {  	[dreg:$0x2] =	wrdreg s24  }
0xaf: {  	[dreg:$0x3] =	wrdreg $0x9  }
0xb0: {  	_ =	task.clear_ibuf [dreg:s6], $0x4FFFF;
	_ =	strace $0x9000004C  }
0xb1: {  	s29 =	simm.s32 $0x9;
	_ =	strace $0x8000004E  }
0xb2: {  	_ =	swait.ge [sflag:s29], $0x1  }
0xb3: {  	[sflag:s29] =	ssyncadd.s32 $0xFFFFFFFF  }
0xb4: {  	_ =	strace $0x9000004E  }
0xb5: {  	_ =	sfence  }
0xb6: {  	s30 =	sld [smem:$0x0];
	_ =	sdelay $0x2  }
0xb7: {  	s31 =	sshll.u32 s1, $0xD;
	s1 =	sshrl.u32 s1, $0x2  }
0xb8: {  	s3 =	sand.u32 $0x4000, s31;
	s1 =	sadd.s32 s1, s30  }
0xb9: {  	s0 =	sor.u32 s3, s0;
	s1 =	sshll.u32 s1, $0x11  }
0xba: {  	s0 =	sor.u32 s1, s0  }
0xbb: {  	s0 =	sadd.s32 $0x8F2B, s0  }
0xbc: {  	[sflag:s0] =	ssyncadd.remote.s32 $0x1  }
0xbd: {  	_ =	sfence.sel $0xFFFF  }
0xbe: {  	[dreg:$0x0] =	wrdreg $0xFFFFFFFF;
	(pc) =	sbr.abs _section_cstart, $3  }
0xbf: {  	[dreg:$0x1] =	wrdreg $0xFFFFFFFF  }
0xc0: {  	_ =	task.clear_ibuf [dreg:s6], $0x2FFFF;
	_ =	strace $0x9FFFFFFF  }
0xc1: {  	(tm) =	ssettm $0x7FFFFFFF  }
tec
execute0_lowered:
.L_overlay_start_1:
0x0: {  	(tag) =	ssettag $0x1  }
0x1: {  	s4 =	rddreg [dreg:$0x0]  }
0x2: {  	s0 =	rddreg [dreg:$0x1];
	s3 =	srdreg.scid  }
0x3: {  	s1 =	stileid.u32;
	s2 =	simm.s32 $0x0;
	s10 =	simm.s32 $0x11000  }
0x4: {  	s11 =	simm.s32 $0x15000;
	s12 =	simm.s32 $0x19000;
	s13 =	simm.s32 $0x1  }
0x5: {  	s14 =	simm.s32 $0x2;
	s15 =	simm.s32 $0x0;
	s3 =	sand.u32 $0x1, s3  }
0x6: {  	s5 =	smul.u32 $0xD00000, s1;
	[smem:$0x7FF] =	sst s2;
	s6 =	sshll.u32 s1, $0x1  }
0x7: {  	s7 =	smul.u32 $0x680000, s3;
	s6 =	sor.u32 s3, s6;
	s30 =	ssub.s32 $0x2, s3  }
0x8: {  	_ =	strace $0x8000004D;
	s6 =	smul.u32 $0x1A00, s6;
	s8 =	sshrl.u32 s30, $0x1  }
0x9: {  	s3 =	sadd.s32 $0x225A00, s4;
	s5 =	sadd.s32 s7, s5;
	s31 =	ssub.s32 s30, s8  }
0xa: {  	s7 =	simm.s32 $0x3;
	s5 =	sshrl.u32 s5, $0x3;
	s6 =	sadd.s32 s6, s4  }
0xb: {  	s8 =	simm.s32 $0x80;
	s9 =	sadd.s32 s5, s4;
	s4 =	sadd.s32 $0x6B000, s6  }
0xc: {  	s5 =	smax.u32 s31, $0x1;
	s6 =	sadd.s32 $0x3AC400, s9;
	s9 =	simm.s32 $0xD000  }
.LBB2_1:
0xd: {  	[tilespmem:s2], [sflag:$0x3] =	stream.linear.gather [hbm4b:s4+s2], $0xD000, $0x38;
	[tilespmem:$0x1D000] =	vst v63  }
0xe: {  	_ =	swait.ge [sflag:s7], $0xD000  }
0xf: {  	[sflag:s7] =	ssyncset.done $0x0  }
0x10: {  	s16 =	simm.s32 $0x0;
	[sflag:s7] =	ssyncadd.s32 $0xFFFF3000  }
0x11: {  	[tilespmem:s9], [sflag:$0x1] =	stream.indirect.gather [hbm4b:s3+s8], $0x80, s16, s8, $0xb8;
	[tilespmem:$0x1D000] =	vst v63  }
0x12: {  	s28 =	simm.s32 $0x80  }
0x13: {  	[tilespmem:s10], [sflag:$0x1] =	stream.indirect.gather [hbm4b:s3+s8], $0x80, s28, s8, $0xb8;
	[tilespmem:$0x1D000] =	vst v63  }
0x14: {  	s29 =	simm.s32 $0x100  }
0x15: {  	[tilespmem:s11], [sflag:$0x1] =	stream.indirect.gather [hbm4b:s3+s8], $0x80, s29, s8, $0xb8;
	[tilespmem:$0x1D000] =	vst v63  }
0x16: {  	s30 =	simm.s32 $0x180  }
0x17: {  	[tilespmem:s12], [sflag:$0x1] =	stream.indirect.gather [hbm4b:s3+s8], $0x80, s30, s8, $0xb8;
	[tilespmem:$0x1D000] =	vst v63  }
0x18: {  	_ =	swait.ge [sflag:s13], $0x4000  }
0x19: {  	[sflag:s13] =	ssyncset.done $0x0  }
0x1a: {  	[sflag:s13] =	ssyncadd.s32 $0xFFFFC000  }
0x1b: {  	_ =	swait.ge [sflag:s13], $0x4000  }
0x1c: {  	[sflag:s13] =	ssyncset.done $0x0  }
0x1d: {  	[sflag:s13] =	ssyncadd.s32 $0xFFFFC000  }
0x1e: {  	_ =	swait.ge [sflag:s13], $0x4000  }
0x1f: {  	[sflag:s13] =	ssyncset.done $0x0  }
0x20: {  	[sflag:s13] =	ssyncadd.s32 $0xFFFFC000  }
0x21: {  	_ =	swait.ge [sflag:s13], $0x4000  }
0x22: {  	[sflag:s13] =	ssyncset.done $0x0  }
0x23: {  	s31 =	sadd.s32 $0x0, s6;
	[sflag:s13] =	ssyncadd.s32 $0xFFFFC000  }
0x24: {  	[hbm4b:s31+s2] =	stream.linear.scatter [tilespmem:s9], [sflag:$0x2], $0x10000, $0x38;
	[tilespmem:$0x1D000] =	vst v63  }
0x25: {  	s18 =	simm.s32 $0x4000;
	_ =	swait.ge [sflag:s14], $0x10000  }
0x26: {  	s17 =	simm.s32 $0x380;
	s16 =	simm.s32 $0x2000;
	[sflag:s14] =	ssyncset.done $0x0  }
.LBB2_2:
0x27: {  	p0 =	sne.s32 s18, $0xCE000;
	s19 =	sadd.s32 $0xFFFFFE80, s17;
	[sflag:s14] =	ssyncadd.s32 $0xFFFF0000  }
0x28: {  	[tilespmem:s9], [sflag:$0x1] =	stream.indirect.gather [hbm4b:s3+s8], $0x80, s19, s8, $0xb8;
	[tilespmem:$0x1D000] =	vst v63  }
0x29: {  	s20 =	smov.u32 s18;
	s18 =	sadd.s32 $0x2000, s18;
	s19 =	sadd.s32 $0xFFFFFF00, s17  }
0x2a: {  	[tilespmem:s10], [sflag:$0x1] =	stream.indirect.gather [hbm4b:s3+s8], $0x80, s19, s8, $0xb8;
	[tilespmem:$0x1D000] =	vst v63  }
0x2b: {  	s19 =	sadd.s32 $0xFFFFFF80, s17  }
0x2c: {  	[tilespmem:s11], [sflag:$0x1] =	stream.indirect.gather [hbm4b:s3+s8], $0x80, s19, s8, $0xb8;
	[tilespmem:$0x1D000] =	vst v63  }
0x2d: {  	_ = 	snop  }
0x2e: {  	[tilespmem:s12], [sflag:$0x1] =	stream.indirect.gather [hbm4b:s3+s8], $0x80, s17, s8, $0xb8;
	[tilespmem:$0x1D000] =	vst v63  }
0x2f: {  	_ =	swait.ge [sflag:s13], $0x4000  }
0x30: {  	[sflag:s13] =	ssyncset.done $0x0  }
0x31: {  	[sflag:s13] =	ssyncadd.s32 $0xFFFFC000  }
0x32: {  	_ =	swait.ge [sflag:s13], $0x4000  }
0x33: {  	[sflag:s13] =	ssyncset.done $0x0  }
0x34: {  	[sflag:s13] =	ssyncadd.s32 $0xFFFFC000  }
0x35: {  	_ =	swait.ge [sflag:s13], $0x4000  }
0x36: {  	[sflag:s13] =	ssyncset.done $0x0  }
0x37: {  	[sflag:s13] =	ssyncadd.s32 $0xFFFFC000  }
0x38: {  	_ =	swait.ge [sflag:s13], $0x4000  }
.Ltmp0:
0x39: {  	[sflag:s13] =	ssyncset.done $0x0;
	(pc) =	sbr.rel @p0 .LBB2_2-.Ltmp0, $4  }
0x3a: {  	s19 =	sadd.s32 s16, s6;
	s16 =	smov.u32 s20;
	[sflag:s13] =	ssyncadd.s32 $0xFFFFC000  }
0x3b: {  	[hbm4b:s19+s2] =	stream.linear.scatter [tilespmem:s9], [sflag:$0x2], $0x10000, $0x38;
	[tilespmem:$0x1D000] =	vst v63  }
0x3c: {  	_ =	swait.ge [sflag:s14], $0x10000  }
0x3d: {  	s17 =	sadd.s32 $0x200, s17;
	[sflag:s14] =	ssyncset.done $0x0  }
0x3e: {  	s18 =	sadd.s32 $0xFFFFFE80, s17;
	[sflag:s14] =	ssyncadd.s32 $0xFFFF0000  }
0x3f: {  	[tilespmem:s9], [sflag:$0x1] =	stream.indirect.gather [hbm4b:s3+s8], $0x80, s18, s8, $0xb8;
	[tilespmem:$0x1D000] =	vst v63  }
0x40: {  	s30 =	sadd.s32 $0xFFFFFF00, s17  }
0x41: {  	[tilespmem:s10], [sflag:$0x1] =	stream.indirect.gather [hbm4b:s3+s8], $0x80, s30, s8, $0xb8;
	[tilespmem:$0x1D000] =	vst v63  }
0x42: {  	s31 =	sadd.s32 $0xFFFFFF80, s17  }
0x43: {  	[tilespmem:s11], [sflag:$0x1] =	stream.indirect.gather [hbm4b:s3+s8], $0x80, s31, s8, $0xb8;
	[tilespmem:$0x1D000] =	vst v63  }
0x44: {  	_ = 	snop  }
0x45: {  	[tilespmem:s12], [sflag:$0x1] =	stream.indirect.gather [hbm4b:s3+s8], $0x80, s17, s8, $0xb8;
	[tilespmem:$0x1D000] =	vst v63  }
0x46: {  	_ =	swait.ge [sflag:s13], $0x4000  }
0x47: {  	[sflag:s13] =	ssyncset.done $0x0  }
0x48: {  	[sflag:s13] =	ssyncadd.s32 $0xFFFFC000  }
0x49: {  	_ =	swait.ge [sflag:s13], $0x4000  }
0x4a: {  	[sflag:s13] =	ssyncset.done $0x0  }
0x4b: {  	[sflag:s13] =	ssyncadd.s32 $0xFFFFC000  }
0x4c: {  	_ =	swait.ge [sflag:s13], $0x4000  }
0x4d: {  	[sflag:s13] =	ssyncset.done $0x0  }
0x4e: {  	[sflag:s13] =	ssyncadd.s32 $0xFFFFC000  }
0x4f: {  	s15 =	sadd.s32 $0x1, s15;
	_ =	swait.ge [sflag:s13], $0x4000  }
0x50: {  	p0 =	sne.s32 s15, s5;
	[sflag:s13] =	ssyncset.done $0x0  }
.Ltmp1:
0x51: {  	s16 =	sadd.s32 s16, s6;
	[sflag:s13] =	ssyncadd.s32 $0xFFFFC000;
	(pc) =	sbr.rel @p0 .LBB2_1-.Ltmp1, $4  }
0x52: {  	[hbm4b:s16+s2] =	stream.linear.scatter [tilespmem:s9], [sflag:$0x2], $0x10000, $0x38;
	[tilespmem:$0x1D000] =	vst v63  }
0x53: {  	_ =	swait.ge [sflag:s14], $0x10000  }
0x54: {  	[sflag:s14] =	ssyncset.done $0x0  }
0x55: {  	[sflag:s14] =	ssyncadd.s32 $0xFFFF0000  }
0x56: {  	_ =	sfence.sel $0x180000  }
0x57: {  	[bflag:$0x0] =	sbarrier.arrive $0xFFFF  }
0x58: {  	p0 =	sne.s32 s1, $0x0;
	_ =	strace $0x9000004D  }
0x59: {  	s0 =	sadd.s32 @!p0 $0x100000, s0;
	[bflag:$0x2] =	sbarrier.arrive $0xFFFF  }
0x5a: {  	[sflag:s0] =	ssyncadd.tile.s32 @!p0 $0x1;
	_ =	shalt  }
.Lfunc_end2:
_tile_overlayer_lowered:
.L_overlay_start_2:
0x5b: {  	(tag) =	ssettag $0x2  }
0x5c: {  	s0 =	rddreg [dreg:$0x0];
	s2 =	stileid.u32  }
0x5d: {  	s1 =	rddreg [dreg:$0x1];
	p0 =	sne.s32 s2, $0x0  }
0x5e: {  	s3 =	rddreg [dreg:$0x2];
	[bflag:$0x3] =	sbarrier.arrive $0xFFFF;
	s2 =	simm.s32 @!p0 $0x1C03  }
0x5f: {  	[timem:s3], [sflag:s2] =	dma.local @!p0 [hbm:s0], s1  }
0x60: {  	s0 =	simm.s32 @!p0 $0x3  }
0x61: {  	_ =	swait.ge @!p0 [sflag:s0], s1  }
0x62: {  	s1 =	ssub.s32 @!p0 $0x0, s1;
	[sflag:s0] =	ssyncset.done @!p0 $0x0  }
0x63: {  	[sflag:s0] =	ssyncadd.s32 @!p0 s1  }
0x64: {  	[bflag:$0x3] =	sbarrier.arrive $0xFFFF  }
0x65: {  	_ =	shalt  }

</sc_bundles>
